<compile_context>
chip_gen: v7x
topology: tpu7x:2x2x1
jax: 0.10.2.dev20260603
libtpu: 0.0.44.dev20260713+nightly
codegen_flags: <defaults>
</compile_context>

<pallas_src>
import jax
import jax.numpy as jnp
from jax.experimental import pallas as pl
from jax.experimental.pallas import tpu as pltpu
from jax.experimental.pallas import tpu_sc as plsc

B, N, M = 4, 4096, 4096
FEATURE_DIM = 64
SPATIAL_DIM = 3
WIDTH = 128
K = 16

QTILE = 128
NCHUNK = N // K
MLP_BLK = 4096
TROW = 128
GWIN = 128

_PREC = jax.lax.Precision.HIGHEST
_PREC_MLP = jax.lax.Precision.HIGHEST


def _oddeven_merge_sort_pairs(n):
    pairs = []

    def merge(lo, cnt, r):
        step = r * 2
        if step < cnt:
            merge(lo, cnt, step)
            merge(lo + r, cnt, step)
            for i in range(lo + r, lo + cnt - r, step):
                pairs.append((i, i + r))
        else:
            pairs.append((lo, lo + r))

    def sort(lo, cnt):
        if cnt > 1:
            m = cnt // 2
            sort(lo, m)
            sort(lo + m, m)
            merge(lo, cnt, 1)

    sort(0, n)
    return pairs


_SORT16_PAIRS = _oddeven_merge_sort_pairs(K)


def _topk_kernel(s8_ref, qt8_ref, out_ref):
    s8 = s8_ref[...].reshape(N, 8)
    qt8 = qt8_ref[...].reshape(8, QTILE)
    scoord = s8[:, 0:3]
    s2col = s8[:, 3:4]
    qcoord = qt8[0:3, :]
    q2row = qt8[3:4, :]
    cross = jax.lax.dot_general(
        scoord, qcoord, (((1,), (0,)), ((), ())),
        preferred_element_type=jnp.float32,
        precision=jax.lax.Precision.DEFAULT)
    d2 = jnp.maximum((q2row + s2col) - 2.0 * cross, 0.0)

    bits = jax.lax.bitcast_convert_type(d2, jnp.int32)
    sidx = jax.lax.broadcasted_iota(jnp.int32, (N, QTILE), 0)
    keys = jax.lax.bitwise_or(
        jax.lax.bitwise_and(bits, jnp.int32(~0xFFF)), sidx)

    keys = keys.reshape(K, NCHUNK, QTILE)
    planes = [keys[p] for p in range(K)]

    for (i, j) in _SORT16_PAIRS:
        a, b = planes[i], planes[j]
        planes[i] = jnp.minimum(a, b)
        planes[j] = jnp.maximum(a, b)

    rows = NCHUNK
    while rows > 1:
        half = rows // 2
        merged = [
            jnp.minimum(planes[p][:half], planes[K - 1 - p][half:])
            for p in range(K)
        ]
        for j in (8, 4, 2, 1):
            for p in range(K):
                if (p % (2 * j)) < j:
                    a, b = merged[p], merged[p + j]
                    merged[p] = jnp.minimum(a, b)
                    merged[p + j] = jnp.maximum(a, b)
        planes = merged
        rows = half

    out_ref[...] = jnp.concatenate(planes, axis=0)[None, None]


def _topk_half(s8, qt8_half):
    mh = qt8_half.shape[2]
    ntile = mh // QTILE
    out = pl.pallas_call(
        _topk_kernel,
        grid=(B, ntile),
        in_specs=[
            pl.BlockSpec((1, N, 8), lambda b, t: (b, 0, 0)),
            pl.BlockSpec((1, 8, QTILE), lambda b, t: (b, 0, t)),
        ],
        out_specs=pl.BlockSpec((1, 1, K, QTILE), lambda b, t: (b, t, 0, 0)),
        out_shape=jax.ShapeDtypeStruct((B, ntile, K, QTILE), jnp.int32),
    )(s8, qt8_half)
    keys = jnp.transpose(out, (0, 1, 3, 2)).reshape(B, mh, K)
    nn_idx = jax.lax.bitwise_and(keys, jnp.int32(0xFFF))
    d2q = jax.lax.bitcast_convert_type(
        jax.lax.bitwise_and(keys, jnp.int32(~0xFFF)), jnp.float32)
    return nn_idx, jnp.sqrt(d2q)


def _sc_gather(table, flat_idx):
    num_idx = flat_idx.shape[0]
    idx2 = flat_idx.reshape(1, num_idx)
    mesh = plsc.VectorSubcoreMesh(core_axis_name="core",
                                  subcore_axis_name="subcore")

    @pl.kernel(out_type=jax.ShapeDtypeStruct((num_idx, TROW), jnp.float32),
               mesh=mesh)
    def gather_kernel(t_hbm, i_hbm, o_hbm):
        def body(i_vmem, o_vmem):
            pltpu.sync_copy(t_hbm.at[i_vmem.at[0]], o_vmem)

        pltpu.emit_pipeline(
            body,
            grid=(num_idx // GWIN,),
            in_specs=[pl.BlockSpec((1, GWIN), index_map=lambda i: (0, i))],
            out_specs=[pl.BlockSpec((GWIN, TROW),
                                    index_map=lambda i: (i, 0))],
            core_axis_name=("core", "subcore"),
            dimension_semantics=(pltpu.PARALLEL,),
        )(i_hbm, o_hbm)

    return gather_kernel(table, idx2)


def _gelu(x):
    return 0.5 * x * (1.0 + jax.lax.erf(x * 0.7071067811865476))


def _x3dot(x, Wh_ref, Wl_ref):
    xh = x.astype(jnp.bfloat16)
    xl = (x - xh.astype(jnp.float32)).astype(jnp.bfloat16)
    acc = jax.lax.dot_general(
        xl, Wh_ref[...], (((1,), (0,)), ((), ())),
        preferred_element_type=jnp.float32)
    acc = acc + jax.lax.dot_general(
        xh, Wl_ref[...], (((1,), (0,)), ((), ())),
        preferred_element_type=jnp.float32)
    return acc + jax.lax.dot_general(
        xh, Wh_ref[...], (((1,), (0,)), ((), ())),
        preferred_element_type=jnp.float32)


def _mlp_kernel(g_ref, aux_ref, Wgh_ref, Wgl_ref, Waux_ref, b1_ref,
                W2h_ref, W2l_ref, b2_ref, W3h_ref, W3l_ref, b3_ref,
                num_ref, den_ref):
    g = g_ref[...]
    aux = aux_ref[...]
    w = aux[:, 4:5]
    h = (_x3dot(g, Wgh_ref, Wgl_ref)
         + jnp.dot(aux, Waux_ref[...], precision=_PREC)
         + b1_ref[...])
    h = _gelu(h)
    h = _gelu(_x3dot(h, W2h_ref, W2l_ref) + b2_ref[...])
    v = _x3dot(h, W3h_ref, W3l_ref) + b3_ref[...]
    wv = v * w
    nq = MLP_BLK // K
    num_ref[...] = jnp.sum(wv.reshape(nq, K, WIDTH), axis=1)
    den_ref[...] = jnp.sum(w.reshape(nq, K), axis=1, keepdims=True)


def _mlp_half(g, aux, Wgh, Wgl, Waux, b1, W2h, W2l, b2, W3h, W3l, b3):
    rows = g.shape[0]
    grid = (rows // MLP_BLK,)
    num, den = pl.pallas_call(
        _mlp_kernel,
        grid=grid,
        in_specs=[
            pl.BlockSpec((MLP_BLK, TROW), lambda i: (i, 0)),
            pl.BlockSpec((MLP_BLK, 8), lambda i: (i, 0)),
            pl.BlockSpec((TROW, WIDTH), lambda i: (0, 0)),
            pl.BlockSpec((TROW, WIDTH), lambda i: (0, 0)),
            pl.BlockSpec((8, WIDTH), lambda i: (0, 0)),
            pl.BlockSpec((1, WIDTH), lambda i: (0, 0)),
            pl.BlockSpec((WIDTH, WIDTH), lambda i: (0, 0)),
            pl.BlockSpec((WIDTH, WIDTH), lambda i: (0, 0)),
            pl.BlockSpec((1, WIDTH), lambda i: (0, 0)),
            pl.BlockSpec((WIDTH, WIDTH), lambda i: (0, 0)),
            pl.BlockSpec((WIDTH, WIDTH), lambda i: (0, 0)),
            pl.BlockSpec((1, WIDTH), lambda i: (0, 0)),
        ],
        out_specs=[
            pl.BlockSpec((MLP_BLK // K, WIDTH), lambda i: (i, 0)),
            pl.BlockSpec((MLP_BLK // K, 1), lambda i: (i, 0)),
        ],
        out_shape=[
            jax.ShapeDtypeStruct((rows // K, WIDTH), jnp.float32),
            jax.ShapeDtypeStruct((rows // K, 1), jnp.float32),
        ],
    )(g, aux, Wgh, Wgl, Waux, b1, W2h, W2l, b2, W3h, W3l, b3)
    return num / jnp.maximum(den, 1e-6)


def kernel(source_coords, query_coords, source_features, W1, b1, W2, b2, W3, b3):
    s2 = jnp.sum(source_coords ** 2, axis=-1, keepdims=True)
    q2 = jnp.sum(query_coords ** 2, axis=-1, keepdims=True)
    s8 = jnp.concatenate(
        [source_coords, s2,
         jnp.zeros((B, N, 4), jnp.float32)], axis=-1)
    qt8 = jnp.concatenate(
        [query_coords, q2,
         jnp.zeros((B, M, 4), jnp.float32)], axis=-1).transpose(0, 2, 1)

    MH = M // 2
    idx_d = [_topk_half(s8, qt8[:, :, :MH]), _topk_half(s8, qt8[:, :, MH:])]

    table = jnp.concatenate(
        [source_features, source_coords,
         jnp.zeros((B, N, TROW - FEATURE_DIM - SPATIAL_DIM), jnp.float32)],
        axis=-1).reshape(B * N, TROW)
    boff = (jnp.arange(B, dtype=jnp.int32) * N)[:, None, None]
    gs = [_sc_gather(table, (idx + boff).reshape(B * MH * K))
          for idx, _ in idx_d]

    sigma = jnp.maximum(
        jnp.median(jnp.concatenate(
            [d[..., -1:] for _, d in idx_d], axis=1)), 1e-6)

    qhalves = [query_coords[:, :MH], query_coords[:, MH:]]

    Wg = jnp.concatenate(
        [W1[10:74], W1[3:6] - W1[6:9],
         jnp.zeros((TROW - FEATURE_DIM - 3, WIDTH), jnp.float32)], axis=0)
    Waux = jnp.concatenate(
        [W1[0:3] + W1[6:9], W1[9:10],
         jnp.zeros((4, WIDTH), jnp.float32)], axis=0)

    def _split(Wm):
        hi = Wm.astype(jnp.bfloat16)
        lo = (Wm - hi.astype(jnp.float32)).astype(jnp.bfloat16)
        return hi, lo

    Wgh, Wgl = _split(Wg)
    W2h, W2l = _split(W2)
    W3h, W3l = _split(W3)
    b1r = b1.reshape(1, WIDTH)
    b2r = b2.reshape(1, WIDTH)
    b3r = b3.reshape(1, WIDTH)

    outs = []
    for (nn_idx, nn_dist), g, qh in zip(idx_d, gs, qhalves):
        w = jnp.exp(-nn_dist / sigma)
        qexp = jnp.broadcast_to(qh[:, :, None, :], (B, MH, K, 3))
        aux = jnp.concatenate(
            [qexp, nn_dist[..., None], w[..., None],
             jnp.zeros((B, MH, K, 3), jnp.float32)], axis=-1
        ).reshape(B * MH * K, 8)
        out_h = _mlp_half(g, aux, Wgh, Wgl, Waux, b1r,
                          W2h, W2l, b2r, W3h, W3l, b3r)
        outs.append(out_h.reshape(B, MH, WIDTH))

    return jnp.concatenate(outs, axis=1)

# --- scband reference (transcript-rebuilt; emitter-appended) ---
"""Pipeline reference for scband-local-integral-37915971289740 (READ-ONLY COPY).

The authoritative reference and input builder live on the scoring server;
editing this copy changes nothing except your own understanding.
"""

import jax, jax.numpy as jnp
import numpy as np

B, N, M = 4, 4096, 4096
FEATURE_DIM = 64
SPATIAL_DIM = 3
WIDTH = 128
NEIGHBORS = 16
IN_CH = FEATURE_DIM + 3 * SPATIAL_DIM + 1  # 74


def _linear_init(k, fan_in, fan_out):
    bound = 1.0 / np.sqrt(fan_in)
    kw, kb = jax.random.split(k)
    W = jax.random.uniform(kw, (fan_in, fan_out), minval=-bound, maxval=bound, dtype=jnp.float32)
    b = jax.random.uniform(kb, (fan_out,), minval=-bound, maxval=bound, dtype=jnp.float32)
    return W, b


def setup_inputs(seed: int = 0) -> dict:
    key = jax.random.key(seed)
    ks = jax.random.split(key, 6)
    source_coords = jax.random.uniform(ks[0], (B, N, SPATIAL_DIM), dtype=jnp.float32)
    query_coords = jax.random.uniform(ks[1], (B, M, SPATIAL_DIM), dtype=jnp.float32)
    source_features = jax.random.normal(ks[2], (B, N, FEATURE_DIM), dtype=jnp.float32)
    W1, b1 = _linear_init(ks[3], IN_CH, WIDTH)
    W2, b2 = _linear_init(ks[4], WIDTH, WIDTH)
    W3, b3 = _linear_init(ks[5], WIDTH, WIDTH)
    return {
        "source_coords": source_coords,
        "query_coords": query_coords,
        "source_features": source_features,
        "W1": W1, "b1": b1,
        "W2": W2, "b2": b2,
        "W3": W3, "b3": b3,
    }


def _mlp(x, W1, b1, W2, b2, W3, b3):
    h = jax.nn.gelu(x @ W1 + b1, approximate=False)
    h = jax.nn.gelu(h @ W2 + b2, approximate=False)
    return h @ W3 + b3


def reference(source_coords, query_coords, source_features, W1, b1, W2, b2, W3, b3):
    k = min(NEIGHBORS, source_coords.shape[1])
    # cdist (euclidean)
    q2 = jnp.sum(query_coords ** 2, axis=-1)[:, :, None]
    s2 = jnp.sum(source_coords ** 2, axis=-1)[:, None, :]
    cross = jnp.einsum("bmd,bnd->bmn", query_coords, source_coords)
    dist = jnp.sqrt(jnp.maximum(q2 + s2 - 2.0 * cross, 0.0))
    # smallest-k (torch.topk largest=False, ascending)
    neg_vals, nn_idx = jax.lax.top_k(-dist, k)
    nn_dist = -neg_vals
    # batched gather of neighbor coords / features
    src_c = jax.vmap(lambda s, idx: s[idx])(source_coords, nn_idx)
    src_f = jax.vmap(lambda s, idx: s[idx])(source_features, nn_idx)
    query = jnp.broadcast_to(query_coords[:, :, None, :], (query_coords.shape[0], query_coords.shape[1], k, query_coords.shape[2]))
    rel = query - src_c
    edge_input = jnp.concatenate([query, src_c, rel, nn_dist[..., None], src_f], axis=-1)
    sigma = jnp.maximum(jnp.median(nn_dist[..., -1:]), 1e-6)
    weights = jnp.exp(-nn_dist[..., None] / sigma)
    values = _mlp(edge_input, W1, b1, W2, b2, W3, b3)
    return (weights * values).sum(axis=2) / jnp.maximum(weights.sum(axis=2), 1e-6)

if __name__ == "__main__":
    import jax
    _d = setup_inputs()
    print(jax.jit(kernel)(*tuple(_d.values())))

</pallas_src>

<mosaic_0001>
#map = affine_map<(d0, d1) -> (0, 0)>
module attributes {stable_mosaic.version = 14 : i64} {
  func.func @gather_kernel(%arg0: i32, %arg1: i32, %arg2: memref<16384x128xf32, #tpu.memory_space<hbm>>, %arg3: memref<1x131072xi32, #tpu.memory_space<hbm>>, %arg4: memref<131072x128xf32, #tpu.memory_space<hbm>>) attributes {dimension_semantics = [#tpu.dimension_semantics<core_parallel>, #tpu.dimension_semantics<subcore_parallel>], iteration_bounds = array<i64: 2, 16>, scalar_prefetch = 0 : i64, scratch_operands = 0 : i64, tpu.core_type = #tpu.core_type<sc_vector_subcore>, window_params = [{transform_indices = #map}, {transform_indices = #map}, {transform_indices = #map}]} {
    %mul3A = arith.constant 1 : i32
    %mul3A_0 = arith.muli %arg1, %mul3A : i32
    %add3A = arith.constant 0 : i32
    %add3A_1 = arith.addi %add3A, %mul3A_0 : i32
    %mul3A_2 = arith.constant 16 : i32
    %mul3A_3 = arith.muli %arg0, %mul3A_2 : i32
    %add3A_4 = arith.addi %add3A_1, %mul3A_3 : i32
    %mul3A_5 = arith.constant 32 : i32
    %mul3A_6 = arith.muli %add3A_4, %mul3A_5 : i32
    "tpu.region"() ({
      %run_scoped3A = memref.alloca() : memref<2x1x128xi32, #tpu.memory_space<vmem>>
      %run_scoped3A_7 = tpu.sem_alloc : memref<2x!tpu.dma_semaphore, #tpu.memory_space<semaphore_mem>>
      %run_scoped3A_8 = memref.alloca() : memref<2x128x128xf32, #tpu.memory_space<vmem>>
      %run_scoped3A_9 = tpu.sem_alloc : memref<2x!tpu.dma_semaphore, #tpu.memory_space<semaphore_mem>>
      %add3A_10 = arith.constant 0 : i32
      %add3A_11 = arith.addi %add3A_10, %mul3A_6 : i32
      %select_n3A = arith.constant true
      %select_n3A_12 = arith.constant 0 : i32
      %select_n3A_13 = arith.constant -1 : i32
      %select_n3A_14 = arith.select %select_n3A, %select_n3A_13, %select_n3A_12 : i32
      %eq3A = arith.constant -1 : i32
      %eq3A_15 = arith.cmpi eq, %select_n3A_14, %eq3A : i32
      %select_n3A_16 = arith.constant 31 : i32
      %select_n3A_17 = arith.select %eq3A_15, %select_n3A_16, %select_n3A_14 : i32
      %add3A_18 = arith.addi %select_n3A_17, %mul3A_6 : i32
      %select_n3A_19 = arith.constant true
      %select_n3A_20 = arith.constant 0 : i32
      %select_n3A_21 = arith.constant 1 : i32
      %select_n3A_22 = arith.select %select_n3A_19, %select_n3A_21, %select_n3A_20 : i32
      %eq3A_23 = arith.constant 32 : i32
      %eq3A_24 = arith.cmpi eq, %select_n3A_22, %eq3A_23 : i32
      %select_n3A_25 = arith.constant 0 : i32
      %select_n3A_26 = arith.select %eq3A_24, %select_n3A_25, %select_n3A_22 : i32
      %add3A_27 = arith.addi %select_n3A_26, %mul3A_6 : i32
      %add3A_28 = arith.constant 1 : i32
      %add3A_29 = arith.addi %select_n3A_26, %add3A_28 : i32
      %select_n3A_30 = arith.constant true
      %select_n3A_31 = arith.select %select_n3A_30, %add3A_29, %select_n3A_26 : i32
      %eq3A_32 = arith.constant 32 : i32
      %eq3A_33 = arith.cmpi eq, %select_n3A_31, %eq3A_32 : i32
      %select_n3A_34 = arith.constant 0 : i32
      %select_n3A_35 = arith.select %eq3A_33, %select_n3A_34, %select_n3A_31 : i32
      %add3A_36 = arith.addi %select_n3A_35, %mul3A_6 : i32
      "tpu.trace_start"() <{level = 10 : i32, message = "ep_initialize_0"}> : () -> ()
      %rem3A = arith.constant 0 : i32
      %rem3A_37 = arith.constant 2 : i32
      %rem3A_38 = arith.remui %rem3A, %rem3A_37 : i32
      %mul3A_39 = arith.constant 128 : i32
      %mul3A_40 = arith.muli %mul3A_39, %add3A_11 : i32
      %dma_start3A = arith.constant 0 : i32
      %dma_start3A_41 = arith.constant 0 : i32
      %dma_start3A_42 = tpu.memref_slice %run_scoped3A[%rem3A_38, %dma_start3A, %dma_start3A_41] : memref<2x1x128xi32, #tpu.memory_space<vmem>> -> memref<1x1x128xi32, #tpu.memory_space<vmem>>
      %dma_start3A_43 = tpu.memref_squeeze %dma_start3A_42 : memref<1x1x128xi32, #tpu.memory_space<vmem>> -> memref<1x128xi32, #tpu.memory_space<vmem>>
      %dma_start3A_44 = arith.constant 0 : i32
      %dma_start3A_45 = tpu.memref_slice %arg3[%dma_start3A_44, %mul3A_40] : memref<1x131072xi32, #tpu.memory_space<hbm>> -> memref<1x128xi32, #tpu.memory_space<hbm>>
      %dma_start3A_46 = tpu.memref_slice %run_scoped3A_7[%rem3A_38] : memref<2x!tpu.dma_semaphore, #tpu.memory_space<semaphore_mem>> -> memref<1x!tpu.dma_semaphore, #tpu.memory_space<semaphore_mem>>
      %dma_start3A_47 = tpu.memref_squeeze %dma_start3A_46 : memref<1x!tpu.dma_semaphore, #tpu.memory_space<semaphore_mem>> -> memref<!tpu.dma_semaphore, #tpu.memory_space<semaphore_mem>>
      %dma_start3A_48 = arith.constant 0 : i32
      %dma_start3A_49 = arith.constant 0 : i32
      %dma_start3A_50 = tpu.memref_slice %run_scoped3A[%rem3A_38, %dma_start3A_48, %dma_start3A_49] : memref<2x1x128xi32, #tpu.memory_space<vmem>> -> memref<1x1x128xi32, #tpu.memory_space<vmem>>
      %dma_start3A_51 = tpu.memref_squeeze %dma_start3A_50 : memref<1x1x128xi32, #tpu.memory_space<vmem>> -> memref<1x128xi32, #tpu.memory_space<vmem>>
      %dma_start3A_52 = arith.constant 0 : i32
      %dma_start3A_53 = tpu.memref_slice %arg3[%dma_start3A_52, %mul3A_40] : memref<1x131072xi32, #tpu.memory_space<hbm>> -> memref<1x128xi32, #tpu.memory_space<hbm>>
      tpu.enqueue_dma source(%dma_start3A_53 : memref<1x128xi32, #tpu.memory_space<hbm>>) target(%dma_start3A_51 : memref<1x128xi32, #tpu.memory_space<vmem>>) target_semaphore(%dma_start3A_47 : memref<!tpu.dma_semaphore, #tpu.memory_space<semaphore_mem>>)
      %add3A_54 = arith.constant 0 : i32
      %add3A_55 = arith.constant 1 : i32
      %add3A_56 = arith.addi %add3A_54, %add3A_55 : i32
      %select_n3A_57 = arith.constant true
      %select_n3A_58 = arith.constant 0 : i32
      %select_n3A_59 = arith.select %select_n3A_57, %add3A_56, %select_n3A_58 : i32
      "tpu.trace_stop"() : () -> ()
      %scan3A = arith.constant 0 : i32
      %scan3A_60 = arith.constant 0 : i32
      %scan3A_61 = arith.constant 0 : i32
      %scan3A_62 = arith.constant 0 : i32
      %scan3A_63 = arith.constant 0 : i32
      %scan3A_64 = arith.constant 32 : i32
      %scan3A_65 = arith.addi %scan3A_63, %scan3A_64 : i32
      %scan3A_66 = arith.constant 1 : i32
      %scan3A_67:5 = scf.for %scan3A_121 = %scan3A_63 to %scan3A_65 step %scan3A_66 iter_args(%scan3A_122 = %select_n3A_59, %scan3A_123 = %scan3A, %scan3A_124 = %scan3A_60, %scan3A_125 = %scan3A_61, %scan3A_126 = %scan3A_62) -> (i32, i32, i32, i32, i32)  : i32 {
        %eq3A_127 = arith.constant 0 : i32
        %eq3A_128 = arith.cmpi eq, %scan3A_121, %eq3A_127 : i32
        %eq3A_129 = arith.constant 31 : i32
        %eq3A_130 = arith.cmpi eq, %scan3A_121, %eq3A_129 : i32
        %add3A_131 = arith.addi %scan3A_126, %mul3A_6 : i32
        %sub3A_132 = arith.constant 1 : i32
        %sub3A_133 = arith.subi %scan3A_126, %sub3A_132 : i32
        %select_n3A_134 = arith.constant true
        %select_n3A_135 = arith.select %select_n3A_134, %sub3A_133, %scan3A_126 : i32
        %eq3A_136 = arith.constant -1 : i32
        %eq3A_137 = arith.cmpi eq, %select_n3A_135, %eq3A_136 : i32
        %select_n3A_138 = arith.constant 31 : i32
        %select_n3A_139 = arith.select %eq3A_137, %select_n3A_138, %select_n3A_135 : i32
        %add3A_140 = arith.addi %select_n3A_139, %mul3A_6 : i32
        %add3A_141 = arith.constant 1 : i32
        %add3A_142 = arith.addi %scan3A_126, %add3A_141 : i32
        %select_n3A_143 = arith.constant true
        %select_n3A_144 = arith.select %select_n3A_143, %add3A_142, %scan3A_126 : i32
        %eq3A_145 = arith.constant 32 : i32
        %eq3A_146 = arith.cmpi eq, %select_n3A_144, %eq3A_145 : i32
        %select_n3A_147 = arith.constant 0 : i32
        %select_n3A_148 = arith.select %eq3A_146, %select_n3A_147, %select_n3A_144 : i32
        %add3A_149 = arith.addi %select_n3A_148, %mul3A_6 : i32
        %add3A_150 = arith.constant 1 : i32
        %add3A_151 = arith.addi %select_n3A_148, %add3A_150 : i32
        %select_n3A_152 = arith.constant true
        %select_n3A_153 = arith.select %select_n3A_152, %add3A_151, %select_n3A_148 : i32
        %eq3A_154 = arith.constant 32 : i32
        %eq3A_155 = arith.cmpi eq, %select_n3A_153, %eq3A_154 : i32
        %select_n3A_156 = arith.constant 0 : i32
        %select_n3A_157 = arith.select %eq3A_155, %select_n3A_156, %select_n3A_153 : i32
        %add3A_158 = arith.addi %select_n3A_157, %mul3A_6 : i32
        %ne3A = arith.cmpi ne, %add3A_131, %add3A_149 : i32
        %or3A = arith.constant false
        %or3A_159 = arith.ori %or3A, %ne3A : i1
        %ge3A = arith.constant 31 : i32
        %ge3A_160 = arith.cmpi sge, %scan3A_121, %ge3A : i32
        %not3A = arith.constant true
        %not3A_161 = arith.xori %ge3A_160, %not3A : i1
        %and3A = arith.andi %or3A_159, %not3A_161 : i1
        %convert_element_type3A = arith.extui %and3A : i1 to i32
        %cond3A = arith.constant 0 : i32
        %cond3A_162 = arith.cmpi ne, %convert_element_type3A, %cond3A : i32
        scf.if %cond3A_162 {
          "tpu.trace_start"() <{level = 10 : i32, message = "ep_copy_in"}> : () -> ()
          %rem3A_264 = arith.constant 2 : i32
          %rem3A_265 = arith.remui %scan3A_122, %rem3A_264 : i32
          %mul3A_266 = arith.constant 128 : i32
          %mul3A_267 = arith.muli %mul3A_266, %add3A_149 : i32
          %dma_start3A_268 = arith.constant 0 : i32
          %dma_start3A_269 = arith.constant 0 : i32
          %dma_start3A_270 = tpu.memref_slice %run_scoped3A[%rem3A_265, %dma_start3A_268, %dma_start3A_269] : memref<2x1x128xi32, #tpu.memory_space<vmem>> -> memref<1x1x128xi32, #tpu.memory_space<vmem>>
          %dma_start3A_271 = tpu.memref_squeeze %dma_start3A_270 : memref<1x1x128xi32, #tpu.memory_space<vmem>> -> memref<1x128xi32, #tpu.memory_space<vmem>>
          %dma_start3A_272 = arith.constant 0 : i32
          %dma_start3A_273 = tpu.memref_slice %arg3[%dma_start3A_272, %mul3A_267] : memref<1x131072xi32, #tpu.memory_space<hbm>> -> memref<1x128xi32, #tpu.memory_space<hbm>>
          %dma_start3A_274 = tpu.memref_slice %run_scoped3A_7[%rem3A_265] : memref<2x!tpu.dma_semaphore, #tpu.memory_space<semaphore_mem>> -> memref<1x!tpu.dma_semaphore, #tpu.memory_space<semaphore_mem>>
          %dma_start3A_275 = tpu.memref_squeeze %dma_start3A_274 : memref<1x!tpu.dma_semaphore, #tpu.memory_space<semaphore_mem>> -> memref<!tpu.dma_semaphore, #tpu.memory_space<semaphore_mem>>
          %dma_start3A_276 = arith.constant 0 : i32
          %dma_start3A_277 = arith.constant 0 : i32
          %dma_start3A_278 = tpu.memref_slice %run_scoped3A[%rem3A_265, %dma_start3A_276, %dma_start3A_277] : memref<2x1x128xi32, #tpu.memory_space<vmem>> -> memref<1x1x128xi32, #tpu.memory_space<vmem>>
          %dma_start3A_279 = tpu.memref_squeeze %dma_start3A_278 : memref<1x1x128xi32, #tpu.memory_space<vmem>> -> memref<1x128xi32, #tpu.memory_space<vmem>>
          %dma_start3A_280 = arith.constant 0 : i32
          %dma_start3A_281 = tpu.memref_slice %arg3[%dma_start3A_280, %mul3A_267] : memref<1x131072xi32, #tpu.memory_space<hbm>> -> memref<1x128xi32, #tpu.memory_space<hbm>>
          tpu.enqueue_dma source(%dma_start3A_281 : memref<1x128xi32, #tpu.memory_space<hbm>>) target(%dma_start3A_279 : memref<1x128xi32, #tpu.memory_space<vmem>>) target_semaphore(%dma_start3A_275 : memref<!tpu.dma_semaphore, #tpu.memory_space<semaphore_mem>>)
          "tpu.trace_stop"() : () -> ()
        } else {
        }
        %and3A_163 = arith.constant true
        %and3A_164 = arith.andi %and3A, %and3A_163 : i1
        %add3A_165 = arith.constant 1 : i32
        %add3A_166 = arith.addi %scan3A_122, %add3A_165 : i32
        %select_n3A_167 = arith.select %and3A_164, %add3A_166, %scan3A_122 : i32
        %ne3A_168 = arith.cmpi ne, %add3A_131, %add3A_149 : i32
        %or3A_169 = arith.constant false
        %or3A_170 = arith.ori %or3A_169, %ne3A_168 : i1
        %or3A_171 = arith.constant false
        %or3A_172 = arith.ori %or3A_170, %or3A_171 : i1
        %ge3A_173 = arith.constant 31 : i32
        %ge3A_174 = arith.cmpi sge, %scan3A_121, %ge3A_173 : i32
        %not3A_175 = arith.constant true
        %not3A_176 = arith.xori %ge3A_174, %not3A_175 : i1
        %and3A_177 = arith.andi %or3A_172, %not3A_176 : i1
        %ne3A_178 = arith.cmpi ne, %add3A_131, %add3A_140 : i32
        %or3A_179 = arith.constant false
        %or3A_180 = arith.ori %or3A_179, %ne3A_178 : i1
        %or3A_181 = arith.ori %or3A_180, %eq3A_128 : i1
        %convert_element_type3A_182 = arith.extui %or3A_181 : i1 to i32
        %cond3A_183 = arith.constant 0 : i32
        %cond3A_184 = arith.cmpi ne, %convert_element_type3A_182, %cond3A_183 : i32
        scf.if %cond3A_184 {
          "tpu.trace_start"() <{level = 10 : i32, message = "ep_wait_in"}> : () -> ()
          %mul3A_264 = arith.constant 128 : i32
          %mul3A_265 = arith.muli %mul3A_264, %add3A_131 : i32
          %rem3A_266 = arith.constant 2 : i32
          %rem3A_267 = arith.remui %scan3A_123, %rem3A_266 : i32
          %dma_wait3A_268 = arith.constant 0 : i32
          %dma_wait3A_269 = arith.constant 0 : i32
          %dma_wait3A_270 = tpu.memref_slice %run_scoped3A[%rem3A_267, %dma_wait3A_268, %dma_wait3A_269] : memref<2x1x128xi32, #tpu.memory_space<vmem>> -> memref<1x1x128xi32, #tpu.memory_space<vmem>>
          %dma_wait3A_271 = tpu.memref_squeeze %dma_wait3A_270 : memref<1x1x128xi32, #tpu.memory_space<vmem>> -> memref<1x128xi32, #tpu.memory_space<vmem>>
          %dma_wait3A_272 = arith.constant 0 : i32
          %dma_wait3A_273 = tpu.memref_slice %arg3[%dma_wait3A_272, %mul3A_265] : memref<1x131072xi32, #tpu.memory_space<hbm>> -> memref<1x128xi32, #tpu.memory_space<hbm>>
          %dma_wait3A_274 = tpu.memref_slice %run_scoped3A_7[%rem3A_267] : memref<2x!tpu.dma_semaphore, #tpu.memory_space<semaphore_mem>> -> memref<1x!tpu.dma_semaphore, #tpu.memory_space<semaphore_mem>>
          %dma_wait3A_275 = tpu.memref_squeeze %dma_wait3A_274 : memref<1x!tpu.dma_semaphore, #tpu.memory_space<semaphore_mem>> -> memref<!tpu.dma_semaphore, #tpu.memory_space<semaphore_mem>>
          %dma_wait3A_276 = arith.constant 0 : i32
          %dma_wait3A_277 = arith.constant 0 : i32
          %dma_wait3A_278 = tpu.memref_slice %run_scoped3A[%rem3A_267, %dma_wait3A_276, %dma_wait3A_277] : memref<2x1x128xi32, #tpu.memory_space<vmem>> -> memref<1x1x128xi32, #tpu.memory_space<vmem>>
          %dma_wait3A_279 = tpu.memref_squeeze %dma_wait3A_278 : memref<1x1x128xi32, #tpu.memory_space<vmem>> -> memref<1x128xi32, #tpu.memory_space<vmem>>
          %dma_wait3A_280 = arith.constant 0 : i32
          %dma_wait3A_281 = tpu.memref_slice %arg3[%dma_wait3A_280, %mul3A_265] : memref<1x131072xi32, #tpu.memory_space<hbm>> -> memref<1x128xi32, #tpu.memory_space<hbm>>
          tpu.wait_dma2 semaphore(%dma_wait3A_275 : memref<!tpu.dma_semaphore, #tpu.memory_space<semaphore_mem>>) src(%dma_wait3A_281 : memref<1x128xi32, #tpu.memory_space<hbm>>) dst(%dma_wait3A_279 : memref<1x128xi32, #tpu.memory_space<vmem>>)
          "tpu.trace_stop"() : () -> ()
        } else {
        }
        %ne3A_185 = arith.cmpi ne, %add3A_131, %add3A_140 : i32
        %or3A_186 = arith.constant false
        %or3A_187 = arith.ori %or3A_186, %ne3A_185 : i1
        %or3A_188 = arith.constant false
        %or3A_189 = arith.ori %or3A_187, %or3A_188 : i1
        %or3A_190 = arith.ori %or3A_189, %eq3A_128 : i1
        %convert_element_type3A_191 = arith.extui %or3A_190 : i1 to i32
        %cond3A_192 = arith.constant 0 : i32
        %cond3A_193 = arith.cmpi ne, %convert_element_type3A_191, %cond3A_192 : i32
        scf.if %cond3A_193 {
        } else {
        }
        %rem3A_194 = arith.constant 2 : i32
        %rem3A_195 = arith.remui %scan3A_123, %rem3A_194 : i32
        %rem3A_196 = arith.constant 2 : i32
        %rem3A_197 = arith.remui %scan3A_124, %rem3A_196 : i32
        %run_scoped3A_198 = arith.constant 0 : i32
        "tpu.trace_start"() <{level = 10 : i32, message = "ep_run_kernel"}> : () -> ()
        "tpu.region"() ({
          %run_scoped3A_264 = tpu.sem_alloc : memref<!tpu.dma_semaphore, #tpu.memory_space<semaphore_mem>>
          %dma_start3A_265 = arith.constant 0 : i32
          %dma_start3A_266 = arith.constant 0 : i32
          %dma_start3A_267 = tpu.memref_slice %run_scoped3A_8[%rem3A_197, %dma_start3A_265, %dma_start3A_266] : memref<2x128x128xf32, #tpu.memory_space<vmem>> -> memref<1x128x128xf32, #tpu.memory_space<vmem>>
          %dma_start3A_268 = tpu.memref_squeeze %dma_start3A_267 : memref<1x128x128xf32, #tpu.memory_space<vmem>> -> memref<128x128xf32, #tpu.memory_space<vmem>>
          %dma_start3A_269 = arith.constant 0 : i32
          %dma_start3A_270 = arith.constant 0 : i32
          %dma_start3A_271 = tpu.memref_slice %run_scoped3A[%rem3A_195, %dma_start3A_269, %dma_start3A_270] : memref<2x1x128xi32, #tpu.memory_space<vmem>> -> memref<1x1x128xi32, #tpu.memory_space<vmem>>
          %dma_start3A_272 = tpu.memref_squeeze %dma_start3A_271 : memref<1x1x128xi32, #tpu.memory_space<vmem>> -> memref<1x128xi32, #tpu.memory_space<vmem>>
          %dma_start3A_273 = arith.constant 0 : i32
          %dma_start3A_274 = tpu.memref_slice %dma_start3A_272[%run_scoped3A_198, %dma_start3A_273] : memref<1x128xi32, #tpu.memory_space<vmem>> -> memref<1x128xi32, #tpu.memory_space<vmem>>
          %dma_start3A_275 = tpu.memref_squeeze %dma_start3A_274 : memref<1x128xi32, #tpu.memory_space<vmem>> -> memref<128xi32, #tpu.memory_space<vmem>>
          %dma_start3A_276 = arith.constant 0 : i32
          %dma_start3A_277 = arith.constant 0 : i32
          %dma_start3A_278 = tpu.memref_slice %arg2[%dma_start3A_276, %dma_start3A_277] : memref<16384x128xf32, #tpu.memory_space<hbm>> -> memref<16384x128xf32, #tpu.memory_space<hbm>>
          tpu.enqueue_indirect_dma source(%dma_start3A_278 : memref<16384x128xf32, #tpu.memory_space<hbm>>) target(%dma_start3A_268 : memref<128x128xf32, #tpu.memory_space<vmem>>) offsets(%dma_start3A_275 : memref<128xi32, #tpu.memory_space<vmem>>) semaphore(%run_scoped3A_264 : memref<!tpu.dma_semaphore, #tpu.memory_space<semaphore_mem>>)
          %dma_wait3A_279 = arith.constant 0 : i32
          %dma_wait3A_280 = arith.constant 0 : i32
          %dma_wait3A_281 = tpu.memref_slice %run_scoped3A_8[%rem3A_197, %dma_wait3A_279, %dma_wait3A_280] : memref<2x128x128xf32, #tpu.memory_space<vmem>> -> memref<1x128x128xf32, #tpu.memory_space<vmem>>
          %dma_wait3A_282 = tpu.memref_squeeze %dma_wait3A_281 : memref<1x128x128xf32, #tpu.memory_space<vmem>> -> memref<128x128xf32, #tpu.memory_space<vmem>>
          %dma_wait3A_283 = arith.constant 0 : i32
          %dma_wait3A_284 = arith.constant 0 : i32
          %dma_wait3A_285 = tpu.memref_slice %run_scoped3A[%rem3A_195, %dma_wait3A_283, %dma_wait3A_284] : memref<2x1x128xi32, #tpu.memory_space<vmem>> -> memref<1x1x128xi32, #tpu.memory_space<vmem>>
          %dma_wait3A_286 = tpu.memref_squeeze %dma_wait3A_285 : memref<1x1x128xi32, #tpu.memory_space<vmem>> -> memref<1x128xi32, #tpu.memory_space<vmem>>
          %dma_wait3A_287 = arith.constant 0 : i32
          %dma_wait3A_288 = tpu.memref_slice %dma_wait3A_286[%run_scoped3A_198, %dma_wait3A_287] : memref<1x128xi32, #tpu.memory_space<vmem>> -> memref<1x128xi32, #tpu.memory_space<vmem>>
          %dma_wait3A_289 = tpu.memref_squeeze %dma_wait3A_288 : memref<1x128xi32, #tpu.memory_space<vmem>> -> memref<128xi32, #tpu.memory_space<vmem>>
          %dma_wait3A_290 = arith.constant 0 : i32
          %dma_wait3A_291 = arith.constant 0 : i32
          %dma_wait3A_292 = tpu.memref_slice %arg2[%dma_wait3A_290, %dma_wait3A_291] : memref<16384x128xf32, #tpu.memory_space<hbm>> -> memref<16384x128xf32, #tpu.memory_space<hbm>>
          tpu.wait_indirect_dma semaphore(%run_scoped3A_264 : memref<!tpu.dma_semaphore, #tpu.memory_space<semaphore_mem>>) src(%dma_wait3A_292 : memref<16384x128xf32, #tpu.memory_space<hbm>>) dst(%dma_wait3A_282 : memref<128x128xf32, #tpu.memory_space<vmem>>)
          tpu.yield
        }) : () -> ()
        "tpu.trace_stop"() : () -> ()
        %ne3A_199 = arith.cmpi ne, %add3A_131, %add3A_149 : i32
        %or3A_200 = arith.constant false
        %or3A_201 = arith.ori %or3A_200, %ne3A_199 : i1
        %or3A_202 = arith.ori %or3A_201, %eq3A_130 : i1
        %convert_element_type3A_203 = arith.extui %or3A_202 : i1 to i32
        %cond3A_204 = arith.constant 0 : i32
        %cond3A_205 = arith.cmpi ne, %convert_element_type3A_203, %cond3A_204 : i32
        scf.if %cond3A_205 {
        } else {
        }
        %and3A_206 = arith.constant false
        %and3A_207 = arith.andi %or3A_202, %and3A_206 : i1
        %ne3A_208 = arith.cmpi ne, %add3A_131, %add3A_149 : i32
        %or3A_209 = arith.constant false
        %or3A_210 = arith.ori %or3A_209, %ne3A_208 : i1
        %or3A_211 = arith.constant false
        %or3A_212 = arith.ori %or3A_210, %or3A_211 : i1
        %or3A_213 = arith.ori %or3A_212, %eq3A_130 : i1
        %convert_element_type3A_214 = arith.extui %or3A_213 : i1 to i32
        %cond3A_215 = arith.constant 0 : i32
        %cond3A_216 = arith.cmpi ne, %convert_element_type3A_214, %cond3A_215 : i32
        scf.if %cond3A_216 {
          "tpu.trace_start"() <{level = 10 : i32, message = "ep_copy_out"}> : () -> ()
          %rem3A_264 = arith.constant 2 : i32
          %rem3A_265 = arith.remui %scan3A_124, %rem3A_264 : i32
          %mul3A_266 = arith.constant 128 : i32
          %mul3A_267 = arith.muli %mul3A_266, %add3A_131 : i32
          %dma_start3A_268 = arith.constant 0 : i32
          %dma_start3A_269 = arith.constant 0 : i32
          %dma_start3A_270 = tpu.memref_slice %run_scoped3A_8[%rem3A_265, %dma_start3A_268, %dma_start3A_269] : memref<2x128x128xf32, #tpu.memory_space<vmem>> -> memref<1x128x128xf32, #tpu.memory_space<vmem>>
          %dma_start3A_271 = tpu.memref_squeeze %dma_start3A_270 : memref<1x128x128xf32, #tpu.memory_space<vmem>> -> memref<128x128xf32, #tpu.memory_space<vmem>>
          %dma_start3A_272 = arith.constant 0 : i32
          %dma_start3A_273 = tpu.memref_slice %arg4[%mul3A_267, %dma_start3A_272] : memref<131072x128xf32, #tpu.memory_space<hbm>> -> memref<128x128xf32, #tpu.memory_space<hbm>>
          %dma_start3A_274 = tpu.memref_slice %run_scoped3A_9[%rem3A_265] : memref<2x!tpu.dma_semaphore, #tpu.memory_space<semaphore_mem>> -> memref<1x!tpu.dma_semaphore, #tpu.memory_space<semaphore_mem>>
          %dma_start3A_275 = tpu.memref_squeeze %dma_start3A_274 : memref<1x!tpu.dma_semaphore, #tpu.memory_space<semaphore_mem>> -> memref<!tpu.dma_semaphore, #tpu.memory_space<semaphore_mem>>
          %dma_start3A_276 = arith.constant 0 : i32
          %dma_start3A_277 = tpu.memref_slice %arg4[%mul3A_267, %dma_start3A_276] : memref<131072x128xf32, #tpu.memory_space<hbm>> -> memref<128x128xf32, #tpu.memory_space<hbm>>
          %dma_start3A_278 = arith.constant 0 : i32
          %dma_start3A_279 = arith.constant 0 : i32
          %dma_start3A_280 = tpu.memref_slice %run_scoped3A_8[%rem3A_265, %dma_start3A_278, %dma_start3A_279] : memref<2x128x128xf32, #tpu.memory_space<vmem>> -> memref<1x128x128xf32, #tpu.memory_space<vmem>>
          %dma_start3A_281 = tpu.memref_squeeze %dma_start3A_280 : memref<1x128x128xf32, #tpu.memory_space<vmem>> -> memref<128x128xf32, #tpu.memory_space<vmem>>
          tpu.enqueue_dma source(%dma_start3A_281 : memref<128x128xf32, #tpu.memory_space<vmem>>) target(%dma_start3A_277 : memref<128x128xf32, #tpu.memory_space<hbm>>) target_semaphore(%dma_start3A_275 : memref<!tpu.dma_semaphore, #tpu.memory_space<semaphore_mem>>)
          "tpu.trace_stop"() : () -> ()
        } else {
        }
        %and3A_217 = arith.constant true
        %and3A_218 = arith.andi %or3A_213, %and3A_217 : i1
        %add3A_219 = arith.constant 1 : i32
        %add3A_220 = arith.addi %scan3A_124, %add3A_219 : i32
        %select_n3A_221 = arith.select %and3A_218, %add3A_220, %scan3A_124 : i32
        %ne3A_222 = arith.cmpi ne, %add3A_131, %add3A_140 : i32
        %or3A_223 = arith.constant false
        %or3A_224 = arith.ori %or3A_223, %ne3A_222 : i1
        %not3A_225 = arith.constant true
        %not3A_226 = arith.xori %eq3A_128, %not3A_225 : i1
        %and3A_227 = arith.andi %or3A_224, %not3A_226 : i1
        %convert_element_type3A_228 = arith.extui %and3A_227 : i1 to i32
        %cond3A_229 = arith.constant 0 : i32
        %cond3A_230 = arith.cmpi ne, %convert_element_type3A_228, %cond3A_229 : i32
        scf.if %cond3A_230 {
        } else {
        }
        %and3A_231 = arith.constant false
        %and3A_232 = arith.andi %and3A_227, %and3A_231 : i1
        %ne3A_233 = arith.cmpi ne, %add3A_131, %add3A_140 : i32
        %or3A_234 = arith.constant false
        %or3A_235 = arith.ori %or3A_234, %ne3A_233 : i1
        %or3A_236 = arith.constant false
        %or3A_237 = arith.ori %or3A_235, %or3A_236 : i1
        %not3A_238 = arith.constant true
        %not3A_239 = arith.xori %eq3A_128, %not3A_238 : i1
        %and3A_240 = arith.andi %or3A_237, %not3A_239 : i1
        %convert_element_type3A_241 = arith.extui %and3A_240 : i1 to i32
        %cond3A_242 = arith.constant 0 : i32
        %cond3A_243 = arith.cmpi ne, %convert_element_type3A_241, %cond3A_242 : i32
        scf.if %cond3A_243 {
          "tpu.trace_start"() <{level = 10 : i32, message = "ep_wait_out"}> : () -> ()
          %rem3A_264 = arith.constant 2 : i32
          %rem3A_265 = arith.remui %scan3A_125, %rem3A_264 : i32
          %mul3A_266 = arith.constant 128 : i32
          %mul3A_267 = arith.muli %mul3A_266, %add3A_140 : i32
          %dma_wait3A_268 = arith.constant 0 : i32
          %dma_wait3A_269 = arith.constant 0 : i32
          %dma_wait3A_270 = tpu.memref_slice %run_scoped3A_8[%rem3A_265, %dma_wait3A_268, %dma_wait3A_269] : memref<2x128x128xf32, #tpu.memory_space<vmem>> -> memref<1x128x128xf32, #tpu.memory_space<vmem>>
          %dma_wait3A_271 = tpu.memref_squeeze %dma_wait3A_270 : memref<1x128x128xf32, #tpu.memory_space<vmem>> -> memref<128x128xf32, #tpu.memory_space<vmem>>
          %dma_wait3A_272 = arith.constant 0 : i32
          %dma_wait3A_273 = tpu.memref_slice %arg4[%mul3A_267, %dma_wait3A_272] : memref<131072x128xf32, #tpu.memory_space<hbm>> -> memref<128x128xf32, #tpu.memory_space<hbm>>
          %dma_wait3A_274 = tpu.memref_slice %run_scoped3A_9[%rem3A_265] : memref<2x!tpu.dma_semaphore, #tpu.memory_space<semaphore_mem>> -> memref<1x!tpu.dma_semaphore, #tpu.memory_space<semaphore_mem>>
          %dma_wait3A_275 = tpu.memref_squeeze %dma_wait3A_274 : memref<1x!tpu.dma_semaphore, #tpu.memory_space<semaphore_mem>> -> memref<!tpu.dma_semaphore, #tpu.memory_space<semaphore_mem>>
          %dma_wait3A_276 = arith.constant 0 : i32
          %dma_wait3A_277 = tpu.memref_slice %arg4[%mul3A_267, %dma_wait3A_276] : memref<131072x128xf32, #tpu.memory_space<hbm>> -> memref<128x128xf32, #tpu.memory_space<hbm>>
          %dma_wait3A_278 = arith.constant 0 : i32
          %dma_wait3A_279 = arith.constant 0 : i32
          %dma_wait3A_280 = tpu.memref_slice %run_scoped3A_8[%rem3A_265, %dma_wait3A_278, %dma_wait3A_279] : memref<2x128x128xf32, #tpu.memory_space<vmem>> -> memref<1x128x128xf32, #tpu.memory_space<vmem>>
          %dma_wait3A_281 = tpu.memref_squeeze %dma_wait3A_280 : memref<1x128x128xf32, #tpu.memory_space<vmem>> -> memref<128x128xf32, #tpu.memory_space<vmem>>
          tpu.wait_dma2 semaphore(%dma_wait3A_275 : memref<!tpu.dma_semaphore, #tpu.memory_space<semaphore_mem>>) src(%dma_wait3A_281 : memref<128x128xf32, #tpu.memory_space<vmem>>) dst(%dma_wait3A_277 : memref<128x128xf32, #tpu.memory_space<hbm>>)
          "tpu.trace_stop"() : () -> ()
        } else {
        }
        %and3A_244 = arith.constant true
        %and3A_245 = arith.andi %and3A_240, %and3A_244 : i1
        %add3A_246 = arith.constant 1 : i32
        %add3A_247 = arith.addi %scan3A_125, %add3A_246 : i32
        %select_n3A_248 = arith.select %and3A_245, %add3A_247, %scan3A_125 : i32
        %ne3A_249 = arith.cmpi ne, %add3A_131, %add3A_149 : i32
        %or3A_250 = arith.constant false
        %or3A_251 = arith.ori %or3A_250, %ne3A_249 : i1
        %or3A_252 = arith.ori %or3A_251, %eq3A_130 : i1
        %add3A_253 = arith.constant 1 : i32
        %add3A_254 = arith.addi %scan3A_123, %add3A_253 : i32
        %select_n3A_255 = arith.select %or3A_252, %add3A_254, %scan3A_123 : i32
        %add3A_256 = arith.constant 1 : i32
        %add3A_257 = arith.addi %scan3A_126, %add3A_256 : i32
        %select_n3A_258 = arith.constant true
        %select_n3A_259 = arith.select %select_n3A_258, %add3A_257, %scan3A_126 : i32
        %eq3A_260 = arith.constant 32 : i32
        %eq3A_261 = arith.cmpi eq, %select_n3A_259, %eq3A_260 : i32
        %select_n3A_262 = arith.constant 0 : i32
        %select_n3A_263 = arith.select %eq3A_261, %select_n3A_262, %select_n3A_259 : i32
        scf.yield %select_n3A_167, %select_n3A_255, %select_n3A_221, %select_n3A_248, %select_n3A_263 : i32, i32, i32, i32, i32
      }
      %scan3A_68 = arith.constant 32 : i32
      %sub3A = arith.constant 1 : i32
      %sub3A_69 = arith.subi %scan3A_67#4, %sub3A : i32
      %select_n3A_70 = arith.constant true
      %select_n3A_71 = arith.select %select_n3A_70, %sub3A_69, %scan3A_67#4 : i32
      %eq3A_72 = arith.constant -1 : i32
      %eq3A_73 = arith.cmpi eq, %select_n3A_71, %eq3A_72 : i32
      %select_n3A_74 = arith.constant 31 : i32
      %select_n3A_75 = arith.select %eq3A_73, %select_n3A_74, %select_n3A_71 : i32
      %add3A_76 = arith.addi %select_n3A_75, %mul3A_6 : i32
      %sub3A_77 = arith.constant 1 : i32
      %sub3A_78 = arith.subi %select_n3A_75, %sub3A_77 : i32
      %select_n3A_79 = arith.constant true
      %select_n3A_80 = arith.select %select_n3A_79, %sub3A_78, %select_n3A_75 : i32
      %eq3A_81 = arith.constant -1 : i32
      %eq3A_82 = arith.cmpi eq, %select_n3A_80, %eq3A_81 : i32
      %select_n3A_83 = arith.constant 31 : i32
      %select_n3A_84 = arith.select %eq3A_82, %select_n3A_83, %select_n3A_80 : i32
      %add3A_85 = arith.addi %select_n3A_84, %mul3A_6 : i32
      %add3A_86 = arith.constant 1 : i32
      %add3A_87 = arith.addi %select_n3A_75, %add3A_86 : i32
      %select_n3A_88 = arith.constant true
      %select_n3A_89 = arith.select %select_n3A_88, %add3A_87, %select_n3A_75 : i32
      %eq3A_90 = arith.constant 32 : i32
      %eq3A_91 = arith.cmpi eq, %select_n3A_89, %eq3A_90 : i32
      %select_n3A_92 = arith.constant 0 : i32
      %select_n3A_93 = arith.select %eq3A_91, %select_n3A_92, %select_n3A_89 : i32
      %add3A_94 = arith.addi %select_n3A_93, %mul3A_6 : i32
      %add3A_95 = arith.constant 1 : i32
      %add3A_96 = arith.addi %select_n3A_93, %add3A_95 : i32
      %select_n3A_97 = arith.constant true
      %select_n3A_98 = arith.select %select_n3A_97, %add3A_96, %select_n3A_93 : i32
      %eq3A_99 = arith.constant 32 : i32
      %eq3A_100 = arith.cmpi eq, %select_n3A_98, %eq3A_99 : i32
      %select_n3A_101 = arith.constant 0 : i32
      %select_n3A_102 = arith.select %eq3A_100, %select_n3A_101, %select_n3A_98 : i32
      %add3A_103 = arith.addi %select_n3A_102, %mul3A_6 : i32
      "tpu.trace_start"() <{level = 10 : i32, message = "ep_finalize"}> : () -> ()
      %rem3A_104 = arith.constant 2 : i32
      %rem3A_105 = arith.remui %scan3A_67#3, %rem3A_104 : i32
      %mul3A_106 = arith.constant 128 : i32
      %mul3A_107 = arith.muli %mul3A_106, %add3A_76 : i32
      %dma_wait3A = arith.constant 0 : i32
      %dma_wait3A_108 = arith.constant 0 : i32
      %dma_wait3A_109 = tpu.memref_slice %run_scoped3A_8[%rem3A_105, %dma_wait3A, %dma_wait3A_108] : memref<2x128x128xf32, #tpu.memory_space<vmem>> -> memref<1x128x128xf32, #tpu.memory_space<vmem>>
      %dma_wait3A_110 = tpu.memref_squeeze %dma_wait3A_109 : memref<1x128x128xf32, #tpu.memory_space<vmem>> -> memref<128x128xf32, #tpu.memory_space<vmem>>
      %dma_wait3A_111 = arith.constant 0 : i32
      %dma_wait3A_112 = tpu.memref_slice %arg4[%mul3A_107, %dma_wait3A_111] : memref<131072x128xf32, #tpu.memory_space<hbm>> -> memref<128x128xf32, #tpu.memory_space<hbm>>
      %dma_wait3A_113 = tpu.memref_slice %run_scoped3A_9[%rem3A_105] : memref<2x!tpu.dma_semaphore, #tpu.memory_space<semaphore_mem>> -> memref<1x!tpu.dma_semaphore, #tpu.memory_space<semaphore_mem>>
      %dma_wait3A_114 = tpu.memref_squeeze %dma_wait3A_113 : memref<1x!tpu.dma_semaphore, #tpu.memory_space<semaphore_mem>> -> memref<!tpu.dma_semaphore, #tpu.memory_space<semaphore_mem>>
      %dma_wait3A_115 = arith.constant 0 : i32
      %dma_wait3A_116 = tpu.memref_slice %arg4[%mul3A_107, %dma_wait3A_115] : memref<131072x128xf32, #tpu.memory_space<hbm>> -> memref<128x128xf32, #tpu.memory_space<hbm>>
      %dma_wait3A_117 = arith.constant 0 : i32
      %dma_wait3A_118 = arith.constant 0 : i32
      %dma_wait3A_119 = tpu.memref_slice %run_scoped3A_8[%rem3A_105, %dma_wait3A_117, %dma_wait3A_118] : memref<2x128x128xf32, #tpu.memory_space<vmem>> -> memref<1x128x128xf32, #tpu.memory_space<vmem>>
      %dma_wait3A_120 = tpu.memref_squeeze %dma_wait3A_119 : memref<1x128x128xf32, #tpu.memory_space<vmem>> -> memref<128x128xf32, #tpu.memory_space<vmem>>
      tpu.wait_dma2 semaphore(%dma_wait3A_114 : memref<!tpu.dma_semaphore, #tpu.memory_space<semaphore_mem>>) src(%dma_wait3A_120 : memref<128x128xf32, #tpu.memory_space<vmem>>) dst(%dma_wait3A_116 : memref<128x128xf32, #tpu.memory_space<hbm>>)
      "tpu.trace_stop"() : () -> ()
      tpu.yield
    }) : () -> ()
    return
  }
}

#map = affine_map<(d0, d1) -> (0, 0)>
module attributes {stable_mosaic.version = 14 : i64} {
  func.func @gather_kernel(%arg0: i32, %arg1: i32, %arg2: memref<16384x128xf32, #tpu.memory_space<hbm>>, %arg3: memref<1x131072xi32, #tpu.memory_space<hbm>>, %arg4: memref<131072x128xf32, #tpu.memory_space<hbm>>) attributes {dimension_semantics = [#tpu.dimension_semantics<core_parallel>, #tpu.dimension_semantics<subcore_parallel>], iteration_bounds = array<i64: 2, 16>, scalar_prefetch = 0 : i64, scratch_operands = 0 : i64, tpu.core_type = #tpu.core_type<sc_vector_subcore>, window_params = [{transform_indices = #map}, {transform_indices = #map}, {transform_indices = #map}]} {
    %mul3A = arith.constant 1 : i32
    %mul3A_0 = arith.muli %arg1, %mul3A : i32
    %add3A = arith.constant 0 : i32
    %add3A_1 = arith.addi %add3A, %mul3A_0 : i32
    %mul3A_2 = arith.constant 16 : i32
    %mul3A_3 = arith.muli %arg0, %mul3A_2 : i32
    %add3A_4 = arith.addi %add3A_1, %mul3A_3 : i32
    %mul3A_5 = arith.constant 32 : i32
    %mul3A_6 = arith.muli %add3A_4, %mul3A_5 : i32
    "tpu.region"() ({
      %run_scoped3A = memref.alloca() : memref<2x1x128xi32, #tpu.memory_space<vmem>>
      %run_scoped3A_7 = tpu.sem_alloc : memref<2x!tpu.dma_semaphore, #tpu.memory_space<semaphore_mem>>
      %run_scoped3A_8 = memref.alloca() : memref<2x128x128xf32, #tpu.memory_space<vmem>>
      %run_scoped3A_9 = tpu.sem_alloc : memref<2x!tpu.dma_semaphore, #tpu.memory_space<semaphore_mem>>
      %add3A_10 = arith.constant 0 : i32
      %add3A_11 = arith.addi %add3A_10, %mul3A_6 : i32
      %select_n3A = arith.constant true
      %select_n3A_12 = arith.constant 0 : i32
      %select_n3A_13 = arith.constant -1 : i32
      %select_n3A_14 = arith.select %select_n3A, %select_n3A_13, %select_n3A_12 : i32
      %eq3A = arith.constant -1 : i32
      %eq3A_15 = arith.cmpi eq, %select_n3A_14, %eq3A : i32
      %select_n3A_16 = arith.constant 31 : i32
      %select_n3A_17 = arith.select %eq3A_15, %select_n3A_16, %select_n3A_14 : i32
      %add3A_18 = arith.addi %select_n3A_17, %mul3A_6 : i32
      %select_n3A_19 = arith.constant true
      %select_n3A_20 = arith.constant 0 : i32
      %select_n3A_21 = arith.constant 1 : i32
      %select_n3A_22 = arith.select %select_n3A_19, %select_n3A_21, %select_n3A_20 : i32
      %eq3A_23 = arith.constant 32 : i32
      %eq3A_24 = arith.cmpi eq, %select_n3A_22, %eq3A_23 : i32
      %select_n3A_25 = arith.constant 0 : i32
      %select_n3A_26 = arith.select %eq3A_24, %select_n3A_25, %select_n3A_22 : i32
      %add3A_27 = arith.addi %select_n3A_26, %mul3A_6 : i32
      %add3A_28 = arith.constant 1 : i32
      %add3A_29 = arith.addi %select_n3A_26, %add3A_28 : i32
      %select_n3A_30 = arith.constant true
      %select_n3A_31 = arith.select %select_n3A_30, %add3A_29, %select_n3A_26 : i32
      %eq3A_32 = arith.constant 32 : i32
      %eq3A_33 = arith.cmpi eq, %select_n3A_31, %eq3A_32 : i32
      %select_n3A_34 = arith.constant 0 : i32
      %select_n3A_35 = arith.select %eq3A_33, %select_n3A_34, %select_n3A_31 : i32
      %add3A_36 = arith.addi %select_n3A_35, %mul3A_6 : i32
      "tpu.trace_start"() <{level = 10 : i32, message = "ep_initialize_0"}> : () -> ()
      %rem3A = arith.constant 0 : i32
      %rem3A_37 = arith.constant 2 : i32
      %rem3A_38 = arith.remui %rem3A, %rem3A_37 : i32
      %mul3A_39 = arith.constant 128 : i32
      %mul3A_40 = arith.muli %mul3A_39, %add3A_11 : i32
      %dma_start3A = arith.constant 0 : i32
      %dma_start3A_41 = arith.constant 0 : i32
      %dma_start3A_42 = tpu.memref_slice %run_scoped3A[%rem3A_38, %dma_start3A, %dma_start3A_41] : memref<2x1x128xi32, #tpu.memory_space<vmem>> -> memref<1x1x128xi32, #tpu.memory_space<vmem>>
      %dma_start3A_43 = tpu.memref_squeeze %dma_start3A_42 : memref<1x1x128xi32, #tpu.memory_space<vmem>> -> memref<1x128xi32, #tpu.memory_space<vmem>>
      %dma_start3A_44 = arith.constant 0 : i32
      %dma_start3A_45 = tpu.memref_slice %arg3[%dma_start3A_44, %mul3A_40] : memref<1x131072xi32, #tpu.memory_space<hbm>> -> memref<1x128xi32, #tpu.memory_space<hbm>>
      %dma_start3A_46 = tpu.memref_slice %run_scoped3A_7[%rem3A_38] : memref<2x!tpu.dma_semaphore, #tpu.memory_space<semaphore_mem>> -> memref<1x!tpu.dma_semaphore, #tpu.memory_space<semaphore_mem>>
      %dma_start3A_47 = tpu.memref_squeeze %dma_start3A_46 : memref<1x!tpu.dma_semaphore, #tpu.memory_space<semaphore_mem>> -> memref<!tpu.dma_semaphore, #tpu.memory_space<semaphore_mem>>
      %dma_start3A_48 = arith.constant 0 : i32
      %dma_start3A_49 = arith.constant 0 : i32
      %dma_start3A_50 = tpu.memref_slice %run_scoped3A[%rem3A_38, %dma_start3A_48, %dma_start3A_49] : memref<2x1x128xi32, #tpu.memory_space<vmem>> -> memref<1x1x128xi32, #tpu.memory_space<vmem>>
      %dma_start3A_51 = tpu.memref_squeeze %dma_start3A_50 : memref<1x1x128xi32, #tpu.memory_space<vmem>> -> memref<1x128xi32, #tpu.memory_space<vmem>>
      %dma_start3A_52 = arith.constant 0 : i32
      %dma_start3A_53 = tpu.memref_slice %arg3[%dma_start3A_52, %mul3A_40] : memref<1x131072xi32, #tpu.memory_space<hbm>> -> memref<1x128xi32, #tpu.memory_space<hbm>>
      tpu.enqueue_dma source(%dma_start3A_53 : memref<1x128xi32, #tpu.memory_space<hbm>>) target(%dma_start3A_51 : memref<1x128xi32, #tpu.memory_space<vmem>>) target_semaphore(%dma_start3A_47 : memref<!tpu.dma_semaphore, #tpu.memory_space<semaphore_mem>>)
      %add3A_54 = arith.constant 0 : i32
      %add3A_55 = arith.constant 1 : i32
      %add3A_56 = arith.addi %add3A_54, %add3A_55 : i32
      %select_n3A_57 = arith.constant true
      %select_n3A_58 = arith.constant 0 : i32
      %select_n3A_59 = arith.select %select_n3A_57, %add3A_56, %select_n3A_58 : i32
      "tpu.trace_stop"() : () -> ()
      %scan3A = arith.constant 0 : i32
      %scan3A_60 = arith.constant 0 : i32
      %scan3A_61 = arith.constant 0 : i32
      %scan3A_62 = arith.constant 0 : i32
      %scan3A_63 = arith.constant 0 : i32
      %scan3A_64 = arith.constant 32 : i32
      %scan3A_65 = arith.addi %scan3A_63, %scan3A_64 : i32
      %scan3A_66 = arith.constant 1 : i32
      %scan3A_67:5 = scf.for %scan3A_121 = %scan3A_63 to %scan3A_65 step %scan3A_66 iter_args(%scan3A_122 = %select_n3A_59, %scan3A_123 = %scan3A, %scan3A_124 = %scan3A_60, %scan3A_125 = %scan3A_61, %scan3A_126 = %scan3A_62) -> (i32, i32, i32, i32, i32)  : i32 {
        %eq3A_127 = arith.constant 0 : i32
        %eq3A_128 = arith.cmpi eq, %scan3A_121, %eq3A_127 : i32
        %eq3A_129 = arith.constant 31 : i32
        %eq3A_130 = arith.cmpi eq, %scan3A_121, %eq3A_129 : i32
        %add3A_131 = arith.addi %scan3A_126, %mul3A_6 : i32
        %sub3A_132 = arith.constant 1 : i32
        %sub3A_133 = arith.subi %scan3A_126, %sub3A_132 : i32
        %select_n3A_134 = arith.constant true
        %select_n3A_135 = arith.select %select_n3A_134, %sub3A_133, %scan3A_126 : i32
        %eq3A_136 = arith.constant -1 : i32
        %eq3A_137 = arith.cmpi eq, %select_n3A_135, %eq3A_136 : i32
        %select_n3A_138 = arith.constant 31 : i32
        %select_n3A_139 = arith.select %eq3A_137, %select_n3A_138, %select_n3A_135 : i32
        %add3A_140 = arith.addi %select_n3A_139, %mul3A_6 : i32
        %add3A_141 = arith.constant 1 : i32
        %add3A_142 = arith.addi %scan3A_126, %add3A_141 : i32
        %select_n3A_143 = arith.constant true
        %select_n3A_144 = arith.select %select_n3A_143, %add3A_142, %scan3A_126 : i32
        %eq3A_145 = arith.constant 32 : i32
        %eq3A_146 = arith.cmpi eq, %select_n3A_144, %eq3A_145 : i32
        %select_n3A_147 = arith.constant 0 : i32
        %select_n3A_148 = arith.select %eq3A_146, %select_n3A_147, %select_n3A_144 : i32
        %add3A_149 = arith.addi %select_n3A_148, %mul3A_6 : i32
        %add3A_150 = arith.constant 1 : i32
        %add3A_151 = arith.addi %select_n3A_148, %add3A_150 : i32
        %select_n3A_152 = arith.constant true
        %select_n3A_153 = arith.select %select_n3A_152, %add3A_151, %select_n3A_148 : i32
        %eq3A_154 = arith.constant 32 : i32
        %eq3A_155 = arith.cmpi eq, %select_n3A_153, %eq3A_154 : i32
        %select_n3A_156 = arith.constant 0 : i32
        %select_n3A_157 = arith.select %eq3A_155, %select_n3A_156, %select_n3A_153 : i32
        %add3A_158 = arith.addi %select_n3A_157, %mul3A_6 : i32
        %ne3A = arith.cmpi ne, %add3A_131, %add3A_149 : i32
        %or3A = arith.constant false
        %or3A_159 = arith.ori %or3A, %ne3A : i1
        %ge3A = arith.constant 31 : i32
        %ge3A_160 = arith.cmpi sge, %scan3A_121, %ge3A : i32
        %not3A = arith.constant true
        %not3A_161 = arith.xori %ge3A_160, %not3A : i1
        %and3A = arith.andi %or3A_159, %not3A_161 : i1
        %convert_element_type3A = arith.extui %and3A : i1 to i32
        %cond3A = arith.constant 0 : i32
        %cond3A_162 = arith.cmpi ne, %convert_element_type3A, %cond3A : i32
        scf.if %cond3A_162 {
          "tpu.trace_start"() <{level = 10 : i32, message = "ep_copy_in"}> : () -> ()
          %rem3A_264 = arith.constant 2 : i32
          %rem3A_265 = arith.remui %scan3A_122, %rem3A_264 : i32
          %mul3A_266 = arith.constant 128 : i32
          %mul3A_267 = arith.muli %mul3A_266, %add3A_149 : i32
          %dma_start3A_268 = arith.constant 0 : i32
          %dma_start3A_269 = arith.constant 0 : i32
          %dma_start3A_270 = tpu.memref_slice %run_scoped3A[%rem3A_265, %dma_start3A_268, %dma_start3A_269] : memref<2x1x128xi32, #tpu.memory_space<vmem>> -> memref<1x1x128xi32, #tpu.memory_space<vmem>>
          %dma_start3A_271 = tpu.memref_squeeze %dma_start3A_270 : memref<1x1x128xi32, #tpu.memory_space<vmem>> -> memref<1x128xi32, #tpu.memory_space<vmem>>
          %dma_start3A_272 = arith.constant 0 : i32
          %dma_start3A_273 = tpu.memref_slice %arg3[%dma_start3A_272, %mul3A_267] : memref<1x131072xi32, #tpu.memory_space<hbm>> -> memref<1x128xi32, #tpu.memory_space<hbm>>
          %dma_start3A_274 = tpu.memref_slice %run_scoped3A_7[%rem3A_265] : memref<2x!tpu.dma_semaphore, #tpu.memory_space<semaphore_mem>> -> memref<1x!tpu.dma_semaphore, #tpu.memory_space<semaphore_mem>>
          %dma_start3A_275 = tpu.memref_squeeze %dma_start3A_274 : memref<1x!tpu.dma_semaphore, #tpu.memory_space<semaphore_mem>> -> memref<!tpu.dma_semaphore, #tpu.memory_space<semaphore_mem>>
          %dma_start3A_276 = arith.constant 0 : i32
          %dma_start3A_277 = arith.constant 0 : i32
          %dma_start3A_278 = tpu.memref_slice %run_scoped3A[%rem3A_265, %dma_start3A_276, %dma_start3A_277] : memref<2x1x128xi32, #tpu.memory_space<vmem>> -> memref<1x1x128xi32, #tpu.memory_space<vmem>>
          %dma_start3A_279 = tpu.memref_squeeze %dma_start3A_278 : memref<1x1x128xi32, #tpu.memory_space<vmem>> -> memref<1x128xi32, #tpu.memory_space<vmem>>
          %dma_start3A_280 = arith.constant 0 : i32
          %dma_start3A_281 = tpu.memref_slice %arg3[%dma_start3A_280, %mul3A_267] : memref<1x131072xi32, #tpu.memory_space<hbm>> -> memref<1x128xi32, #tpu.memory_space<hbm>>
          tpu.enqueue_dma source(%dma_start3A_281 : memref<1x128xi32, #tpu.memory_space<hbm>>) target(%dma_start3A_279 : memref<1x128xi32, #tpu.memory_space<vmem>>) target_semaphore(%dma_start3A_275 : memref<!tpu.dma_semaphore, #tpu.memory_space<semaphore_mem>>)
          "tpu.trace_stop"() : () -> ()
        } else {
        }
        %and3A_163 = arith.constant true
        %and3A_164 = arith.andi %and3A, %and3A_163 : i1
        %add3A_165 = arith.constant 1 : i32
        %add3A_166 = arith.addi %scan3A_122, %add3A_165 : i32
        %select_n3A_167 = arith.select %and3A_164, %add3A_166, %scan3A_122 : i32
        %ne3A_168 = arith.cmpi ne, %add3A_131, %add3A_149 : i32
        %or3A_169 = arith.constant false
        %or3A_170 = arith.ori %or3A_169, %ne3A_168 : i1
        %or3A_171 = arith.constant false
        %or3A_172 = arith.ori %or3A_170, %or3A_171 : i1
        %ge3A_173 = arith.constant 31 : i32
        %ge3A_174 = arith.cmpi sge, %scan3A_121, %ge3A_173 : i32
        %not3A_175 = arith.constant true
        %not3A_176 = arith.xori %ge3A_174, %not3A_175 : i1
        %and3A_177 = arith.andi %or3A_172, %not3A_176 : i1
        %ne3A_178 = arith.cmpi ne, %add3A_131, %add3A_140 : i32
        %or3A_179 = arith.constant false
        %or3A_180 = arith.ori %or3A_179, %ne3A_178 : i1
        %or3A_181 = arith.ori %or3A_180, %eq3A_128 : i1
        %convert_element_type3A_182 = arith.extui %or3A_181 : i1 to i32
        %cond3A_183 = arith.constant 0 : i32
        %cond3A_184 = arith.cmpi ne, %convert_element_type3A_182, %cond3A_183 : i32
        scf.if %cond3A_184 {
          "tpu.trace_start"() <{level = 10 : i32, message = "ep_wait_in"}> : () -> ()
          %mul3A_264 = arith.constant 128 : i32
          %mul3A_265 = arith.muli %mul3A_264, %add3A_131 : i32
          %rem3A_266 = arith.constant 2 : i32
          %rem3A_267 = arith.remui %scan3A_123, %rem3A_266 : i32
          %dma_wait3A_268 = arith.constant 0 : i32
          %dma_wait3A_269 = arith.constant 0 : i32
          %dma_wait3A_270 = tpu.memref_slice %run_scoped3A[%rem3A_267, %dma_wait3A_268, %dma_wait3A_269] : memref<2x1x128xi32, #tpu.memory_space<vmem>> -> memref<1x1x128xi32, #tpu.memory_space<vmem>>
          %dma_wait3A_271 = tpu.memref_squeeze %dma_wait3A_270 : memref<1x1x128xi32, #tpu.memory_space<vmem>> -> memref<1x128xi32, #tpu.memory_space<vmem>>
          %dma_wait3A_272 = arith.constant 0 : i32
          %dma_wait3A_273 = tpu.memref_slice %arg3[%dma_wait3A_272, %mul3A_265] : memref<1x131072xi32, #tpu.memory_space<hbm>> -> memref<1x128xi32, #tpu.memory_space<hbm>>
          %dma_wait3A_274 = tpu.memref_slice %run_scoped3A_7[%rem3A_267] : memref<2x!tpu.dma_semaphore, #tpu.memory_space<semaphore_mem>> -> memref<1x!tpu.dma_semaphore, #tpu.memory_space<semaphore_mem>>
          %dma_wait3A_275 = tpu.memref_squeeze %dma_wait3A_274 : memref<1x!tpu.dma_semaphore, #tpu.memory_space<semaphore_mem>> -> memref<!tpu.dma_semaphore, #tpu.memory_space<semaphore_mem>>
          %dma_wait3A_276 = arith.constant 0 : i32
          %dma_wait3A_277 = arith.constant 0 : i32
          %dma_wait3A_278 = tpu.memref_slice %run_scoped3A[%rem3A_267, %dma_wait3A_276, %dma_wait3A_277] : memref<2x1x128xi32, #tpu.memory_space<vmem>> -> memref<1x1x128xi32, #tpu.memory_space<vmem>>
          %dma_wait3A_279 = tpu.memref_squeeze %dma_wait3A_278 : memref<1x1x128xi32, #tpu.memory_space<vmem>> -> memref<1x128xi32, #tpu.memory_space<vmem>>
          %dma_wait3A_280 = arith.constant 0 : i32
          %dma_wait3A_281 = tpu.memref_slice %arg3[%dma_wait3A_280, %mul3A_265] : memref<1x131072xi32, #tpu.memory_space<hbm>> -> memref<1x128xi32, #tpu.memory_space<hbm>>
          tpu.wait_dma2 semaphore(%dma_wait3A_275 : memref<!tpu.dma_semaphore, #tpu.memory_space<semaphore_mem>>) src(%dma_wait3A_281 : memref<1x128xi32, #tpu.memory_space<hbm>>) dst(%dma_wait3A_279 : memref<1x128xi32, #tpu.memory_space<vmem>>)
          "tpu.trace_stop"() : () -> ()
        } else {
        }
        %ne3A_185 = arith.cmpi ne, %add3A_131, %add3A_140 : i32
        %or3A_186 = arith.constant false
        %or3A_187 = arith.ori %or3A_186, %ne3A_185 : i1
        %or3A_188 = arith.constant false
        %or3A_189 = arith.ori %or3A_187, %or3A_188 : i1
        %or3A_190 = arith.ori %or3A_189, %eq3A_128 : i1
        %convert_element_type3A_191 = arith.extui %or3A_190 : i1 to i32
        %cond3A_192 = arith.constant 0 : i32
        %cond3A_193 = arith.cmpi ne, %convert_element_type3A_191, %cond3A_192 : i32
        scf.if %cond3A_193 {
        } else {
        }
        %rem3A_194 = arith.constant 2 : i32
        %rem3A_195 = arith.remui %scan3A_123, %rem3A_194 : i32
        %rem3A_196 = arith.constant 2 : i32
        %rem3A_197 = arith.remui %scan3A_124, %rem3A_196 : i32
        %run_scoped3A_198 = arith.constant 0 : i32
        "tpu.trace_start"() <{level = 10 : i32, message = "ep_run_kernel"}> : () -> ()
        "tpu.region"() ({
          %run_scoped3A_264 = tpu.sem_alloc : memref<!tpu.dma_semaphore, #tpu.memory_space<semaphore_mem>>
          %dma_start3A_265 = arith.constant 0 : i32
          %dma_start3A_266 = arith.constant 0 : i32
          %dma_start3A_267 = tpu.memref_slice %run_scoped3A_8[%rem3A_197, %dma_start3A_265, %dma_start3A_266] : memref<2x128x128xf32, #tpu.memory_space<vmem>> -> memref<1x128x128xf32, #tpu.memory_space<vmem>>
          %dma_start3A_268 = tpu.memref_squeeze %dma_start3A_267 : memref<1x128x128xf32, #tpu.memory_space<vmem>> -> memref<128x128xf32, #tpu.memory_space<vmem>>
          %dma_start3A_269 = arith.constant 0 : i32
          %dma_start3A_270 = arith.constant 0 : i32
          %dma_start3A_271 = tpu.memref_slice %run_scoped3A[%rem3A_195, %dma_start3A_269, %dma_start3A_270] : memref<2x1x128xi32, #tpu.memory_space<vmem>> -> memref<1x1x128xi32, #tpu.memory_space<vmem>>
          %dma_start3A_272 = tpu.memref_squeeze %dma_start3A_271 : memref<1x1x128xi32, #tpu.memory_space<vmem>> -> memref<1x128xi32, #tpu.memory_space<vmem>>
          %dma_start3A_273 = arith.constant 0 : i32
          %dma_start3A_274 = tpu.memref_slice %dma_start3A_272[%run_scoped3A_198, %dma_start3A_273] : memref<1x128xi32, #tpu.memory_space<vmem>> -> memref<1x128xi32, #tpu.memory_space<vmem>>
          %dma_start3A_275 = tpu.memref_squeeze %dma_start3A_274 : memref<1x128xi32, #tpu.memory_space<vmem>> -> memref<128xi32, #tpu.memory_space<vmem>>
          %dma_start3A_276 = arith.constant 0 : i32
          %dma_start3A_277 = arith.constant 0 : i32
          %dma_start3A_278 = tpu.memref_slice %arg2[%dma_start3A_276, %dma_start3A_277] : memref<16384x128xf32, #tpu.memory_space<hbm>> -> memref<16384x128xf32, #tpu.memory_space<hbm>>
          tpu.enqueue_indirect_dma source(%dma_start3A_278 : memref<16384x128xf32, #tpu.memory_space<hbm>>) target(%dma_start3A_268 : memref<128x128xf32, #tpu.memory_space<vmem>>) offsets(%dma_start3A_275 : memref<128xi32, #tpu.memory_space<vmem>>) semaphore(%run_scoped3A_264 : memref<!tpu.dma_semaphore, #tpu.memory_space<semaphore_mem>>)
          %dma_wait3A_279 = arith.constant 0 : i32
          %dma_wait3A_280 = arith.constant 0 : i32
          %dma_wait3A_281 = tpu.memref_slice %run_scoped3A_8[%rem3A_197, %dma_wait3A_279, %dma_wait3A_280] : memref<2x128x128xf32, #tpu.memory_space<vmem>> -> memref<1x128x128xf32, #tpu.memory_space<vmem>>
          %dma_wait3A_282 = tpu.memref_squeeze %dma_wait3A_281 : memref<1x128x128xf32, #tpu.memory_space<vmem>> -> memref<128x128xf32, #tpu.memory_space<vmem>>
          %dma_wait3A_283 = arith.constant 0 : i32
          %dma_wait3A_284 = arith.constant 0 : i32
          %dma_wait3A_285 = tpu.memref_slice %run_scoped3A[%rem3A_195, %dma_wait3A_283, %dma_wait3A_284] : memref<2x1x128xi32, #tpu.memory_space<vmem>> -> memref<1x1x128xi32, #tpu.memory_space<vmem>>
          %dma_wait3A_286 = tpu.memref_squeeze %dma_wait3A_285 : memref<1x1x128xi32, #tpu.memory_space<vmem>> -> memref<1x128xi32, #tpu.memory_space<vmem>>
          %dma_wait3A_287 = arith.constant 0 : i32
          %dma_wait3A_288 = tpu.memref_slice %dma_wait3A_286[%run_scoped3A_198, %dma_wait3A_287] : memref<1x128xi32, #tpu.memory_space<vmem>> -> memref<1x128xi32, #tpu.memory_space<vmem>>
          %dma_wait3A_289 = tpu.memref_squeeze %dma_wait3A_288 : memref<1x128xi32, #tpu.memory_space<vmem>> -> memref<128xi32, #tpu.memory_space<vmem>>
          %dma_wait3A_290 = arith.constant 0 : i32
          %dma_wait3A_291 = arith.constant 0 : i32
          %dma_wait3A_292 = tpu.memref_slice %arg2[%dma_wait3A_290, %dma_wait3A_291] : memref<16384x128xf32, #tpu.memory_space<hbm>> -> memref<16384x128xf32, #tpu.memory_space<hbm>>
          tpu.wait_indirect_dma semaphore(%run_scoped3A_264 : memref<!tpu.dma_semaphore, #tpu.memory_space<semaphore_mem>>) src(%dma_wait3A_292 : memref<16384x128xf32, #tpu.memory_space<hbm>>) dst(%dma_wait3A_282 : memref<128x128xf32, #tpu.memory_space<vmem>>)
          tpu.yield
        }) : () -> ()
        "tpu.trace_stop"() : () -> ()
        %ne3A_199 = arith.cmpi ne, %add3A_131, %add3A_149 : i32
        %or3A_200 = arith.constant false
        %or3A_201 = arith.ori %or3A_200, %ne3A_199 : i1
        %or3A_202 = arith.ori %or3A_201, %eq3A_130 : i1
        %convert_element_type3A_203 = arith.extui %or3A_202 : i1 to i32
        %cond3A_204 = arith.constant 0 : i32
        %cond3A_205 = arith.cmpi ne, %convert_element_type3A_203, %cond3A_204 : i32
        scf.if %cond3A_205 {
        } else {
        }
        %and3A_206 = arith.constant false
        %and3A_207 = arith.andi %or3A_202, %and3A_206 : i1
        %ne3A_208 = arith.cmpi ne, %add3A_131, %add3A_149 : i32
        %or3A_209 = arith.constant false
        %or3A_210 = arith.ori %or3A_209, %ne3A_208 : i1
        %or3A_211 = arith.constant false
        %or3A_212 = arith.ori %or3A_210, %or3A_211 : i1
        %or3A_213 = arith.ori %or3A_212, %eq3A_130 : i1
        %convert_element_type3A_214 = arith.extui %or3A_213 : i1 to i32
        %cond3A_215 = arith.constant 0 : i32
        %cond3A_216 = arith.cmpi ne, %convert_element_type3A_214, %cond3A_215 : i32
        scf.if %cond3A_216 {
          "tpu.trace_start"() <{level = 10 : i32, message = "ep_copy_out"}> : () -> ()
          %rem3A_264 = arith.constant 2 : i32
          %rem3A_265 = arith.remui %scan3A_124, %rem3A_264 : i32
          %mul3A_266 = arith.constant 128 : i32
          %mul3A_267 = arith.muli %mul3A_266, %add3A_131 : i32
          %dma_start3A_268 = arith.constant 0 : i32
          %dma_start3A_269 = arith.constant 0 : i32
          %dma_start3A_270 = tpu.memref_slice %run_scoped3A_8[%rem3A_265, %dma_start3A_268, %dma_start3A_269] : memref<2x128x128xf32, #tpu.memory_space<vmem>> -> memref<1x128x128xf32, #tpu.memory_space<vmem>>
          %dma_start3A_271 = tpu.memref_squeeze %dma_start3A_270 : memref<1x128x128xf32, #tpu.memory_space<vmem>> -> memref<128x128xf32, #tpu.memory_space<vmem>>
          %dma_start3A_272 = arith.constant 0 : i32
          %dma_start3A_273 = tpu.memref_slice %arg4[%mul3A_267, %dma_start3A_272] : memref<131072x128xf32, #tpu.memory_space<hbm>> -> memref<128x128xf32, #tpu.memory_space<hbm>>
          %dma_start3A_274 = tpu.memref_slice %run_scoped3A_9[%rem3A_265] : memref<2x!tpu.dma_semaphore, #tpu.memory_space<semaphore_mem>> -> memref<1x!tpu.dma_semaphore, #tpu.memory_space<semaphore_mem>>
          %dma_start3A_275 = tpu.memref_squeeze %dma_start3A_274 : memref<1x!tpu.dma_semaphore, #tpu.memory_space<semaphore_mem>> -> memref<!tpu.dma_semaphore, #tpu.memory_space<semaphore_mem>>
          %dma_start3A_276 = arith.constant 0 : i32
          %dma_start3A_277 = tpu.memref_slice %arg4[%mul3A_267, %dma_start3A_276] : memref<131072x128xf32, #tpu.memory_space<hbm>> -> memref<128x128xf32, #tpu.memory_space<hbm>>
          %dma_start3A_278 = arith.constant 0 : i32
          %dma_start3A_279 = arith.constant 0 : i32
          %dma_start3A_280 = tpu.memref_slice %run_scoped3A_8[%rem3A_265, %dma_start3A_278, %dma_start3A_279] : memref<2x128x128xf32, #tpu.memory_space<vmem>> -> memref<1x128x128xf32, #tpu.memory_space<vmem>>
          %dma_start3A_281 = tpu.memref_squeeze %dma_start3A_280 : memref<1x128x128xf32, #tpu.memory_space<vmem>> -> memref<128x128xf32, #tpu.memory_space<vmem>>
          tpu.enqueue_dma source(%dma_start3A_281 : memref<128x128xf32, #tpu.memory_space<vmem>>) target(%dma_start3A_277 : memref<128x128xf32, #tpu.memory_space<hbm>>) target_semaphore(%dma_start3A_275 : memref<!tpu.dma_semaphore, #tpu.memory_space<semaphore_mem>>)
          "tpu.trace_stop"() : () -> ()
        } else {
        }
        %and3A_217 = arith.constant true
        %and3A_218 = arith.andi %or3A_213, %and3A_217 : i1
        %add3A_219 = arith.constant 1 : i32
        %add3A_220 = arith.addi %scan3A_124, %add3A_219 : i32
        %select_n3A_221 = arith.select %and3A_218, %add3A_220, %scan3A_124 : i32
        %ne3A_222 = arith.cmpi ne, %add3A_131, %add3A_140 : i32
        %or3A_223 = arith.constant false
        %or3A_224 = arith.ori %or3A_223, %ne3A_222 : i1
        %not3A_225 = arith.constant true
        %not3A_226 = arith.xori %eq3A_128, %not3A_225 : i1
        %and3A_227 = arith.andi %or3A_224, %not3A_226 : i1
        %convert_element_type3A_228 = arith.extui %and3A_227 : i1 to i32
        %cond3A_229 = arith.constant 0 : i32
        %cond3A_230 = arith.cmpi ne, %convert_element_type3A_228, %cond3A_229 : i32
        scf.if %cond3A_230 {
        } else {
        }
        %and3A_231 = arith.constant false
        %and3A_232 = arith.andi %and3A_227, %and3A_231 : i1
        %ne3A_233 = arith.cmpi ne, %add3A_131, %add3A_140 : i32
        %or3A_234 = arith.constant false
        %or3A_235 = arith.ori %or3A_234, %ne3A_233 : i1
        %or3A_236 = arith.constant false
        %or3A_237 = arith.ori %or3A_235, %or3A_236 : i1
        %not3A_238 = arith.constant true
        %not3A_239 = arith.xori %eq3A_128, %not3A_238 : i1
        %and3A_240 = arith.andi %or3A_237, %not3A_239 : i1
        %convert_element_type3A_241 = arith.extui %and3A_240 : i1 to i32
        %cond3A_242 = arith.constant 0 : i32
        %cond3A_243 = arith.cmpi ne, %convert_element_type3A_241, %cond3A_242 : i32
        scf.if %cond3A_243 {
          "tpu.trace_start"() <{level = 10 : i32, message = "ep_wait_out"}> : () -> ()
          %rem3A_264 = arith.constant 2 : i32
          %rem3A_265 = arith.remui %scan3A_125, %rem3A_264 : i32
          %mul3A_266 = arith.constant 128 : i32
          %mul3A_267 = arith.muli %mul3A_266, %add3A_140 : i32
          %dma_wait3A_268 = arith.constant 0 : i32
          %dma_wait3A_269 = arith.constant 0 : i32
          %dma_wait3A_270 = tpu.memref_slice %run_scoped3A_8[%rem3A_265, %dma_wait3A_268, %dma_wait3A_269] : memref<2x128x128xf32, #tpu.memory_space<vmem>> -> memref<1x128x128xf32, #tpu.memory_space<vmem>>
          %dma_wait3A_271 = tpu.memref_squeeze %dma_wait3A_270 : memref<1x128x128xf32, #tpu.memory_space<vmem>> -> memref<128x128xf32, #tpu.memory_space<vmem>>
          %dma_wait3A_272 = arith.constant 0 : i32
          %dma_wait3A_273 = tpu.memref_slice %arg4[%mul3A_267, %dma_wait3A_272] : memref<131072x128xf32, #tpu.memory_space<hbm>> -> memref<128x128xf32, #tpu.memory_space<hbm>>
          %dma_wait3A_274 = tpu.memref_slice %run_scoped3A_9[%rem3A_265] : memref<2x!tpu.dma_semaphore, #tpu.memory_space<semaphore_mem>> -> memref<1x!tpu.dma_semaphore, #tpu.memory_space<semaphore_mem>>
          %dma_wait3A_275 = tpu.memref_squeeze %dma_wait3A_274 : memref<1x!tpu.dma_semaphore, #tpu.memory_space<semaphore_mem>> -> memref<!tpu.dma_semaphore, #tpu.memory_space<semaphore_mem>>
          %dma_wait3A_276 = arith.constant 0 : i32
          %dma_wait3A_277 = tpu.memref_slice %arg4[%mul3A_267, %dma_wait3A_276] : memref<131072x128xf32, #tpu.memory_space<hbm>> -> memref<128x128xf32, #tpu.memory_space<hbm>>
          %dma_wait3A_278 = arith.constant 0 : i32
          %dma_wait3A_279 = arith.constant 0 : i32
          %dma_wait3A_280 = tpu.memref_slice %run_scoped3A_8[%rem3A_265, %dma_wait3A_278, %dma_wait3A_279] : memref<2x128x128xf32, #tpu.memory_space<vmem>> -> memref<1x128x128xf32, #tpu.memory_space<vmem>>
          %dma_wait3A_281 = tpu.memref_squeeze %dma_wait3A_280 : memref<1x128x128xf32, #tpu.memory_space<vmem>> -> memref<128x128xf32, #tpu.memory_space<vmem>>
          tpu.wait_dma2 semaphore(%dma_wait3A_275 : memref<!tpu.dma_semaphore, #tpu.memory_space<semaphore_mem>>) src(%dma_wait3A_281 : memref<128x128xf32, #tpu.memory_space<vmem>>) dst(%dma_wait3A_277 : memref<128x128xf32, #tpu.memory_space<hbm>>)
          "tpu.trace_stop"() : () -> ()
        } else {
        }
        %and3A_244 = arith.constant true
        %and3A_245 = arith.andi %and3A_240, %and3A_244 : i1
        %add3A_246 = arith.constant 1 : i32
        %add3A_247 = arith.addi %scan3A_125, %add3A_246 : i32
        %select_n3A_248 = arith.select %and3A_245, %add3A_247, %scan3A_125 : i32
        %ne3A_249 = arith.cmpi ne, %add3A_131, %add3A_149 : i32
        %or3A_250 = arith.constant false
        %or3A_251 = arith.ori %or3A_250, %ne3A_249 : i1
        %or3A_252 = arith.ori %or3A_251, %eq3A_130 : i1
        %add3A_253 = arith.constant 1 : i32
        %add3A_254 = arith.addi %scan3A_123, %add3A_253 : i32
        %select_n3A_255 = arith.select %or3A_252, %add3A_254, %scan3A_123 : i32
        %add3A_256 = arith.constant 1 : i32
        %add3A_257 = arith.addi %scan3A_126, %add3A_256 : i32
        %select_n3A_258 = arith.constant true
        %select_n3A_259 = arith.select %select_n3A_258, %add3A_257, %scan3A_126 : i32
        %eq3A_260 = arith.constant 32 : i32
        %eq3A_261 = arith.cmpi eq, %select_n3A_259, %eq3A_260 : i32
        %select_n3A_262 = arith.constant 0 : i32
        %select_n3A_263 = arith.select %eq3A_261, %select_n3A_262, %select_n3A_259 : i32
        scf.yield %select_n3A_167, %select_n3A_255, %select_n3A_221, %select_n3A_248, %select_n3A_263 : i32, i32, i32, i32, i32
      }
      %scan3A_68 = arith.constant 32 : i32
      %sub3A = arith.constant 1 : i32
      %sub3A_69 = arith.subi %scan3A_67#4, %sub3A : i32
      %select_n3A_70 = arith.constant true
      %select_n3A_71 = arith.select %select_n3A_70, %sub3A_69, %scan3A_67#4 : i32
      %eq3A_72 = arith.constant -1 : i32
      %eq3A_73 = arith.cmpi eq, %select_n3A_71, %eq3A_72 : i32
      %select_n3A_74 = arith.constant 31 : i32
      %select_n3A_75 = arith.select %eq3A_73, %select_n3A_74, %select_n3A_71 : i32
      %add3A_76 = arith.addi %select_n3A_75, %mul3A_6 : i32
      %sub3A_77 = arith.constant 1 : i32
      %sub3A_78 = arith.subi %select_n3A_75, %sub3A_77 : i32
      %select_n3A_79 = arith.constant true
      %select_n3A_80 = arith.select %select_n3A_79, %sub3A_78, %select_n3A_75 : i32
      %eq3A_81 = arith.constant -1 : i32
      %eq3A_82 = arith.cmpi eq, %select_n3A_80, %eq3A_81 : i32
      %select_n3A_83 = arith.constant 31 : i32
      %select_n3A_84 = arith.select %eq3A_82, %select_n3A_83, %select_n3A_80 : i32
      %add3A_85 = arith.addi %select_n3A_84, %mul3A_6 : i32
      %add3A_86 = arith.constant 1 : i32
      %add3A_87 = arith.addi %select_n3A_75, %add3A_86 : i32
      %select_n3A_88 = arith.constant true
      %select_n3A_89 = arith.select %select_n3A_88, %add3A_87, %select_n3A_75 : i32
      %eq3A_90 = arith.constant 32 : i32
      %eq3A_91 = arith.cmpi eq, %select_n3A_89, %eq3A_90 : i32
      %select_n3A_92 = arith.constant 0 : i32
      %select_n3A_93 = arith.select %eq3A_91, %select_n3A_92, %select_n3A_89 : i32
      %add3A_94 = arith.addi %select_n3A_93, %mul3A_6 : i32
      %add3A_95 = arith.constant 1 : i32
      %add3A_96 = arith.addi %select_n3A_93, %add3A_95 : i32
      %select_n3A_97 = arith.constant true
      %select_n3A_98 = arith.select %select_n3A_97, %add3A_96, %select_n3A_93 : i32
      %eq3A_99 = arith.constant 32 : i32
      %eq3A_100 = arith.cmpi eq, %select_n3A_98, %eq3A_99 : i32
      %select_n3A_101 = arith.constant 0 : i32
      %select_n3A_102 = arith.select %eq3A_100, %select_n3A_101, %select_n3A_98 : i32
      %add3A_103 = arith.addi %select_n3A_102, %mul3A_6 : i32
      "tpu.trace_start"() <{level = 10 : i32, message = "ep_finalize"}> : () -> ()
      %rem3A_104 = arith.constant 2 : i32
      %rem3A_105 = arith.remui %scan3A_67#3, %rem3A_104 : i32
      %mul3A_106 = arith.constant 128 : i32
      %mul3A_107 = arith.muli %mul3A_106, %add3A_76 : i32
      %dma_wait3A = arith.constant 0 : i32
      %dma_wait3A_108 = arith.constant 0 : i32
      %dma_wait3A_109 = tpu.memref_slice %run_scoped3A_8[%rem3A_105, %dma_wait3A, %dma_wait3A_108] : memref<2x128x128xf32, #tpu.memory_space<vmem>> -> memref<1x128x128xf32, #tpu.memory_space<vmem>>
      %dma_wait3A_110 = tpu.memref_squeeze %dma_wait3A_109 : memref<1x128x128xf32, #tpu.memory_space<vmem>> -> memref<128x128xf32, #tpu.memory_space<vmem>>
      %dma_wait3A_111 = arith.constant 0 : i32
      %dma_wait3A_112 = tpu.memref_slice %arg4[%mul3A_107, %dma_wait3A_111] : memref<131072x128xf32, #tpu.memory_space<hbm>> -> memref<128x128xf32, #tpu.memory_space<hbm>>
      %dma_wait3A_113 = tpu.memref_slice %run_scoped3A_9[%rem3A_105] : memref<2x!tpu.dma_semaphore, #tpu.memory_space<semaphore_mem>> -> memref<1x!tpu.dma_semaphore, #tpu.memory_space<semaphore_mem>>
      %dma_wait3A_114 = tpu.memref_squeeze %dma_wait3A_113 : memref<1x!tpu.dma_semaphore, #tpu.memory_space<semaphore_mem>> -> memref<!tpu.dma_semaphore, #tpu.memory_space<semaphore_mem>>
      %dma_wait3A_115 = arith.constant 0 : i32
      %dma_wait3A_116 = tpu.memref_slice %arg4[%mul3A_107, %dma_wait3A_115] : memref<131072x128xf32, #tpu.memory_space<hbm>> -> memref<128x128xf32, #tpu.memory_space<hbm>>
      %dma_wait3A_117 = arith.constant 0 : i32
      %dma_wait3A_118 = arith.constant 0 : i32
      %dma_wait3A_119 = tpu.memref_slice %run_scoped3A_8[%rem3A_105, %dma_wait3A_117, %dma_wait3A_118] : memref<2x128x128xf32, #tpu.memory_space<vmem>> -> memref<1x128x128xf32, #tpu.memory_space<vmem>>
      %dma_wait3A_120 = tpu.memref_squeeze %dma_wait3A_119 : memref<1x128x128xf32, #tpu.memory_space<vmem>> -> memref<128x128xf32, #tpu.memory_space<vmem>>
      tpu.wait_dma2 semaphore(%dma_wait3A_114 : memref<!tpu.dma_semaphore, #tpu.memory_space<semaphore_mem>>) src(%dma_wait3A_120 : memref<128x128xf32, #tpu.memory_space<vmem>>) dst(%dma_wait3A_116 : memref<128x128xf32, #tpu.memory_space<hbm>>)
      "tpu.trace_stop"() : () -> ()
      tpu.yield
    }) : () -> ()
    return
  }
}

module attributes {stable_mosaic.version = 14 : i64} {
  func.func @_topk_kernel(%arg0: i32, %arg1: i32, %arg2: memref<1x4096x8xf32, #tpu.memory_space<vmem>>, %arg3: memref<1x8x128xf32, #tpu.memory_space<vmem>>, %arg4: memref<1x1x16x128xi32, #tpu.memory_space<vmem>>) attributes {dimension_semantics = [#tpu.dimension_semantics<arbitrary>, #tpu.dimension_semantics<arbitrary>], iteration_bounds = array<i64: 4, 16>, scalar_prefetch = 0 : i64, scratch_operands = 0 : i64, tpu.core_type = #tpu.core_type<tc>, window_params = [{transform_indices = @transform_0, window_bounds = array<i64: 1, 4096, 8>}, {transform_indices = @transform_1, window_bounds = array<i64: 1, 8, 128>}, {transform_indices = @transform_2, window_bounds = array<i64: 1, 1, 16, 128>}]} {
    %get3A = arith.constant 0 : index
    %get3A_0 = arith.constant 0 : index
    %get3A_1 = arith.constant 0 : index
    %get3A_2 = vector.load %arg2[%get3A, %get3A_0, %get3A_1] : memref<1x4096x8xf32, #tpu.memory_space<vmem>>, vector<1x4096x8xf32>
    %reshape3A = vector.shape_cast %get3A_2 : vector<1x4096x8xf32> to vector<4096x8xf32>
    %get3A_3 = arith.constant 0 : index
    %get3A_4 = arith.constant 0 : index
    %get3A_5 = arith.constant 0 : index
    %get3A_6 = vector.load %arg3[%get3A_3, %get3A_4, %get3A_5] : memref<1x8x128xf32, #tpu.memory_space<vmem>>, vector<1x8x128xf32>
    %reshape3A_7 = vector.shape_cast %get3A_6 : vector<1x8x128xf32> to vector<8x128xf32>
    %slice3A = vector.extract_strided_slice %reshape3A {offsets = [0, 0], sizes = [4096, 3], strides = [1, 1]} : vector<4096x8xf32> to vector<4096x3xf32>
    %slice3A_8 = vector.extract_strided_slice %reshape3A {offsets = [0, 3], sizes = [4096, 1], strides = [1, 1]} : vector<4096x8xf32> to vector<4096x1xf32>
    %slice3A_9 = vector.extract_strided_slice %reshape3A_7 {offsets = [0, 0], sizes = [3, 128], strides = [1, 1]} : vector<8x128xf32> to vector<3x128xf32>
    %slice3A_10 = vector.extract_strided_slice %reshape3A_7 {offsets = [3, 0], sizes = [1, 128], strides = [1, 1]} : vector<8x128xf32> to vector<1x128xf32>
    %dot_general3A = arith.constant dense<0.000000e+00> : vector<4096x128xf32>
    %dot_general3A_11 = tpu.matmul %slice3A, %slice3A_9, %dot_general3A {dimension_numbers = #tpu.dot_dimension_numbers<[1], [0], [0], [1], [0, 0, 1, 1], [], []>, transpose_lhs_hint = false} : vector<4096x3xf32>, vector<3x128xf32>, vector<4096x128xf32> -> vector<4096x128xf32>
    %add3A = vector.broadcast %slice3A_10 : vector<1x128xf32> to vector<4096x128xf32>
    %add3A_12 = vector.broadcast %slice3A_8 : vector<4096x1xf32> to vector<4096x128xf32>
    %add3A_13 = arith.addf %add3A, %add3A_12 : vector<4096x128xf32>
    %mul3A = arith.constant 2.000000e+00 : f32
    %mul3A_14 = vector.broadcast %mul3A : f32 to vector<4096x128xf32>
    %mul3A_15 = arith.mulf %mul3A_14, %dot_general3A_11 : vector<4096x128xf32>
    %sub3A = arith.subf %add3A_13, %mul3A_15 : vector<4096x128xf32>
    %max3A = arith.constant 0.000000e+00 : f32
    %max3A_16 = vector.broadcast %max3A : f32 to vector<4096x128xf32>
    %max3A_17 = arith.maximumf %sub3A, %max3A_16 : vector<4096x128xf32>
    %bitcast_convert_type3A = tpu.bitcast %max3A_17 : vector<4096x128xf32> -> vector<4096x128xi32>
    %iota3A = tpu.iota {dimensions = array<i32: 0>} : vector<4096x128xi32>
    %and3A = arith.constant -4096 : i32
    %and3A_18 = vector.broadcast %and3A : i32 to vector<4096x128xi32>
    %and3A_19 = arith.andi %bitcast_convert_type3A, %and3A_18 : vector<4096x128xi32>
    %or3A = arith.ori %and3A_19, %iota3A : vector<4096x128xi32>
    %reshape3A_20 = vector.shape_cast %or3A : vector<4096x128xi32> to vector<16x256x128xi32>
    %slice3A_21 = vector.extract_strided_slice %reshape3A_20 {offsets = [0, 0, 0], sizes = [1, 256, 128], strides = [1, 1, 1]} : vector<16x256x128xi32> to vector<1x256x128xi32>
    %squeeze3A = vector.shape_cast %slice3A_21 : vector<1x256x128xi32> to vector<256x128xi32>
    %slice3A_22 = vector.extract_strided_slice %reshape3A_20 {offsets = [1, 0, 0], sizes = [1, 256, 128], strides = [1, 1, 1]} : vector<16x256x128xi32> to vector<1x256x128xi32>
    %squeeze3A_23 = vector.shape_cast %slice3A_22 : vector<1x256x128xi32> to vector<256x128xi32>
    %slice3A_24 = vector.extract_strided_slice %reshape3A_20 {offsets = [2, 0, 0], sizes = [1, 256, 128], strides = [1, 1, 1]} : vector<16x256x128xi32> to vector<1x256x128xi32>
    %squeeze3A_25 = vector.shape_cast %slice3A_24 : vector<1x256x128xi32> to vector<256x128xi32>
    %slice3A_26 = vector.extract_strided_slice %reshape3A_20 {offsets = [3, 0, 0], sizes = [1, 256, 128], strides = [1, 1, 1]} : vector<16x256x128xi32> to vector<1x256x128xi32>
    %squeeze3A_27 = vector.shape_cast %slice3A_26 : vector<1x256x128xi32> to vector<256x128xi32>
    %slice3A_28 = vector.extract_strided_slice %reshape3A_20 {offsets = [4, 0, 0], sizes = [1, 256, 128], strides = [1, 1, 1]} : vector<16x256x128xi32> to vector<1x256x128xi32>
    %squeeze3A_29 = vector.shape_cast %slice3A_28 : vector<1x256x128xi32> to vector<256x128xi32>
    %slice3A_30 = vector.extract_strided_slice %reshape3A_20 {offsets = [5, 0, 0], sizes = [1, 256, 128], strides = [1, 1, 1]} : vector<16x256x128xi32> to vector<1x256x128xi32>
    %squeeze3A_31 = vector.shape_cast %slice3A_30 : vector<1x256x128xi32> to vector<256x128xi32>
    %slice3A_32 = vector.extract_strided_slice %reshape3A_20 {offsets = [6, 0, 0], sizes = [1, 256, 128], strides = [1, 1, 1]} : vector<16x256x128xi32> to vector<1x256x128xi32>
    %squeeze3A_33 = vector.shape_cast %slice3A_32 : vector<1x256x128xi32> to vector<256x128xi32>
    %slice3A_34 = vector.extract_strided_slice %reshape3A_20 {offsets = [7, 0, 0], sizes = [1, 256, 128], strides = [1, 1, 1]} : vector<16x256x128xi32> to vector<1x256x128xi32>
    %squeeze3A_35 = vector.shape_cast %slice3A_34 : vector<1x256x128xi32> to vector<256x128xi32>
    %slice3A_36 = vector.extract_strided_slice %reshape3A_20 {offsets = [8, 0, 0], sizes = [1, 256, 128], strides = [1, 1, 1]} : vector<16x256x128xi32> to vector<1x256x128xi32>
    %squeeze3A_37 = vector.shape_cast %slice3A_36 : vector<1x256x128xi32> to vector<256x128xi32>
    %slice3A_38 = vector.extract_strided_slice %reshape3A_20 {offsets = [9, 0, 0], sizes = [1, 256, 128], strides = [1, 1, 1]} : vector<16x256x128xi32> to vector<1x256x128xi32>
    %squeeze3A_39 = vector.shape_cast %slice3A_38 : vector<1x256x128xi32> to vector<256x128xi32>
    %slice3A_40 = vector.extract_strided_slice %reshape3A_20 {offsets = [10, 0, 0], sizes = [1, 256, 128], strides = [1, 1, 1]} : vector<16x256x128xi32> to vector<1x256x128xi32>
    %squeeze3A_41 = vector.shape_cast %slice3A_40 : vector<1x256x128xi32> to vector<256x128xi32>
    %slice3A_42 = vector.extract_strided_slice %reshape3A_20 {offsets = [11, 0, 0], sizes = [1, 256, 128], strides = [1, 1, 1]} : vector<16x256x128xi32> to vector<1x256x128xi32>
    %squeeze3A_43 = vector.shape_cast %slice3A_42 : vector<1x256x128xi32> to vector<256x128xi32>
    %slice3A_44 = vector.extract_strided_slice %reshape3A_20 {offsets = [12, 0, 0], sizes = [1, 256, 128], strides = [1, 1, 1]} : vector<16x256x128xi32> to vector<1x256x128xi32>
    %squeeze3A_45 = vector.shape_cast %slice3A_44 : vector<1x256x128xi32> to vector<256x128xi32>
    %slice3A_46 = vector.extract_strided_slice %reshape3A_20 {offsets = [13, 0, 0], sizes = [1, 256, 128], strides = [1, 1, 1]} : vector<16x256x128xi32> to vector<1x256x128xi32>
    %squeeze3A_47 = vector.shape_cast %slice3A_46 : vector<1x256x128xi32> to vector<256x128xi32>
    %slice3A_48 = vector.extract_strided_slice %reshape3A_20 {offsets = [14, 0, 0], sizes = [1, 256, 128], strides = [1, 1, 1]} : vector<16x256x128xi32> to vector<1x256x128xi32>
    %squeeze3A_49 = vector.shape_cast %slice3A_48 : vector<1x256x128xi32> to vector<256x128xi32>
    %slice3A_50 = vector.extract_strided_slice %reshape3A_20 {offsets = [15, 0, 0], sizes = [1, 256, 128], strides = [1, 1, 1]} : vector<16x256x128xi32> to vector<1x256x128xi32>
    %squeeze3A_51 = vector.shape_cast %slice3A_50 : vector<1x256x128xi32> to vector<256x128xi32>
    %min3A = arith.minsi %squeeze3A, %squeeze3A_23 : vector<256x128xi32>
    %max3A_52 = arith.maxsi %squeeze3A, %squeeze3A_23 : vector<256x128xi32>
    %min3A_53 = arith.minsi %squeeze3A_25, %squeeze3A_27 : vector<256x128xi32>
    %max3A_54 = arith.maxsi %squeeze3A_25, %squeeze3A_27 : vector<256x128xi32>
    %min3A_55 = arith.minsi %min3A, %min3A_53 : vector<256x128xi32>
    %max3A_56 = arith.maxsi %min3A, %min3A_53 : vector<256x128xi32>
    %min3A_57 = arith.minsi %max3A_52, %max3A_54 : vector<256x128xi32>
    %max3A_58 = arith.maxsi %max3A_52, %max3A_54 : vector<256x128xi32>
    %min3A_59 = arith.minsi %min3A_57, %max3A_56 : vector<256x128xi32>
    %max3A_60 = arith.maxsi %min3A_57, %max3A_56 : vector<256x128xi32>
    %min3A_61 = arith.minsi %squeeze3A_29, %squeeze3A_31 : vector<256x128xi32>
    %max3A_62 = arith.maxsi %squeeze3A_29, %squeeze3A_31 : vector<256x128xi32>
    %min3A_63 = arith.minsi %squeeze3A_33, %squeeze3A_35 : vector<256x128xi32>
    %max3A_64 = arith.maxsi %squeeze3A_33, %squeeze3A_35 : vector<256x128xi32>
    %min3A_65 = arith.minsi %min3A_61, %min3A_63 : vector<256x128xi32>
    %max3A_66 = arith.maxsi %min3A_61, %min3A_63 : vector<256x128xi32>
    %min3A_67 = arith.minsi %max3A_62, %max3A_64 : vector<256x128xi32>
    %max3A_68 = arith.maxsi %max3A_62, %max3A_64 : vector<256x128xi32>
    %min3A_69 = arith.minsi %min3A_67, %max3A_66 : vector<256x128xi32>
    %max3A_70 = arith.maxsi %min3A_67, %max3A_66 : vector<256x128xi32>
    %min3A_71 = arith.minsi %min3A_55, %min3A_65 : vector<256x128xi32>
    %max3A_72 = arith.maxsi %min3A_55, %min3A_65 : vector<256x128xi32>
    %min3A_73 = arith.minsi %max3A_60, %max3A_70 : vector<256x128xi32>
    %max3A_74 = arith.maxsi %max3A_60, %max3A_70 : vector<256x128xi32>
    %min3A_75 = arith.minsi %min3A_73, %max3A_72 : vector<256x128xi32>
    %max3A_76 = arith.maxsi %min3A_73, %max3A_72 : vector<256x128xi32>
    %min3A_77 = arith.minsi %min3A_59, %min3A_69 : vector<256x128xi32>
    %max3A_78 = arith.maxsi %min3A_59, %min3A_69 : vector<256x128xi32>
    %min3A_79 = arith.minsi %max3A_58, %max3A_68 : vector<256x128xi32>
    %max3A_80 = arith.maxsi %max3A_58, %max3A_68 : vector<256x128xi32>
    %min3A_81 = arith.minsi %min3A_79, %max3A_78 : vector<256x128xi32>
    %max3A_82 = arith.maxsi %min3A_79, %max3A_78 : vector<256x128xi32>
    %min3A_83 = arith.minsi %min3A_77, %min3A_75 : vector<256x128xi32>
    %max3A_84 = arith.maxsi %min3A_77, %min3A_75 : vector<256x128xi32>
    %min3A_85 = arith.minsi %min3A_81, %max3A_76 : vector<256x128xi32>
    %max3A_86 = arith.maxsi %min3A_81, %max3A_76 : vector<256x128xi32>
    %min3A_87 = arith.minsi %max3A_82, %max3A_74 : vector<256x128xi32>
    %max3A_88 = arith.maxsi %max3A_82, %max3A_74 : vector<256x128xi32>
    %min3A_89 = arith.minsi %squeeze3A_37, %squeeze3A_39 : vector<256x128xi32>
    %max3A_90 = arith.maxsi %squeeze3A_37, %squeeze3A_39 : vector<256x128xi32>
    %min3A_91 = arith.minsi %squeeze3A_41, %squeeze3A_43 : vector<256x128xi32>
    %max3A_92 = arith.maxsi %squeeze3A_41, %squeeze3A_43 : vector<256x128xi32>
    %min3A_93 = arith.minsi %min3A_89, %min3A_91 : vector<256x128xi32>
    %max3A_94 = arith.maxsi %min3A_89, %min3A_91 : vector<256x128xi32>
    %min3A_95 = arith.minsi %max3A_90, %max3A_92 : vector<256x128xi32>
    %max3A_96 = arith.maxsi %max3A_90, %max3A_92 : vector<256x128xi32>
    %min3A_97 = arith.minsi %min3A_95, %max3A_94 : vector<256x128xi32>
    %max3A_98 = arith.maxsi %min3A_95, %max3A_94 : vector<256x128xi32>
    %min3A_99 = arith.minsi %squeeze3A_45, %squeeze3A_47 : vector<256x128xi32>
    %max3A_100 = arith.maxsi %squeeze3A_45, %squeeze3A_47 : vector<256x128xi32>
    %min3A_101 = arith.minsi %squeeze3A_49, %squeeze3A_51 : vector<256x128xi32>
    %max3A_102 = arith.maxsi %squeeze3A_49, %squeeze3A_51 : vector<256x128xi32>
    %min3A_103 = arith.minsi %min3A_99, %min3A_101 : vector<256x128xi32>
    %max3A_104 = arith.maxsi %min3A_99, %min3A_101 : vector<256x128xi32>
    %min3A_105 = arith.minsi %max3A_100, %max3A_102 : vector<256x128xi32>
    %max3A_106 = arith.maxsi %max3A_100, %max3A_102 : vector<256x128xi32>
    %min3A_107 = arith.minsi %min3A_105, %max3A_104 : vector<256x128xi32>
    %max3A_108 = arith.maxsi %min3A_105, %max3A_104 : vector<256x128xi32>
    %min3A_109 = arith.minsi %min3A_93, %min3A_103 : vector<256x128xi32>
    %max3A_110 = arith.maxsi %min3A_93, %min3A_103 : vector<256x128xi32>
    %min3A_111 = arith.minsi %max3A_98, %max3A_108 : vector<256x128xi32>
    %max3A_112 = arith.maxsi %max3A_98, %max3A_108 : vector<256x128xi32>
    %min3A_113 = arith.minsi %min3A_111, %max3A_110 : vector<256x128xi32>
    %max3A_114 = arith.maxsi %min3A_111, %max3A_110 : vector<256x128xi32>
    %min3A_115 = arith.minsi %min3A_97, %min3A_107 : vector<256x128xi32>
    %max3A_116 = arith.maxsi %min3A_97, %min3A_107 : vector<256x128xi32>
    %min3A_117 = arith.minsi %max3A_96, %max3A_106 : vector<256x128xi32>
    %max3A_118 = arith.maxsi %max3A_96, %max3A_106 : vector<256x128xi32>
    %min3A_119 = arith.minsi %min3A_117, %max3A_116 : vector<256x128xi32>
    %max3A_120 = arith.maxsi %min3A_117, %max3A_116 : vector<256x128xi32>
    %min3A_121 = arith.minsi %min3A_115, %min3A_113 : vector<256x128xi32>
    %max3A_122 = arith.maxsi %min3A_115, %min3A_113 : vector<256x128xi32>
    %min3A_123 = arith.minsi %min3A_119, %max3A_114 : vector<256x128xi32>
    %max3A_124 = arith.maxsi %min3A_119, %max3A_114 : vector<256x128xi32>
    %min3A_125 = arith.minsi %max3A_120, %max3A_112 : vector<256x128xi32>
    %max3A_126 = arith.maxsi %max3A_120, %max3A_112 : vector<256x128xi32>
    %min3A_127 = arith.minsi %min3A_71, %min3A_109 : vector<256x128xi32>
    %max3A_128 = arith.maxsi %min3A_71, %min3A_109 : vector<256x128xi32>
    %min3A_129 = arith.minsi %max3A_86, %max3A_124 : vector<256x128xi32>
    %max3A_130 = arith.maxsi %max3A_86, %max3A_124 : vector<256x128xi32>
    %min3A_131 = arith.minsi %min3A_129, %max3A_128 : vector<256x128xi32>
    %max3A_132 = arith.maxsi %min3A_129, %max3A_128 : vector<256x128xi32>
    %min3A_133 = arith.minsi %max3A_84, %max3A_122 : vector<256x128xi32>
    %max3A_134 = arith.maxsi %max3A_84, %max3A_122 : vector<256x128xi32>
    %min3A_135 = arith.minsi %max3A_88, %max3A_126 : vector<256x128xi32>
    %max3A_136 = arith.maxsi %max3A_88, %max3A_126 : vector<256x128xi32>
    %min3A_137 = arith.minsi %min3A_135, %max3A_134 : vector<256x128xi32>
    %max3A_138 = arith.maxsi %min3A_135, %max3A_134 : vector<256x128xi32>
    %min3A_139 = arith.minsi %min3A_133, %min3A_131 : vector<256x128xi32>
    %max3A_140 = arith.maxsi %min3A_133, %min3A_131 : vector<256x128xi32>
    %min3A_141 = arith.minsi %min3A_137, %max3A_132 : vector<256x128xi32>
    %max3A_142 = arith.maxsi %min3A_137, %max3A_132 : vector<256x128xi32>
    %min3A_143 = arith.minsi %max3A_138, %max3A_130 : vector<256x128xi32>
    %max3A_144 = arith.maxsi %max3A_138, %max3A_130 : vector<256x128xi32>
    %min3A_145 = arith.minsi %min3A_83, %min3A_121 : vector<256x128xi32>
    %max3A_146 = arith.maxsi %min3A_83, %min3A_121 : vector<256x128xi32>
    %min3A_147 = arith.minsi %min3A_87, %min3A_125 : vector<256x128xi32>
    %max3A_148 = arith.maxsi %min3A_87, %min3A_125 : vector<256x128xi32>
    %min3A_149 = arith.minsi %min3A_147, %max3A_146 : vector<256x128xi32>
    %max3A_150 = arith.maxsi %min3A_147, %max3A_146 : vector<256x128xi32>
    %min3A_151 = arith.minsi %min3A_85, %min3A_123 : vector<256x128xi32>
    %max3A_152 = arith.maxsi %min3A_85, %min3A_123 : vector<256x128xi32>
    %min3A_153 = arith.minsi %max3A_80, %max3A_118 : vector<256x128xi32>
    %max3A_154 = arith.maxsi %max3A_80, %max3A_118 : vector<256x128xi32>
    %min3A_155 = arith.minsi %min3A_153, %max3A_152 : vector<256x128xi32>
    %max3A_156 = arith.maxsi %min3A_153, %max3A_152 : vector<256x128xi32>
    %min3A_157 = arith.minsi %min3A_151, %min3A_149 : vector<256x128xi32>
    %max3A_158 = arith.maxsi %min3A_151, %min3A_149 : vector<256x128xi32>
    %min3A_159 = arith.minsi %min3A_155, %max3A_150 : vector<256x128xi32>
    %max3A_160 = arith.maxsi %min3A_155, %max3A_150 : vector<256x128xi32>
    %min3A_161 = arith.minsi %max3A_156, %max3A_148 : vector<256x128xi32>
    %max3A_162 = arith.maxsi %max3A_156, %max3A_148 : vector<256x128xi32>
    %min3A_163 = arith.minsi %min3A_145, %min3A_139 : vector<256x128xi32>
    %max3A_164 = arith.maxsi %min3A_145, %min3A_139 : vector<256x128xi32>
    %min3A_165 = arith.minsi %min3A_157, %max3A_140 : vector<256x128xi32>
    %max3A_166 = arith.maxsi %min3A_157, %max3A_140 : vector<256x128xi32>
    %min3A_167 = arith.minsi %max3A_158, %min3A_141 : vector<256x128xi32>
    %max3A_168 = arith.maxsi %max3A_158, %min3A_141 : vector<256x128xi32>
    %min3A_169 = arith.minsi %min3A_159, %max3A_142 : vector<256x128xi32>
    %max3A_170 = arith.maxsi %min3A_159, %max3A_142 : vector<256x128xi32>
    %min3A_171 = arith.minsi %max3A_160, %min3A_143 : vector<256x128xi32>
    %max3A_172 = arith.maxsi %max3A_160, %min3A_143 : vector<256x128xi32>
    %min3A_173 = arith.minsi %min3A_161, %max3A_144 : vector<256x128xi32>
    %max3A_174 = arith.maxsi %min3A_161, %max3A_144 : vector<256x128xi32>
    %min3A_175 = arith.minsi %max3A_162, %max3A_136 : vector<256x128xi32>
    %max3A_176 = arith.maxsi %max3A_162, %max3A_136 : vector<256x128xi32>
    %slice3A_177 = vector.extract_strided_slice %min3A_127 {offsets = [0, 0], sizes = [128, 128], strides = [1, 1]} : vector<256x128xi32> to vector<128x128xi32>
    %slice3A_178 = vector.extract_strided_slice %max3A_154 {offsets = [128, 0], sizes = [128, 128], strides = [1, 1]} : vector<256x128xi32> to vector<128x128xi32>
    %min3A_179 = arith.minsi %slice3A_177, %slice3A_178 : vector<128x128xi32>
    %slice3A_180 = vector.extract_strided_slice %min3A_163 {offsets = [0, 0], sizes = [128, 128], strides = [1, 1]} : vector<256x128xi32> to vector<128x128xi32>
    %slice3A_181 = vector.extract_strided_slice %max3A_176 {offsets = [128, 0], sizes = [128, 128], strides = [1, 1]} : vector<256x128xi32> to vector<128x128xi32>
    %min3A_182 = arith.minsi %slice3A_180, %slice3A_181 : vector<128x128xi32>
    %slice3A_183 = vector.extract_strided_slice %max3A_164 {offsets = [0, 0], sizes = [128, 128], strides = [1, 1]} : vector<256x128xi32> to vector<128x128xi32>
    %slice3A_184 = vector.extract_strided_slice %min3A_175 {offsets = [128, 0], sizes = [128, 128], strides = [1, 1]} : vector<256x128xi32> to vector<128x128xi32>
    %min3A_185 = arith.minsi %slice3A_183, %slice3A_184 : vector<128x128xi32>
    %slice3A_186 = vector.extract_strided_slice %min3A_165 {offsets = [0, 0], sizes = [128, 128], strides = [1, 1]} : vector<256x128xi32> to vector<128x128xi32>
    %slice3A_187 = vector.extract_strided_slice %max3A_174 {offsets = [128, 0], sizes = [128, 128], strides = [1, 1]} : vector<256x128xi32> to vector<128x128xi32>
    %min3A_188 = arith.minsi %slice3A_186, %slice3A_187 : vector<128x128xi32>
    %slice3A_189 = vector.extract_strided_slice %max3A_166 {offsets = [0, 0], sizes = [128, 128], strides = [1, 1]} : vector<256x128xi32> to vector<128x128xi32>
    %slice3A_190 = vector.extract_strided_slice %min3A_173 {offsets = [128, 0], sizes = [128, 128], strides = [1, 1]} : vector<256x128xi32> to vector<128x128xi32>
    %min3A_191 = arith.minsi %slice3A_189, %slice3A_190 : vector<128x128xi32>
    %slice3A_192 = vector.extract_strided_slice %min3A_167 {offsets = [0, 0], sizes = [128, 128], strides = [1, 1]} : vector<256x128xi32> to vector<128x128xi32>
    %slice3A_193 = vector.extract_strided_slice %max3A_172 {offsets = [128, 0], sizes = [128, 128], strides = [1, 1]} : vector<256x128xi32> to vector<128x128xi32>
    %min3A_194 = arith.minsi %slice3A_192, %slice3A_193 : vector<128x128xi32>
    %slice3A_195 = vector.extract_strided_slice %max3A_168 {offsets = [0, 0], sizes = [128, 128], strides = [1, 1]} : vector<256x128xi32> to vector<128x128xi32>
    %slice3A_196 = vector.extract_strided_slice %min3A_171 {offsets = [128, 0], sizes = [128, 128], strides = [1, 1]} : vector<256x128xi32> to vector<128x128xi32>
    %min3A_197 = arith.minsi %slice3A_195, %slice3A_196 : vector<128x128xi32>
    %slice3A_198 = vector.extract_strided_slice %min3A_169 {offsets = [0, 0], sizes = [128, 128], strides = [1, 1]} : vector<256x128xi32> to vector<128x128xi32>
    %slice3A_199 = vector.extract_strided_slice %max3A_170 {offsets = [128, 0], sizes = [128, 128], strides = [1, 1]} : vector<256x128xi32> to vector<128x128xi32>
    %min3A_200 = arith.minsi %slice3A_198, %slice3A_199 : vector<128x128xi32>
    %slice3A_201 = vector.extract_strided_slice %max3A_170 {offsets = [0, 0], sizes = [128, 128], strides = [1, 1]} : vector<256x128xi32> to vector<128x128xi32>
    %slice3A_202 = vector.extract_strided_slice %min3A_169 {offsets = [128, 0], sizes = [128, 128], strides = [1, 1]} : vector<256x128xi32> to vector<128x128xi32>
    %min3A_203 = arith.minsi %slice3A_201, %slice3A_202 : vector<128x128xi32>
    %slice3A_204 = vector.extract_strided_slice %min3A_171 {offsets = [0, 0], sizes = [128, 128], strides = [1, 1]} : vector<256x128xi32> to vector<128x128xi32>
    %slice3A_205 = vector.extract_strided_slice %max3A_168 {offsets = [128, 0], sizes = [128, 128], strides = [1, 1]} : vector<256x128xi32> to vector<128x128xi32>
    %min3A_206 = arith.minsi %slice3A_204, %slice3A_205 : vector<128x128xi32>
    %slice3A_207 = vector.extract_strided_slice %max3A_172 {offsets = [0, 0], sizes = [128, 128], strides = [1, 1]} : vector<256x128xi32> to vector<128x128xi32>
    %slice3A_208 = vector.extract_strided_slice %min3A_167 {offsets = [128, 0], sizes = [128, 128], strides = [1, 1]} : vector<256x128xi32> to vector<128x128xi32>
    %min3A_209 = arith.minsi %slice3A_207, %slice3A_208 : vector<128x128xi32>
    %slice3A_210 = vector.extract_strided_slice %min3A_173 {offsets = [0, 0], sizes = [128, 128], strides = [1, 1]} : vector<256x128xi32> to vector<128x128xi32>
    %slice3A_211 = vector.extract_strided_slice %max3A_166 {offsets = [128, 0], sizes = [128, 128], strides = [1, 1]} : vector<256x128xi32> to vector<128x128xi32>
    %min3A_212 = arith.minsi %slice3A_210, %slice3A_211 : vector<128x128xi32>
    %slice3A_213 = vector.extract_strided_slice %max3A_174 {offsets = [0, 0], sizes = [128, 128], strides = [1, 1]} : vector<256x128xi32> to vector<128x128xi32>
    %slice3A_214 = vector.extract_strided_slice %min3A_165 {offsets = [128, 0], sizes = [128, 128], strides = [1, 1]} : vector<256x128xi32> to vector<128x128xi32>
    %min3A_215 = arith.minsi %slice3A_213, %slice3A_214 : vector<128x128xi32>
    %slice3A_216 = vector.extract_strided_slice %min3A_175 {offsets = [0, 0], sizes = [128, 128], strides = [1, 1]} : vector<256x128xi32> to vector<128x128xi32>
    %slice3A_217 = vector.extract_strided_slice %max3A_164 {offsets = [128, 0], sizes = [128, 128], strides = [1, 1]} : vector<256x128xi32> to vector<128x128xi32>
    %min3A_218 = arith.minsi %slice3A_216, %slice3A_217 : vector<128x128xi32>
    %slice3A_219 = vector.extract_strided_slice %max3A_176 {offsets = [0, 0], sizes = [128, 128], strides = [1, 1]} : vector<256x128xi32> to vector<128x128xi32>
    %slice3A_220 = vector.extract_strided_slice %min3A_163 {offsets = [128, 0], sizes = [128, 128], strides = [1, 1]} : vector<256x128xi32> to vector<128x128xi32>
    %min3A_221 = arith.minsi %slice3A_219, %slice3A_220 : vector<128x128xi32>
    %slice3A_222 = vector.extract_strided_slice %max3A_154 {offsets = [0, 0], sizes = [128, 128], strides = [1, 1]} : vector<256x128xi32> to vector<128x128xi32>
    %slice3A_223 = vector.extract_strided_slice %min3A_127 {offsets = [128, 0], sizes = [128, 128], strides = [1, 1]} : vector<256x128xi32> to vector<128x128xi32>
    %min3A_224 = arith.minsi %slice3A_222, %slice3A_223 : vector<128x128xi32>
    %min3A_225 = arith.minsi %min3A_179, %min3A_203 : vector<128x128xi32>
    %max3A_226 = arith.maxsi %min3A_179, %min3A_203 : vector<128x128xi32>
    %min3A_227 = arith.minsi %min3A_182, %min3A_206 : vector<128x128xi32>
    %max3A_228 = arith.maxsi %min3A_182, %min3A_206 : vector<128x128xi32>
    %min3A_229 = arith.minsi %min3A_185, %min3A_209 : vector<128x128xi32>
    %max3A_230 = arith.maxsi %min3A_185, %min3A_209 : vector<128x128xi32>
    %min3A_231 = arith.minsi %min3A_188, %min3A_212 : vector<128x128xi32>
    %max3A_232 = arith.maxsi %min3A_188, %min3A_212 : vector<128x128xi32>
    %min3A_233 = arith.minsi %min3A_191, %min3A_215 : vector<128x128xi32>
    %max3A_234 = arith.maxsi %min3A_191, %min3A_215 : vector<128x128xi32>
    %min3A_235 = arith.minsi %min3A_194, %min3A_218 : vector<128x128xi32>
    %max3A_236 = arith.maxsi %min3A_194, %min3A_218 : vector<128x128xi32>
    %min3A_237 = arith.minsi %min3A_197, %min3A_221 : vector<128x128xi32>
    %max3A_238 = arith.maxsi %min3A_197, %min3A_221 : vector<128x128xi32>
    %min3A_239 = arith.minsi %min3A_200, %min3A_224 : vector<128x128xi32>
    %max3A_240 = arith.maxsi %min3A_200, %min3A_224 : vector<128x128xi32>
    %min3A_241 = arith.minsi %min3A_225, %min3A_233 : vector<128x128xi32>
    %max3A_242 = arith.maxsi %min3A_225, %min3A_233 : vector<128x128xi32>
    %min3A_243 = arith.minsi %min3A_227, %min3A_235 : vector<128x128xi32>
    %max3A_244 = arith.maxsi %min3A_227, %min3A_235 : vector<128x128xi32>
    %min3A_245 = arith.minsi %min3A_229, %min3A_237 : vector<128x128xi32>
    %max3A_246 = arith.maxsi %min3A_229, %min3A_237 : vector<128x128xi32>
    %min3A_247 = arith.minsi %min3A_231, %min3A_239 : vector<128x128xi32>
    %max3A_248 = arith.maxsi %min3A_231, %min3A_239 : vector<128x128xi32>
    %min3A_249 = arith.minsi %max3A_226, %max3A_234 : vector<128x128xi32>
    %max3A_250 = arith.maxsi %max3A_226, %max3A_234 : vector<128x128xi32>
    %min3A_251 = arith.minsi %max3A_228, %max3A_236 : vector<128x128xi32>
    %max3A_252 = arith.maxsi %max3A_228, %max3A_236 : vector<128x128xi32>
    %min3A_253 = arith.minsi %max3A_230, %max3A_238 : vector<128x128xi32>
    %max3A_254 = arith.maxsi %max3A_230, %max3A_238 : vector<128x128xi32>
    %min3A_255 = arith.minsi %max3A_232, %max3A_240 : vector<128x128xi32>
    %max3A_256 = arith.maxsi %max3A_232, %max3A_240 : vector<128x128xi32>
    %min3A_257 = arith.minsi %min3A_241, %min3A_245 : vector<128x128xi32>
    %max3A_258 = arith.maxsi %min3A_241, %min3A_245 : vector<128x128xi32>
    %min3A_259 = arith.minsi %min3A_243, %min3A_247 : vector<128x128xi32>
    %max3A_260 = arith.maxsi %min3A_243, %min3A_247 : vector<128x128xi32>
    %min3A_261 = arith.minsi %max3A_242, %max3A_246 : vector<128x128xi32>
    %max3A_262 = arith.maxsi %max3A_242, %max3A_246 : vector<128x128xi32>
    %min3A_263 = arith.minsi %max3A_244, %max3A_248 : vector<128x128xi32>
    %max3A_264 = arith.maxsi %max3A_244, %max3A_248 : vector<128x128xi32>
    %min3A_265 = arith.minsi %min3A_249, %min3A_253 : vector<128x128xi32>
    %max3A_266 = arith.maxsi %min3A_249, %min3A_253 : vector<128x128xi32>
    %min3A_267 = arith.minsi %min3A_251, %min3A_255 : vector<128x128xi32>
    %max3A_268 = arith.maxsi %min3A_251, %min3A_255 : vector<128x128xi32>
    %min3A_269 = arith.minsi %max3A_250, %max3A_254 : vector<128x128xi32>
    %max3A_270 = arith.maxsi %max3A_250, %max3A_254 : vector<128x128xi32>
    %min3A_271 = arith.minsi %max3A_252, %max3A_256 : vector<128x128xi32>
    %max3A_272 = arith.maxsi %max3A_252, %max3A_256 : vector<128x128xi32>
    %min3A_273 = arith.minsi %min3A_257, %min3A_259 : vector<128x128xi32>
    %max3A_274 = arith.maxsi %min3A_257, %min3A_259 : vector<128x128xi32>
    %min3A_275 = arith.minsi %max3A_258, %max3A_260 : vector<128x128xi32>
    %max3A_276 = arith.maxsi %max3A_258, %max3A_260 : vector<128x128xi32>
    %min3A_277 = arith.minsi %min3A_261, %min3A_263 : vector<128x128xi32>
    %max3A_278 = arith.maxsi %min3A_261, %min3A_263 : vector<128x128xi32>
    %min3A_279 = arith.minsi %max3A_262, %max3A_264 : vector<128x128xi32>
    %max3A_280 = arith.maxsi %max3A_262, %max3A_264 : vector<128x128xi32>
    %min3A_281 = arith.minsi %min3A_265, %min3A_267 : vector<128x128xi32>
    %max3A_282 = arith.maxsi %min3A_265, %min3A_267 : vector<128x128xi32>
    %min3A_283 = arith.minsi %max3A_266, %max3A_268 : vector<128x128xi32>
    %max3A_284 = arith.maxsi %max3A_266, %max3A_268 : vector<128x128xi32>
    %min3A_285 = arith.minsi %min3A_269, %min3A_271 : vector<128x128xi32>
    %max3A_286 = arith.maxsi %min3A_269, %min3A_271 : vector<128x128xi32>
    %min3A_287 = arith.minsi %max3A_270, %max3A_272 : vector<128x128xi32>
    %max3A_288 = arith.maxsi %max3A_270, %max3A_272 : vector<128x128xi32>
    %slice3A_289 = vector.extract_strided_slice %min3A_273 {offsets = [0, 0], sizes = [64, 128], strides = [1, 1]} : vector<128x128xi32> to vector<64x128xi32>
    %slice3A_290 = vector.extract_strided_slice %max3A_288 {offsets = [64, 0], sizes = [64, 128], strides = [1, 1]} : vector<128x128xi32> to vector<64x128xi32>
    %min3A_291 = arith.minsi %slice3A_289, %slice3A_290 : vector<64x128xi32>
    %slice3A_292 = vector.extract_strided_slice %max3A_274 {offsets = [0, 0], sizes = [64, 128], strides = [1, 1]} : vector<128x128xi32> to vector<64x128xi32>
    %slice3A_293 = vector.extract_strided_slice %min3A_287 {offsets = [64, 0], sizes = [64, 128], strides = [1, 1]} : vector<128x128xi32> to vector<64x128xi32>
    %min3A_294 = arith.minsi %slice3A_292, %slice3A_293 : vector<64x128xi32>
    %slice3A_295 = vector.extract_strided_slice %min3A_275 {offsets = [0, 0], sizes = [64, 128], strides = [1, 1]} : vector<128x128xi32> to vector<64x128xi32>
    %slice3A_296 = vector.extract_strided_slice %max3A_286 {offsets = [64, 0], sizes = [64, 128], strides = [1, 1]} : vector<128x128xi32> to vector<64x128xi32>
    %min3A_297 = arith.minsi %slice3A_295, %slice3A_296 : vector<64x128xi32>
    %slice3A_298 = vector.extract_strided_slice %max3A_276 {offsets = [0, 0], sizes = [64, 128], strides = [1, 1]} : vector<128x128xi32> to vector<64x128xi32>
    %slice3A_299 = vector.extract_strided_slice %min3A_285 {offsets = [64, 0], sizes = [64, 128], strides = [1, 1]} : vector<128x128xi32> to vector<64x128xi32>
    %min3A_300 = arith.minsi %slice3A_298, %slice3A_299 : vector<64x128xi32>
    %slice3A_301 = vector.extract_strided_slice %min3A_277 {offsets = [0, 0], sizes = [64, 128], strides = [1, 1]} : vector<128x128xi32> to vector<64x128xi32>
    %slice3A_302 = vector.extract_strided_slice %max3A_284 {offsets = [64, 0], sizes = [64, 128], strides = [1, 1]} : vector<128x128xi32> to vector<64x128xi32>
    %min3A_303 = arith.minsi %slice3A_301, %slice3A_302 : vector<64x128xi32>
    %slice3A_304 = vector.extract_strided_slice %max3A_278 {offsets = [0, 0], sizes = [64, 128], strides = [1, 1]} : vector<128x128xi32> to vector<64x128xi32>
    %slice3A_305 = vector.extract_strided_slice %min3A_283 {offsets = [64, 0], sizes = [64, 128], strides = [1, 1]} : vector<128x128xi32> to vector<64x128xi32>
    %min3A_306 = arith.minsi %slice3A_304, %slice3A_305 : vector<64x128xi32>
    %slice3A_307 = vector.extract_strided_slice %min3A_279 {offsets = [0, 0], sizes = [64, 128], strides = [1, 1]} : vector<128x128xi32> to vector<64x128xi32>
    %slice3A_308 = vector.extract_strided_slice %max3A_282 {offsets = [64, 0], sizes = [64, 128], strides = [1, 1]} : vector<128x128xi32> to vector<64x128xi32>
    %min3A_309 = arith.minsi %slice3A_307, %slice3A_308 : vector<64x128xi32>
    %slice3A_310 = vector.extract_strided_slice %max3A_280 {offsets = [0, 0], sizes = [64, 128], strides = [1, 1]} : vector<128x128xi32> to vector<64x128xi32>
    %slice3A_311 = vector.extract_strided_slice %min3A_281 {offsets = [64, 0], sizes = [64, 128], strides = [1, 1]} : vector<128x128xi32> to vector<64x128xi32>
    %min3A_312 = arith.minsi %slice3A_310, %slice3A_311 : vector<64x128xi32>
    %slice3A_313 = vector.extract_strided_slice %min3A_281 {offsets = [0, 0], sizes = [64, 128], strides = [1, 1]} : vector<128x128xi32> to vector<64x128xi32>
    %slice3A_314 = vector.extract_strided_slice %max3A_280 {offsets = [64, 0], sizes = [64, 128], strides = [1, 1]} : vector<128x128xi32> to vector<64x128xi32>
    %min3A_315 = arith.minsi %slice3A_313, %slice3A_314 : vector<64x128xi32>
    %slice3A_316 = vector.extract_strided_slice %max3A_282 {offsets = [0, 0], sizes = [64, 128], strides = [1, 1]} : vector<128x128xi32> to vector<64x128xi32>
    %slice3A_317 = vector.extract_strided_slice %min3A_279 {offsets = [64, 0], sizes = [64, 128], strides = [1, 1]} : vector<128x128xi32> to vector<64x128xi32>
    %min3A_318 = arith.minsi %slice3A_316, %slice3A_317 : vector<64x128xi32>
    %slice3A_319 = vector.extract_strided_slice %min3A_283 {offsets = [0, 0], sizes = [64, 128], strides = [1, 1]} : vector<128x128xi32> to vector<64x128xi32>
    %slice3A_320 = vector.extract_strided_slice %max3A_278 {offsets = [64, 0], sizes = [64, 128], strides = [1, 1]} : vector<128x128xi32> to vector<64x128xi32>
    %min3A_321 = arith.minsi %slice3A_319, %slice3A_320 : vector<64x128xi32>
    %slice3A_322 = vector.extract_strided_slice %max3A_284 {offsets = [0, 0], sizes = [64, 128], strides = [1, 1]} : vector<128x128xi32> to vector<64x128xi32>
    %slice3A_323 = vector.extract_strided_slice %min3A_277 {offsets = [64, 0], sizes = [64, 128], strides = [1, 1]} : vector<128x128xi32> to vector<64x128xi32>
    %min3A_324 = arith.minsi %slice3A_322, %slice3A_323 : vector<64x128xi32>
    %slice3A_325 = vector.extract_strided_slice %min3A_285 {offsets = [0, 0], sizes = [64, 128], strides = [1, 1]} : vector<128x128xi32> to vector<64x128xi32>
    %slice3A_326 = vector.extract_strided_slice %max3A_276 {offsets = [64, 0], sizes = [64, 128], strides = [1, 1]} : vector<128x128xi32> to vector<64x128xi32>
    %min3A_327 = arith.minsi %slice3A_325, %slice3A_326 : vector<64x128xi32>
    %slice3A_328 = vector.extract_strided_slice %max3A_286 {offsets = [0, 0], sizes = [64, 128], strides = [1, 1]} : vector<128x128xi32> to vector<64x128xi32>
    %slice3A_329 = vector.extract_strided_slice %min3A_275 {offsets = [64, 0], sizes = [64, 128], strides = [1, 1]} : vector<128x128xi32> to vector<64x128xi32>
    %min3A_330 = arith.minsi %slice3A_328, %slice3A_329 : vector<64x128xi32>
    %slice3A_331 = vector.extract_strided_slice %min3A_287 {offsets = [0, 0], sizes = [64, 128], strides = [1, 1]} : vector<128x128xi32> to vector<64x128xi32>
    %slice3A_332 = vector.extract_strided_slice %max3A_274 {offsets = [64, 0], sizes = [64, 128], strides = [1, 1]} : vector<128x128xi32> to vector<64x128xi32>
    %min3A_333 = arith.minsi %slice3A_331, %slice3A_332 : vector<64x128xi32>
    %slice3A_334 = vector.extract_strided_slice %max3A_288 {offsets = [0, 0], sizes = [64, 128], strides = [1, 1]} : vector<128x128xi32> to vector<64x128xi32>
    %slice3A_335 = vector.extract_strided_slice %min3A_273 {offsets = [64, 0], sizes = [64, 128], strides = [1, 1]} : vector<128x128xi32> to vector<64x128xi32>
    %min3A_336 = arith.minsi %slice3A_334, %slice3A_335 : vector<64x128xi32>
    %min3A_337 = arith.minsi %min3A_291, %min3A_315 : vector<64x128xi32>
    %max3A_338 = arith.maxsi %min3A_291, %min3A_315 : vector<64x128xi32>
    %min3A_339 = arith.minsi %min3A_294, %min3A_318 : vector<64x128xi32>
    %max3A_340 = arith.maxsi %min3A_294, %min3A_318 : vector<64x128xi32>
    %min3A_341 = arith.minsi %min3A_297, %min3A_321 : vector<64x128xi32>
    %max3A_342 = arith.maxsi %min3A_297, %min3A_321 : vector<64x128xi32>
    %min3A_343 = arith.minsi %min3A_300, %min3A_324 : vector<64x128xi32>
    %max3A_344 = arith.maxsi %min3A_300, %min3A_324 : vector<64x128xi32>
    %min3A_345 = arith.minsi %min3A_303, %min3A_327 : vector<64x128xi32>
    %max3A_346 = arith.maxsi %min3A_303, %min3A_327 : vector<64x128xi32>
    %min3A_347 = arith.minsi %min3A_306, %min3A_330 : vector<64x128xi32>
    %max3A_348 = arith.maxsi %min3A_306, %min3A_330 : vector<64x128xi32>
    %min3A_349 = arith.minsi %min3A_309, %min3A_333 : vector<64x128xi32>
    %max3A_350 = arith.maxsi %min3A_309, %min3A_333 : vector<64x128xi32>
    %min3A_351 = arith.minsi %min3A_312, %min3A_336 : vector<64x128xi32>
    %max3A_352 = arith.maxsi %min3A_312, %min3A_336 : vector<64x128xi32>
    %min3A_353 = arith.minsi %min3A_337, %min3A_345 : vector<64x128xi32>
    %max3A_354 = arith.maxsi %min3A_337, %min3A_345 : vector<64x128xi32>
    %min3A_355 = arith.minsi %min3A_339, %min3A_347 : vector<64x128xi32>
    %max3A_356 = arith.maxsi %min3A_339, %min3A_347 : vector<64x128xi32>
    %min3A_357 = arith.minsi %min3A_341, %min3A_349 : vector<64x128xi32>
    %max3A_358 = arith.maxsi %min3A_341, %min3A_349 : vector<64x128xi32>
    %min3A_359 = arith.minsi %min3A_343, %min3A_351 : vector<64x128xi32>
    %max3A_360 = arith.maxsi %min3A_343, %min3A_351 : vector<64x128xi32>
    %min3A_361 = arith.minsi %max3A_338, %max3A_346 : vector<64x128xi32>
    %max3A_362 = arith.maxsi %max3A_338, %max3A_346 : vector<64x128xi32>
    %min3A_363 = arith.minsi %max3A_340, %max3A_348 : vector<64x128xi32>
    %max3A_364 = arith.maxsi %max3A_340, %max3A_348 : vector<64x128xi32>
    %min3A_365 = arith.minsi %max3A_342, %max3A_350 : vector<64x128xi32>
    %max3A_366 = arith.maxsi %max3A_342, %max3A_350 : vector<64x128xi32>
    %min3A_367 = arith.minsi %max3A_344, %max3A_352 : vector<64x128xi32>
    %max3A_368 = arith.maxsi %max3A_344, %max3A_352 : vector<64x128xi32>
    %min3A_369 = arith.minsi %min3A_353, %min3A_357 : vector<64x128xi32>
    %max3A_370 = arith.maxsi %min3A_353, %min3A_357 : vector<64x128xi32>
    %min3A_371 = arith.minsi %min3A_355, %min3A_359 : vector<64x128xi32>
    %max3A_372 = arith.maxsi %min3A_355, %min3A_359 : vector<64x128xi32>
    %min3A_373 = arith.minsi %max3A_354, %max3A_358 : vector<64x128xi32>
    %max3A_374 = arith.maxsi %max3A_354, %max3A_358 : vector<64x128xi32>
    %min3A_375 = arith.minsi %max3A_356, %max3A_360 : vector<64x128xi32>
    %max3A_376 = arith.maxsi %max3A_356, %max3A_360 : vector<64x128xi32>
    %min3A_377 = arith.minsi %min3A_361, %min3A_365 : vector<64x128xi32>
    %max3A_378 = arith.maxsi %min3A_361, %min3A_365 : vector<64x128xi32>
    %min3A_379 = arith.minsi %min3A_363, %min3A_367 : vector<64x128xi32>
    %max3A_380 = arith.maxsi %min3A_363, %min3A_367 : vector<64x128xi32>
    %min3A_381 = arith.minsi %max3A_362, %max3A_366 : vector<64x128xi32>
    %max3A_382 = arith.maxsi %max3A_362, %max3A_366 : vector<64x128xi32>
    %min3A_383 = arith.minsi %max3A_364, %max3A_368 : vector<64x128xi32>
    %max3A_384 = arith.maxsi %max3A_364, %max3A_368 : vector<64x128xi32>
    %min3A_385 = arith.minsi %min3A_369, %min3A_371 : vector<64x128xi32>
    %max3A_386 = arith.maxsi %min3A_369, %min3A_371 : vector<64x128xi32>
    %min3A_387 = arith.minsi %max3A_370, %max3A_372 : vector<64x128xi32>
    %max3A_388 = arith.maxsi %max3A_370, %max3A_372 : vector<64x128xi32>
    %min3A_389 = arith.minsi %min3A_373, %min3A_375 : vector<64x128xi32>
    %max3A_390 = arith.maxsi %min3A_373, %min3A_375 : vector<64x128xi32>
    %min3A_391 = arith.minsi %max3A_374, %max3A_376 : vector<64x128xi32>
    %max3A_392 = arith.maxsi %max3A_374, %max3A_376 : vector<64x128xi32>
    %min3A_393 = arith.minsi %min3A_377, %min3A_379 : vector<64x128xi32>
    %max3A_394 = arith.maxsi %min3A_377, %min3A_379 : vector<64x128xi32>
    %min3A_395 = arith.minsi %max3A_378, %max3A_380 : vector<64x128xi32>
    %max3A_396 = arith.maxsi %max3A_378, %max3A_380 : vector<64x128xi32>
    %min3A_397 = arith.minsi %min3A_381, %min3A_383 : vector<64x128xi32>
    %max3A_398 = arith.maxsi %min3A_381, %min3A_383 : vector<64x128xi32>
    %min3A_399 = arith.minsi %max3A_382, %max3A_384 : vector<64x128xi32>
    %max3A_400 = arith.maxsi %max3A_382, %max3A_384 : vector<64x128xi32>
    %slice3A_401 = vector.extract_strided_slice %min3A_385 {offsets = [0, 0], sizes = [32, 128], strides = [1, 1]} : vector<64x128xi32> to vector<32x128xi32>
    %slice3A_402 = vector.extract_strided_slice %max3A_400 {offsets = [32, 0], sizes = [32, 128], strides = [1, 1]} : vector<64x128xi32> to vector<32x128xi32>
    %min3A_403 = arith.minsi %slice3A_401, %slice3A_402 : vector<32x128xi32>
    %slice3A_404 = vector.extract_strided_slice %max3A_386 {offsets = [0, 0], sizes = [32, 128], strides = [1, 1]} : vector<64x128xi32> to vector<32x128xi32>
    %slice3A_405 = vector.extract_strided_slice %min3A_399 {offsets = [32, 0], sizes = [32, 128], strides = [1, 1]} : vector<64x128xi32> to vector<32x128xi32>
    %min3A_406 = arith.minsi %slice3A_404, %slice3A_405 : vector<32x128xi32>
    %slice3A_407 = vector.extract_strided_slice %min3A_387 {offsets = [0, 0], sizes = [32, 128], strides = [1, 1]} : vector<64x128xi32> to vector<32x128xi32>
    %slice3A_408 = vector.extract_strided_slice %max3A_398 {offsets = [32, 0], sizes = [32, 128], strides = [1, 1]} : vector<64x128xi32> to vector<32x128xi32>
    %min3A_409 = arith.minsi %slice3A_407, %slice3A_408 : vector<32x128xi32>
    %slice3A_410 = vector.extract_strided_slice %max3A_388 {offsets = [0, 0], sizes = [32, 128], strides = [1, 1]} : vector<64x128xi32> to vector<32x128xi32>
    %slice3A_411 = vector.extract_strided_slice %min3A_397 {offsets = [32, 0], sizes = [32, 128], strides = [1, 1]} : vector<64x128xi32> to vector<32x128xi32>
    %min3A_412 = arith.minsi %slice3A_410, %slice3A_411 : vector<32x128xi32>
    %slice3A_413 = vector.extract_strided_slice %min3A_389 {offsets = [0, 0], sizes = [32, 128], strides = [1, 1]} : vector<64x128xi32> to vector<32x128xi32>
    %slice3A_414 = vector.extract_strided_slice %max3A_396 {offsets = [32, 0], sizes = [32, 128], strides = [1, 1]} : vector<64x128xi32> to vector<32x128xi32>
    %min3A_415 = arith.minsi %slice3A_413, %slice3A_414 : vector<32x128xi32>
    %slice3A_416 = vector.extract_strided_slice %max3A_390 {offsets = [0, 0], sizes = [32, 128], strides = [1, 1]} : vector<64x128xi32> to vector<32x128xi32>
    %slice3A_417 = vector.extract_strided_slice %min3A_395 {offsets = [32, 0], sizes = [32, 128], strides = [1, 1]} : vector<64x128xi32> to vector<32x128xi32>
    %min3A_418 = arith.minsi %slice3A_416, %slice3A_417 : vector<32x128xi32>
    %slice3A_419 = vector.extract_strided_slice %min3A_391 {offsets = [0, 0], sizes = [32, 128], strides = [1, 1]} : vector<64x128xi32> to vector<32x128xi32>
    %slice3A_420 = vector.extract_strided_slice %max3A_394 {offsets = [32, 0], sizes = [32, 128], strides = [1, 1]} : vector<64x128xi32> to vector<32x128xi32>
    %min3A_421 = arith.minsi %slice3A_419, %slice3A_420 : vector<32x128xi32>
    %slice3A_422 = vector.extract_strided_slice %max3A_392 {offsets = [0, 0], sizes = [32, 128], strides = [1, 1]} : vector<64x128xi32> to vector<32x128xi32>
    %slice3A_423 = vector.extract_strided_slice %min3A_393 {offsets = [32, 0], sizes = [32, 128], strides = [1, 1]} : vector<64x128xi32> to vector<32x128xi32>
    %min3A_424 = arith.minsi %slice3A_422, %slice3A_423 : vector<32x128xi32>
    %slice3A_425 = vector.extract_strided_slice %min3A_393 {offsets = [0, 0], sizes = [32, 128], strides = [1, 1]} : vector<64x128xi32> to vector<32x128xi32>
    %slice3A_426 = vector.extract_strided_slice %max3A_392 {offsets = [32, 0], sizes = [32, 128], strides = [1, 1]} : vector<64x128xi32> to vector<32x128xi32>
    %min3A_427 = arith.minsi %slice3A_425, %slice3A_426 : vector<32x128xi32>
    %slice3A_428 = vector.extract_strided_slice %max3A_394 {offsets = [0, 0], sizes = [32, 128], strides = [1, 1]} : vector<64x128xi32> to vector<32x128xi32>
    %slice3A_429 = vector.extract_strided_slice %min3A_391 {offsets = [32, 0], sizes = [32, 128], strides = [1, 1]} : vector<64x128xi32> to vector<32x128xi32>
    %min3A_430 = arith.minsi %slice3A_428, %slice3A_429 : vector<32x128xi32>
    %slice3A_431 = vector.extract_strided_slice %min3A_395 {offsets = [0, 0], sizes = [32, 128], strides = [1, 1]} : vector<64x128xi32> to vector<32x128xi32>
    %slice3A_432 = vector.extract_strided_slice %max3A_390 {offsets = [32, 0], sizes = [32, 128], strides = [1, 1]} : vector<64x128xi32> to vector<32x128xi32>
    %min3A_433 = arith.minsi %slice3A_431, %slice3A_432 : vector<32x128xi32>
    %slice3A_434 = vector.extract_strided_slice %max3A_396 {offsets = [0, 0], sizes = [32, 128], strides = [1, 1]} : vector<64x128xi32> to vector<32x128xi32>
    %slice3A_435 = vector.extract_strided_slice %min3A_389 {offsets = [32, 0], sizes = [32, 128], strides = [1, 1]} : vector<64x128xi32> to vector<32x128xi32>
    %min3A_436 = arith.minsi %slice3A_434, %slice3A_435 : vector<32x128xi32>
    %slice3A_437 = vector.extract_strided_slice %min3A_397 {offsets = [0, 0], sizes = [32, 128], strides = [1, 1]} : vector<64x128xi32> to vector<32x128xi32>
    %slice3A_438 = vector.extract_strided_slice %max3A_388 {offsets = [32, 0], sizes = [32, 128], strides = [1, 1]} : vector<64x128xi32> to vector<32x128xi32>
    %min3A_439 = arith.minsi %slice3A_437, %slice3A_438 : vector<32x128xi32>
    %slice3A_440 = vector.extract_strided_slice %max3A_398 {offsets = [0, 0], sizes = [32, 128], strides = [1, 1]} : vector<64x128xi32> to vector<32x128xi32>
    %slice3A_441 = vector.extract_strided_slice %min3A_387 {offsets = [32, 0], sizes = [32, 128], strides = [1, 1]} : vector<64x128xi32> to vector<32x128xi32>
    %min3A_442 = arith.minsi %slice3A_440, %slice3A_441 : vector<32x128xi32>
    %slice3A_443 = vector.extract_strided_slice %min3A_399 {offsets = [0, 0], sizes = [32, 128], strides = [1, 1]} : vector<64x128xi32> to vector<32x128xi32>
    %slice3A_444 = vector.extract_strided_slice %max3A_386 {offsets = [32, 0], sizes = [32, 128], strides = [1, 1]} : vector<64x128xi32> to vector<32x128xi32>
    %min3A_445 = arith.minsi %slice3A_443, %slice3A_444 : vector<32x128xi32>
    %slice3A_446 = vector.extract_strided_slice %max3A_400 {offsets = [0, 0], sizes = [32, 128], strides = [1, 1]} : vector<64x128xi32> to vector<32x128xi32>
    %slice3A_447 = vector.extract_strided_slice %min3A_385 {offsets = [32, 0], sizes = [32, 128], strides = [1, 1]} : vector<64x128xi32> to vector<32x128xi32>
    %min3A_448 = arith.minsi %slice3A_446, %slice3A_447 : vector<32x128xi32>
    %min3A_449 = arith.minsi %min3A_403, %min3A_427 : vector<32x128xi32>
    %max3A_450 = arith.maxsi %min3A_403, %min3A_427 : vector<32x128xi32>
    %min3A_451 = arith.minsi %min3A_406, %min3A_430 : vector<32x128xi32>
    %max3A_452 = arith.maxsi %min3A_406, %min3A_430 : vector<32x128xi32>
    %min3A_453 = arith.minsi %min3A_409, %min3A_433 : vector<32x128xi32>
    %max3A_454 = arith.maxsi %min3A_409, %min3A_433 : vector<32x128xi32>
    %min3A_455 = arith.minsi %min3A_412, %min3A_436 : vector<32x128xi32>
    %max3A_456 = arith.maxsi %min3A_412, %min3A_436 : vector<32x128xi32>
    %min3A_457 = arith.minsi %min3A_415, %min3A_439 : vector<32x128xi32>
    %max3A_458 = arith.maxsi %min3A_415, %min3A_439 : vector<32x128xi32>
    %min3A_459 = arith.minsi %min3A_418, %min3A_442 : vector<32x128xi32>
    %max3A_460 = arith.maxsi %min3A_418, %min3A_442 : vector<32x128xi32>
    %min3A_461 = arith.minsi %min3A_421, %min3A_445 : vector<32x128xi32>
    %max3A_462 = arith.maxsi %min3A_421, %min3A_445 : vector<32x128xi32>
    %min3A_463 = arith.minsi %min3A_424, %min3A_448 : vector<32x128xi32>
    %max3A_464 = arith.maxsi %min3A_424, %min3A_448 : vector<32x128xi32>
    %min3A_465 = arith.minsi %min3A_449, %min3A_457 : vector<32x128xi32>
    %max3A_466 = arith.maxsi %min3A_449, %min3A_457 : vector<32x128xi32>
    %min3A_467 = arith.minsi %min3A_451, %min3A_459 : vector<32x128xi32>
    %max3A_468 = arith.maxsi %min3A_451, %min3A_459 : vector<32x128xi32>
    %min3A_469 = arith.minsi %min3A_453, %min3A_461 : vector<32x128xi32>
    %max3A_470 = arith.maxsi %min3A_453, %min3A_461 : vector<32x128xi32>
    %min3A_471 = arith.minsi %min3A_455, %min3A_463 : vector<32x128xi32>
    %max3A_472 = arith.maxsi %min3A_455, %min3A_463 : vector<32x128xi32>
    %min3A_473 = arith.minsi %max3A_450, %max3A_458 : vector<32x128xi32>
    %max3A_474 = arith.maxsi %max3A_450, %max3A_458 : vector<32x128xi32>
    %min3A_475 = arith.minsi %max3A_452, %max3A_460 : vector<32x128xi32>
    %max3A_476 = arith.maxsi %max3A_452, %max3A_460 : vector<32x128xi32>
    %min3A_477 = arith.minsi %max3A_454, %max3A_462 : vector<32x128xi32>
    %max3A_478 = arith.maxsi %max3A_454, %max3A_462 : vector<32x128xi32>
    %min3A_479 = arith.minsi %max3A_456, %max3A_464 : vector<32x128xi32>
    %max3A_480 = arith.maxsi %max3A_456, %max3A_464 : vector<32x128xi32>
    %min3A_481 = arith.minsi %min3A_465, %min3A_469 : vector<32x128xi32>
    %max3A_482 = arith.maxsi %min3A_465, %min3A_469 : vector<32x128xi32>
    %min3A_483 = arith.minsi %min3A_467, %min3A_471 : vector<32x128xi32>
    %max3A_484 = arith.maxsi %min3A_467, %min3A_471 : vector<32x128xi32>
    %min3A_485 = arith.minsi %max3A_466, %max3A_470 : vector<32x128xi32>
    %max3A_486 = arith.maxsi %max3A_466, %max3A_470 : vector<32x128xi32>
    %min3A_487 = arith.minsi %max3A_468, %max3A_472 : vector<32x128xi32>
    %max3A_488 = arith.maxsi %max3A_468, %max3A_472 : vector<32x128xi32>
    %min3A_489 = arith.minsi %min3A_473, %min3A_477 : vector<32x128xi32>
    %max3A_490 = arith.maxsi %min3A_473, %min3A_477 : vector<32x128xi32>
    %min3A_491 = arith.minsi %min3A_475, %min3A_479 : vector<32x128xi32>
    %max3A_492 = arith.maxsi %min3A_475, %min3A_479 : vector<32x128xi32>
    %min3A_493 = arith.minsi %max3A_474, %max3A_478 : vector<32x128xi32>
    %max3A_494 = arith.maxsi %max3A_474, %max3A_478 : vector<32x128xi32>
    %min3A_495 = arith.minsi %max3A_476, %max3A_480 : vector<32x128xi32>
    %max3A_496 = arith.maxsi %max3A_476, %max3A_480 : vector<32x128xi32>
    %min3A_497 = arith.minsi %min3A_481, %min3A_483 : vector<32x128xi32>
    %max3A_498 = arith.maxsi %min3A_481, %min3A_483 : vector<32x128xi32>
    %min3A_499 = arith.minsi %max3A_482, %max3A_484 : vector<32x128xi32>
    %max3A_500 = arith.maxsi %max3A_482, %max3A_484 : vector<32x128xi32>
    %min3A_501 = arith.minsi %min3A_485, %min3A_487 : vector<32x128xi32>
    %max3A_502 = arith.maxsi %min3A_485, %min3A_487 : vector<32x128xi32>
    %min3A_503 = arith.minsi %max3A_486, %max3A_488 : vector<32x128xi32>
    %max3A_504 = arith.maxsi %max3A_486, %max3A_488 : vector<32x128xi32>
    %min3A_505 = arith.minsi %min3A_489, %min3A_491 : vector<32x128xi32>
    %max3A_506 = arith.maxsi %min3A_489, %min3A_491 : vector<32x128xi32>
    %min3A_507 = arith.minsi %max3A_490, %max3A_492 : vector<32x128xi32>
    %max3A_508 = arith.maxsi %max3A_490, %max3A_492 : vector<32x128xi32>
    %min3A_509 = arith.minsi %min3A_493, %min3A_495 : vector<32x128xi32>
    %max3A_510 = arith.maxsi %min3A_493, %min3A_495 : vector<32x128xi32>
    %min3A_511 = arith.minsi %max3A_494, %max3A_496 : vector<32x128xi32>
    %max3A_512 = arith.maxsi %max3A_494, %max3A_496 : vector<32x128xi32>
    %slice3A_513 = vector.extract_strided_slice %min3A_497 {offsets = [0, 0], sizes = [16, 128], strides = [1, 1]} : vector<32x128xi32> to vector<16x128xi32>
    %slice3A_514 = vector.extract_strided_slice %max3A_512 {offsets = [16, 0], sizes = [16, 128], strides = [1, 1]} : vector<32x128xi32> to vector<16x128xi32>
    %min3A_515 = arith.minsi %slice3A_513, %slice3A_514 : vector<16x128xi32>
    %slice3A_516 = vector.extract_strided_slice %max3A_498 {offsets = [0, 0], sizes = [16, 128], strides = [1, 1]} : vector<32x128xi32> to vector<16x128xi32>
    %slice3A_517 = vector.extract_strided_slice %min3A_511 {offsets = [16, 0], sizes = [16, 128], strides = [1, 1]} : vector<32x128xi32> to vector<16x128xi32>
    %min3A_518 = arith.minsi %slice3A_516, %slice3A_517 : vector<16x128xi32>
    %slice3A_519 = vector.extract_strided_slice %min3A_499 {offsets = [0, 0], sizes = [16, 128], strides = [1, 1]} : vector<32x128xi32> to vector<16x128xi32>
    %slice3A_520 = vector.extract_strided_slice %max3A_510 {offsets = [16, 0], sizes = [16, 128], strides = [1, 1]} : vector<32x128xi32> to vector<16x128xi32>
    %min3A_521 = arith.minsi %slice3A_519, %slice3A_520 : vector<16x128xi32>
    %slice3A_522 = vector.extract_strided_slice %max3A_500 {offsets = [0, 0], sizes = [16, 128], strides = [1, 1]} : vector<32x128xi32> to vector<16x128xi32>
    %slice3A_523 = vector.extract_strided_slice %min3A_509 {offsets = [16, 0], sizes = [16, 128], strides = [1, 1]} : vector<32x128xi32> to vector<16x128xi32>
    %min3A_524 = arith.minsi %slice3A_522, %slice3A_523 : vector<16x128xi32>
    %slice3A_525 = vector.extract_strided_slice %min3A_501 {offsets = [0, 0], sizes = [16, 128], strides = [1, 1]} : vector<32x128xi32> to vector<16x128xi32>
    %slice3A_526 = vector.extract_strided_slice %max3A_508 {offsets = [16, 0], sizes = [16, 128], strides = [1, 1]} : vector<32x128xi32> to vector<16x128xi32>
    %min3A_527 = arith.minsi %slice3A_525, %slice3A_526 : vector<16x128xi32>
    %slice3A_528 = vector.extract_strided_slice %max3A_502 {offsets = [0, 0], sizes = [16, 128], strides = [1, 1]} : vector<32x128xi32> to vector<16x128xi32>
    %slice3A_529 = vector.extract_strided_slice %min3A_507 {offsets = [16, 0], sizes = [16, 128], strides = [1, 1]} : vector<32x128xi32> to vector<16x128xi32>
    %min3A_530 = arith.minsi %slice3A_528, %slice3A_529 : vector<16x128xi32>
    %slice3A_531 = vector.extract_strided_slice %min3A_503 {offsets = [0, 0], sizes = [16, 128], strides = [1, 1]} : vector<32x128xi32> to vector<16x128xi32>
    %slice3A_532 = vector.extract_strided_slice %max3A_506 {offsets = [16, 0], sizes = [16, 128], strides = [1, 1]} : vector<32x128xi32> to vector<16x128xi32>
    %min3A_533 = arith.minsi %slice3A_531, %slice3A_532 : vector<16x128xi32>
    %slice3A_534 = vector.extract_strided_slice %max3A_504 {offsets = [0, 0], sizes = [16, 128], strides = [1, 1]} : vector<32x128xi32> to vector<16x128xi32>
    %slice3A_535 = vector.extract_strided_slice %min3A_505 {offsets = [16, 0], sizes = [16, 128], strides = [1, 1]} : vector<32x128xi32> to vector<16x128xi32>
    %min3A_536 = arith.minsi %slice3A_534, %slice3A_535 : vector<16x128xi32>
    %slice3A_537 = vector.extract_strided_slice %min3A_505 {offsets = [0, 0], sizes = [16, 128], strides = [1, 1]} : vector<32x128xi32> to vector<16x128xi32>
    %slice3A_538 = vector.extract_strided_slice %max3A_504 {offsets = [16, 0], sizes = [16, 128], strides = [1, 1]} : vector<32x128xi32> to vector<16x128xi32>
    %min3A_539 = arith.minsi %slice3A_537, %slice3A_538 : vector<16x128xi32>
    %slice3A_540 = vector.extract_strided_slice %max3A_506 {offsets = [0, 0], sizes = [16, 128], strides = [1, 1]} : vector<32x128xi32> to vector<16x128xi32>
    %slice3A_541 = vector.extract_strided_slice %min3A_503 {offsets = [16, 0], sizes = [16, 128], strides = [1, 1]} : vector<32x128xi32> to vector<16x128xi32>
    %min3A_542 = arith.minsi %slice3A_540, %slice3A_541 : vector<16x128xi32>
    %slice3A_543 = vector.extract_strided_slice %min3A_507 {offsets = [0, 0], sizes = [16, 128], strides = [1, 1]} : vector<32x128xi32> to vector<16x128xi32>
    %slice3A_544 = vector.extract_strided_slice %max3A_502 {offsets = [16, 0], sizes = [16, 128], strides = [1, 1]} : vector<32x128xi32> to vector<16x128xi32>
    %min3A_545 = arith.minsi %slice3A_543, %slice3A_544 : vector<16x128xi32>
    %slice3A_546 = vector.extract_strided_slice %max3A_508 {offsets = [0, 0], sizes = [16, 128], strides = [1, 1]} : vector<32x128xi32> to vector<16x128xi32>
    %slice3A_547 = vector.extract_strided_slice %min3A_501 {offsets = [16, 0], sizes = [16, 128], strides = [1, 1]} : vector<32x128xi32> to vector<16x128xi32>
    %min3A_548 = arith.minsi %slice3A_546, %slice3A_547 : vector<16x128xi32>
    %slice3A_549 = vector.extract_strided_slice %min3A_509 {offsets = [0, 0], sizes = [16, 128], strides = [1, 1]} : vector<32x128xi32> to vector<16x128xi32>
    %slice3A_550 = vector.extract_strided_slice %max3A_500 {offsets = [16, 0], sizes = [16, 128], strides = [1, 1]} : vector<32x128xi32> to vector<16x128xi32>
    %min3A_551 = arith.minsi %slice3A_549, %slice3A_550 : vector<16x128xi32>
    %slice3A_552 = vector.extract_strided_slice %max3A_510 {offsets = [0, 0], sizes = [16, 128], strides = [1, 1]} : vector<32x128xi32> to vector<16x128xi32>
    %slice3A_553 = vector.extract_strided_slice %min3A_499 {offsets = [16, 0], sizes = [16, 128], strides = [1, 1]} : vector<32x128xi32> to vector<16x128xi32>
    %min3A_554 = arith.minsi %slice3A_552, %slice3A_553 : vector<16x128xi32>
    %slice3A_555 = vector.extract_strided_slice %min3A_511 {offsets = [0, 0], sizes = [16, 128], strides = [1, 1]} : vector<32x128xi32> to vector<16x128xi32>
    %slice3A_556 = vector.extract_strided_slice %max3A_498 {offsets = [16, 0], sizes = [16, 128], strides = [1, 1]} : vector<32x128xi32> to vector<16x128xi32>
    %min3A_557 = arith.minsi %slice3A_555, %slice3A_556 : vector<16x128xi32>
    %slice3A_558 = vector.extract_strided_slice %max3A_512 {offsets = [0, 0], sizes = [16, 128], strides = [1, 1]} : vector<32x128xi32> to vector<16x128xi32>
    %slice3A_559 = vector.extract_strided_slice %min3A_497 {offsets = [16, 0], sizes = [16, 128], strides = [1, 1]} : vector<32x128xi32> to vector<16x128xi32>
    %min3A_560 = arith.minsi %slice3A_558, %slice3A_559 : vector<16x128xi32>
    %min3A_561 = arith.minsi %min3A_515, %min3A_539 : vector<16x128xi32>
    %max3A_562 = arith.maxsi %min3A_515, %min3A_539 : vector<16x128xi32>
    %min3A_563 = arith.minsi %min3A_518, %min3A_542 : vector<16x128xi32>
    %max3A_564 = arith.maxsi %min3A_518, %min3A_542 : vector<16x128xi32>
    %min3A_565 = arith.minsi %min3A_521, %min3A_545 : vector<16x128xi32>
    %max3A_566 = arith.maxsi %min3A_521, %min3A_545 : vector<16x128xi32>
    %min3A_567 = arith.minsi %min3A_524, %min3A_548 : vector<16x128xi32>
    %max3A_568 = arith.maxsi %min3A_524, %min3A_548 : vector<16x128xi32>
    %min3A_569 = arith.minsi %min3A_527, %min3A_551 : vector<16x128xi32>
    %max3A_570 = arith.maxsi %min3A_527, %min3A_551 : vector<16x128xi32>
    %min3A_571 = arith.minsi %min3A_530, %min3A_554 : vector<16x128xi32>
    %max3A_572 = arith.maxsi %min3A_530, %min3A_554 : vector<16x128xi32>
    %min3A_573 = arith.minsi %min3A_533, %min3A_557 : vector<16x128xi32>
    %max3A_574 = arith.maxsi %min3A_533, %min3A_557 : vector<16x128xi32>
    %min3A_575 = arith.minsi %min3A_536, %min3A_560 : vector<16x128xi32>
    %max3A_576 = arith.maxsi %min3A_536, %min3A_560 : vector<16x128xi32>
    %min3A_577 = arith.minsi %min3A_561, %min3A_569 : vector<16x128xi32>
    %max3A_578 = arith.maxsi %min3A_561, %min3A_569 : vector<16x128xi32>
    %min3A_579 = arith.minsi %min3A_563, %min3A_571 : vector<16x128xi32>
    %max3A_580 = arith.maxsi %min3A_563, %min3A_571 : vector<16x128xi32>
    %min3A_581 = arith.minsi %min3A_565, %min3A_573 : vector<16x128xi32>
    %max3A_582 = arith.maxsi %min3A_565, %min3A_573 : vector<16x128xi32>
    %min3A_583 = arith.minsi %min3A_567, %min3A_575 : vector<16x128xi32>
    %max3A_584 = arith.maxsi %min3A_567, %min3A_575 : vector<16x128xi32>
    %min3A_585 = arith.minsi %max3A_562, %max3A_570 : vector<16x128xi32>
    %max3A_586 = arith.maxsi %max3A_562, %max3A_570 : vector<16x128xi32>
    %min3A_587 = arith.minsi %max3A_564, %max3A_572 : vector<16x128xi32>
    %max3A_588 = arith.maxsi %max3A_564, %max3A_572 : vector<16x128xi32>
    %min3A_589 = arith.minsi %max3A_566, %max3A_574 : vector<16x128xi32>
    %max3A_590 = arith.maxsi %max3A_566, %max3A_574 : vector<16x128xi32>
    %min3A_591 = arith.minsi %max3A_568, %max3A_576 : vector<16x128xi32>
    %max3A_592 = arith.maxsi %max3A_568, %max3A_576 : vector<16x128xi32>
    %min3A_593 = arith.minsi %min3A_577, %min3A_581 : vector<16x128xi32>
    %max3A_594 = arith.maxsi %min3A_577, %min3A_581 : vector<16x128xi32>
    %min3A_595 = arith.minsi %min3A_579, %min3A_583 : vector<16x128xi32>
    %max3A_596 = arith.maxsi %min3A_579, %min3A_583 : vector<16x128xi32>
    %min3A_597 = arith.minsi %max3A_578, %max3A_582 : vector<16x128xi32>
    %max3A_598 = arith.maxsi %max3A_578, %max3A_582 : vector<16x128xi32>
    %min3A_599 = arith.minsi %max3A_580, %max3A_584 : vector<16x128xi32>
    %max3A_600 = arith.maxsi %max3A_580, %max3A_584 : vector<16x128xi32>
    %min3A_601 = arith.minsi %min3A_585, %min3A_589 : vector<16x128xi32>
    %max3A_602 = arith.maxsi %min3A_585, %min3A_589 : vector<16x128xi32>
    %min3A_603 = arith.minsi %min3A_587, %min3A_591 : vector<16x128xi32>
    %max3A_604 = arith.maxsi %min3A_587, %min3A_591 : vector<16x128xi32>
    %min3A_605 = arith.minsi %max3A_586, %max3A_590 : vector<16x128xi32>
    %max3A_606 = arith.maxsi %max3A_586, %max3A_590 : vector<16x128xi32>
    %min3A_607 = arith.minsi %max3A_588, %max3A_592 : vector<16x128xi32>
    %max3A_608 = arith.maxsi %max3A_588, %max3A_592 : vector<16x128xi32>
    %min3A_609 = arith.minsi %min3A_593, %min3A_595 : vector<16x128xi32>
    %max3A_610 = arith.maxsi %min3A_593, %min3A_595 : vector<16x128xi32>
    %min3A_611 = arith.minsi %max3A_594, %max3A_596 : vector<16x128xi32>
    %max3A_612 = arith.maxsi %max3A_594, %max3A_596 : vector<16x128xi32>
    %min3A_613 = arith.minsi %min3A_597, %min3A_599 : vector<16x128xi32>
    %max3A_614 = arith.maxsi %min3A_597, %min3A_599 : vector<16x128xi32>
    %min3A_615 = arith.minsi %max3A_598, %max3A_600 : vector<16x128xi32>
    %max3A_616 = arith.maxsi %max3A_598, %max3A_600 : vector<16x128xi32>
    %min3A_617 = arith.minsi %min3A_601, %min3A_603 : vector<16x128xi32>
    %max3A_618 = arith.maxsi %min3A_601, %min3A_603 : vector<16x128xi32>
    %min3A_619 = arith.minsi %max3A_602, %max3A_604 : vector<16x128xi32>
    %max3A_620 = arith.maxsi %max3A_602, %max3A_604 : vector<16x128xi32>
    %min3A_621 = arith.minsi %min3A_605, %min3A_607 : vector<16x128xi32>
    %max3A_622 = arith.maxsi %min3A_605, %min3A_607 : vector<16x128xi32>
    %min3A_623 = arith.minsi %max3A_606, %max3A_608 : vector<16x128xi32>
    %max3A_624 = arith.maxsi %max3A_606, %max3A_608 : vector<16x128xi32>
    %slice3A_625 = vector.extract_strided_slice %min3A_609 {offsets = [0, 0], sizes = [8, 128], strides = [1, 1]} : vector<16x128xi32> to vector<8x128xi32>
    %slice3A_626 = vector.extract_strided_slice %max3A_624 {offsets = [8, 0], sizes = [8, 128], strides = [1, 1]} : vector<16x128xi32> to vector<8x128xi32>
    %min3A_627 = arith.minsi %slice3A_625, %slice3A_626 : vector<8x128xi32>
    %slice3A_628 = vector.extract_strided_slice %max3A_610 {offsets = [0, 0], sizes = [8, 128], strides = [1, 1]} : vector<16x128xi32> to vector<8x128xi32>
    %slice3A_629 = vector.extract_strided_slice %min3A_623 {offsets = [8, 0], sizes = [8, 128], strides = [1, 1]} : vector<16x128xi32> to vector<8x128xi32>
    %min3A_630 = arith.minsi %slice3A_628, %slice3A_629 : vector<8x128xi32>
    %slice3A_631 = vector.extract_strided_slice %min3A_611 {offsets = [0, 0], sizes = [8, 128], strides = [1, 1]} : vector<16x128xi32> to vector<8x128xi32>
    %slice3A_632 = vector.extract_strided_slice %max3A_622 {offsets = [8, 0], sizes = [8, 128], strides = [1, 1]} : vector<16x128xi32> to vector<8x128xi32>
    %min3A_633 = arith.minsi %slice3A_631, %slice3A_632 : vector<8x128xi32>
    %slice3A_634 = vector.extract_strided_slice %max3A_612 {offsets = [0, 0], sizes = [8, 128], strides = [1, 1]} : vector<16x128xi32> to vector<8x128xi32>
    %slice3A_635 = vector.extract_strided_slice %min3A_621 {offsets = [8, 0], sizes = [8, 128], strides = [1, 1]} : vector<16x128xi32> to vector<8x128xi32>
    %min3A_636 = arith.minsi %slice3A_634, %slice3A_635 : vector<8x128xi32>
    %slice3A_637 = vector.extract_strided_slice %min3A_613 {offsets = [0, 0], sizes = [8, 128], strides = [1, 1]} : vector<16x128xi32> to vector<8x128xi32>
    %slice3A_638 = vector.extract_strided_slice %max3A_620 {offsets = [8, 0], sizes = [8, 128], strides = [1, 1]} : vector<16x128xi32> to vector<8x128xi32>
    %min3A_639 = arith.minsi %slice3A_637, %slice3A_638 : vector<8x128xi32>
    %slice3A_640 = vector.extract_strided_slice %max3A_614 {offsets = [0, 0], sizes = [8, 128], strides = [1, 1]} : vector<16x128xi32> to vector<8x128xi32>
    %slice3A_641 = vector.extract_strided_slice %min3A_619 {offsets = [8, 0], sizes = [8, 128], strides = [1, 1]} : vector<16x128xi32> to vector<8x128xi32>
    %min3A_642 = arith.minsi %slice3A_640, %slice3A_641 : vector<8x128xi32>
    %slice3A_643 = vector.extract_strided_slice %min3A_615 {offsets = [0, 0], sizes = [8, 128], strides = [1, 1]} : vector<16x128xi32> to vector<8x128xi32>
    %slice3A_644 = vector.extract_strided_slice %max3A_618 {offsets = [8, 0], sizes = [8, 128], strides = [1, 1]} : vector<16x128xi32> to vector<8x128xi32>
    %min3A_645 = arith.minsi %slice3A_643, %slice3A_644 : vector<8x128xi32>
    %slice3A_646 = vector.extract_strided_slice %max3A_616 {offsets = [0, 0], sizes = [8, 128], strides = [1, 1]} : vector<16x128xi32> to vector<8x128xi32>
    %slice3A_647 = vector.extract_strided_slice %min3A_617 {offsets = [8, 0], sizes = [8, 128], strides = [1, 1]} : vector<16x128xi32> to vector<8x128xi32>
    %min3A_648 = arith.minsi %slice3A_646, %slice3A_647 : vector<8x128xi32>
    %slice3A_649 = vector.extract_strided_slice %min3A_617 {offsets = [0, 0], sizes = [8, 128], strides = [1, 1]} : vector<16x128xi32> to vector<8x128xi32>
    %slice3A_650 = vector.extract_strided_slice %max3A_616 {offsets = [8, 0], sizes = [8, 128], strides = [1, 1]} : vector<16x128xi32> to vector<8x128xi32>
    %min3A_651 = arith.minsi %slice3A_649, %slice3A_650 : vector<8x128xi32>
    %slice3A_652 = vector.extract_strided_slice %max3A_618 {offsets = [0, 0], sizes = [8, 128], strides = [1, 1]} : vector<16x128xi32> to vector<8x128xi32>
    %slice3A_653 = vector.extract_strided_slice %min3A_615 {offsets = [8, 0], sizes = [8, 128], strides = [1, 1]} : vector<16x128xi32> to vector<8x128xi32>
    %min3A_654 = arith.minsi %slice3A_652, %slice3A_653 : vector<8x128xi32>
    %slice3A_655 = vector.extract_strided_slice %min3A_619 {offsets = [0, 0], sizes = [8, 128], strides = [1, 1]} : vector<16x128xi32> to vector<8x128xi32>
    %slice3A_656 = vector.extract_strided_slice %max3A_614 {offsets = [8, 0], sizes = [8, 128], strides = [1, 1]} : vector<16x128xi32> to vector<8x128xi32>
    %min3A_657 = arith.minsi %slice3A_655, %slice3A_656 : vector<8x128xi32>
    %slice3A_658 = vector.extract_strided_slice %max3A_620 {offsets = [0, 0], sizes = [8, 128], strides = [1, 1]} : vector<16x128xi32> to vector<8x128xi32>
    %slice3A_659 = vector.extract_strided_slice %min3A_613 {offsets = [8, 0], sizes = [8, 128], strides = [1, 1]} : vector<16x128xi32> to vector<8x128xi32>
    %min3A_660 = arith.minsi %slice3A_658, %slice3A_659 : vector<8x128xi32>
    %slice3A_661 = vector.extract_strided_slice %min3A_621 {offsets = [0, 0], sizes = [8, 128], strides = [1, 1]} : vector<16x128xi32> to vector<8x128xi32>
    %slice3A_662 = vector.extract_strided_slice %max3A_612 {offsets = [8, 0], sizes = [8, 128], strides = [1, 1]} : vector<16x128xi32> to vector<8x128xi32>
    %min3A_663 = arith.minsi %slice3A_661, %slice3A_662 : vector<8x128xi32>
    %slice3A_664 = vector.extract_strided_slice %max3A_622 {offsets = [0, 0], sizes = [8, 128], strides = [1, 1]} : vector<16x128xi32> to vector<8x128xi32>
    %slice3A_665 = vector.extract_strided_slice %min3A_611 {offsets = [8, 0], sizes = [8, 128], strides = [1, 1]} : vector<16x128xi32> to vector<8x128xi32>
    %min3A_666 = arith.minsi %slice3A_664, %slice3A_665 : vector<8x128xi32>
    %slice3A_667 = vector.extract_strided_slice %min3A_623 {offsets = [0, 0], sizes = [8, 128], strides = [1, 1]} : vector<16x128xi32> to vector<8x128xi32>
    %slice3A_668 = vector.extract_strided_slice %max3A_610 {offsets = [8, 0], sizes = [8, 128], strides = [1, 1]} : vector<16x128xi32> to vector<8x128xi32>
    %min3A_669 = arith.minsi %slice3A_667, %slice3A_668 : vector<8x128xi32>
    %slice3A_670 = vector.extract_strided_slice %max3A_624 {offsets = [0, 0], sizes = [8, 128], strides = [1, 1]} : vector<16x128xi32> to vector<8x128xi32>
    %slice3A_671 = vector.extract_strided_slice %min3A_609 {offsets = [8, 0], sizes = [8, 128], strides = [1, 1]} : vector<16x128xi32> to vector<8x128xi32>
    %min3A_672 = arith.minsi %slice3A_670, %slice3A_671 : vector<8x128xi32>
    %min3A_673 = arith.minsi %min3A_627, %min3A_651 : vector<8x128xi32>
    %max3A_674 = arith.maxsi %min3A_627, %min3A_651 : vector<8x128xi32>
    %min3A_675 = arith.minsi %min3A_630, %min3A_654 : vector<8x128xi32>
    %max3A_676 = arith.maxsi %min3A_630, %min3A_654 : vector<8x128xi32>
    %min3A_677 = arith.minsi %min3A_633, %min3A_657 : vector<8x128xi32>
    %max3A_678 = arith.maxsi %min3A_633, %min3A_657 : vector<8x128xi32>
    %min3A_679 = arith.minsi %min3A_636, %min3A_660 : vector<8x128xi32>
    %max3A_680 = arith.maxsi %min3A_636, %min3A_660 : vector<8x128xi32>
    %min3A_681 = arith.minsi %min3A_639, %min3A_663 : vector<8x128xi32>
    %max3A_682 = arith.maxsi %min3A_639, %min3A_663 : vector<8x128xi32>
    %min3A_683 = arith.minsi %min3A_642, %min3A_666 : vector<8x128xi32>
    %max3A_684 = arith.maxsi %min3A_642, %min3A_666 : vector<8x128xi32>
    %min3A_685 = arith.minsi %min3A_645, %min3A_669 : vector<8x128xi32>
    %max3A_686 = arith.maxsi %min3A_645, %min3A_669 : vector<8x128xi32>
    %min3A_687 = arith.minsi %min3A_648, %min3A_672 : vector<8x128xi32>
    %max3A_688 = arith.maxsi %min3A_648, %min3A_672 : vector<8x128xi32>
    %min3A_689 = arith.minsi %min3A_673, %min3A_681 : vector<8x128xi32>
    %max3A_690 = arith.maxsi %min3A_673, %min3A_681 : vector<8x128xi32>
    %min3A_691 = arith.minsi %min3A_675, %min3A_683 : vector<8x128xi32>
    %max3A_692 = arith.maxsi %min3A_675, %min3A_683 : vector<8x128xi32>
    %min3A_693 = arith.minsi %min3A_677, %min3A_685 : vector<8x128xi32>
    %max3A_694 = arith.maxsi %min3A_677, %min3A_685 : vector<8x128xi32>
    %min3A_695 = arith.minsi %min3A_679, %min3A_687 : vector<8x128xi32>
    %max3A_696 = arith.maxsi %min3A_679, %min3A_687 : vector<8x128xi32>
    %min3A_697 = arith.minsi %max3A_674, %max3A_682 : vector<8x128xi32>
    %max3A_698 = arith.maxsi %max3A_674, %max3A_682 : vector<8x128xi32>
    %min3A_699 = arith.minsi %max3A_676, %max3A_684 : vector<8x128xi32>
    %max3A_700 = arith.maxsi %max3A_676, %max3A_684 : vector<8x128xi32>
    %min3A_701 = arith.minsi %max3A_678, %max3A_686 : vector<8x128xi32>
    %max3A_702 = arith.maxsi %max3A_678, %max3A_686 : vector<8x128xi32>
    %min3A_703 = arith.minsi %max3A_680, %max3A_688 : vector<8x128xi32>
    %max3A_704 = arith.maxsi %max3A_680, %max3A_688 : vector<8x128xi32>
    %min3A_705 = arith.minsi %min3A_689, %min3A_693 : vector<8x128xi32>
    %max3A_706 = arith.maxsi %min3A_689, %min3A_693 : vector<8x128xi32>
    %min3A_707 = arith.minsi %min3A_691, %min3A_695 : vector<8x128xi32>
    %max3A_708 = arith.maxsi %min3A_691, %min3A_695 : vector<8x128xi32>
    %min3A_709 = arith.minsi %max3A_690, %max3A_694 : vector<8x128xi32>
    %max3A_710 = arith.maxsi %max3A_690, %max3A_694 : vector<8x128xi32>
    %min3A_711 = arith.minsi %max3A_692, %max3A_696 : vector<8x128xi32>
    %max3A_712 = arith.maxsi %max3A_692, %max3A_696 : vector<8x128xi32>
    %min3A_713 = arith.minsi %min3A_697, %min3A_701 : vector<8x128xi32>
    %max3A_714 = arith.maxsi %min3A_697, %min3A_701 : vector<8x128xi32>
    %min3A_715 = arith.minsi %min3A_699, %min3A_703 : vector<8x128xi32>
    %max3A_716 = arith.maxsi %min3A_699, %min3A_703 : vector<8x128xi32>
    %min3A_717 = arith.minsi %max3A_698, %max3A_702 : vector<8x128xi32>
    %max3A_718 = arith.maxsi %max3A_698, %max3A_702 : vector<8x128xi32>
    %min3A_719 = arith.minsi %max3A_700, %max3A_704 : vector<8x128xi32>
    %max3A_720 = arith.maxsi %max3A_700, %max3A_704 : vector<8x128xi32>
    %min3A_721 = arith.minsi %min3A_705, %min3A_707 : vector<8x128xi32>
    %max3A_722 = arith.maxsi %min3A_705, %min3A_707 : vector<8x128xi32>
    %min3A_723 = arith.minsi %max3A_706, %max3A_708 : vector<8x128xi32>
    %max3A_724 = arith.maxsi %max3A_706, %max3A_708 : vector<8x128xi32>
    %min3A_725 = arith.minsi %min3A_709, %min3A_711 : vector<8x128xi32>
    %max3A_726 = arith.maxsi %min3A_709, %min3A_711 : vector<8x128xi32>
    %min3A_727 = arith.minsi %max3A_710, %max3A_712 : vector<8x128xi32>
    %max3A_728 = arith.maxsi %max3A_710, %max3A_712 : vector<8x128xi32>
    %min3A_729 = arith.minsi %min3A_713, %min3A_715 : vector<8x128xi32>
    %max3A_730 = arith.maxsi %min3A_713, %min3A_715 : vector<8x128xi32>
    %min3A_731 = arith.minsi %max3A_714, %max3A_716 : vector<8x128xi32>
    %max3A_732 = arith.maxsi %max3A_714, %max3A_716 : vector<8x128xi32>
    %min3A_733 = arith.minsi %min3A_717, %min3A_719 : vector<8x128xi32>
    %max3A_734 = arith.maxsi %min3A_717, %min3A_719 : vector<8x128xi32>
    %min3A_735 = arith.minsi %max3A_718, %max3A_720 : vector<8x128xi32>
    %max3A_736 = arith.maxsi %max3A_718, %max3A_720 : vector<8x128xi32>
    %slice3A_737 = vector.extract_strided_slice %min3A_721 {offsets = [0, 0], sizes = [4, 128], strides = [1, 1]} : vector<8x128xi32> to vector<4x128xi32>
    %slice3A_738 = vector.extract_strided_slice %max3A_736 {offsets = [4, 0], sizes = [4, 128], strides = [1, 1]} : vector<8x128xi32> to vector<4x128xi32>
    %min3A_739 = arith.minsi %slice3A_737, %slice3A_738 : vector<4x128xi32>
    %slice3A_740 = vector.extract_strided_slice %max3A_722 {offsets = [0, 0], sizes = [4, 128], strides = [1, 1]} : vector<8x128xi32> to vector<4x128xi32>
    %slice3A_741 = vector.extract_strided_slice %min3A_735 {offsets = [4, 0], sizes = [4, 128], strides = [1, 1]} : vector<8x128xi32> to vector<4x128xi32>
    %min3A_742 = arith.minsi %slice3A_740, %slice3A_741 : vector<4x128xi32>
    %slice3A_743 = vector.extract_strided_slice %min3A_723 {offsets = [0, 0], sizes = [4, 128], strides = [1, 1]} : vector<8x128xi32> to vector<4x128xi32>
    %slice3A_744 = vector.extract_strided_slice %max3A_734 {offsets = [4, 0], sizes = [4, 128], strides = [1, 1]} : vector<8x128xi32> to vector<4x128xi32>
    %min3A_745 = arith.minsi %slice3A_743, %slice3A_744 : vector<4x128xi32>
    %slice3A_746 = vector.extract_strided_slice %max3A_724 {offsets = [0, 0], sizes = [4, 128], strides = [1, 1]} : vector<8x128xi32> to vector<4x128xi32>
    %slice3A_747 = vector.extract_strided_slice %min3A_733 {offsets = [4, 0], sizes = [4, 128], strides = [1, 1]} : vector<8x128xi32> to vector<4x128xi32>
    %min3A_748 = arith.minsi %slice3A_746, %slice3A_747 : vector<4x128xi32>
    %slice3A_749 = vector.extract_strided_slice %min3A_725 {offsets = [0, 0], sizes = [4, 128], strides = [1, 1]} : vector<8x128xi32> to vector<4x128xi32>
    %slice3A_750 = vector.extract_strided_slice %max3A_732 {offsets = [4, 0], sizes = [4, 128], strides = [1, 1]} : vector<8x128xi32> to vector<4x128xi32>
    %min3A_751 = arith.minsi %slice3A_749, %slice3A_750 : vector<4x128xi32>
    %slice3A_752 = vector.extract_strided_slice %max3A_726 {offsets = [0, 0], sizes = [4, 128], strides = [1, 1]} : vector<8x128xi32> to vector<4x128xi32>
    %slice3A_753 = vector.extract_strided_slice %min3A_731 {offsets = [4, 0], sizes = [4, 128], strides = [1, 1]} : vector<8x128xi32> to vector<4x128xi32>
    %min3A_754 = arith.minsi %slice3A_752, %slice3A_753 : vector<4x128xi32>
    %slice3A_755 = vector.extract_strided_slice %min3A_727 {offsets = [0, 0], sizes = [4, 128], strides = [1, 1]} : vector<8x128xi32> to vector<4x128xi32>
    %slice3A_756 = vector.extract_strided_slice %max3A_730 {offsets = [4, 0], sizes = [4, 128], strides = [1, 1]} : vector<8x128xi32> to vector<4x128xi32>
    %min3A_757 = arith.minsi %slice3A_755, %slice3A_756 : vector<4x128xi32>
    %slice3A_758 = vector.extract_strided_slice %max3A_728 {offsets = [0, 0], sizes = [4, 128], strides = [1, 1]} : vector<8x128xi32> to vector<4x128xi32>
    %slice3A_759 = vector.extract_strided_slice %min3A_729 {offsets = [4, 0], sizes = [4, 128], strides = [1, 1]} : vector<8x128xi32> to vector<4x128xi32>
    %min3A_760 = arith.minsi %slice3A_758, %slice3A_759 : vector<4x128xi32>
    %slice3A_761 = vector.extract_strided_slice %min3A_729 {offsets = [0, 0], sizes = [4, 128], strides = [1, 1]} : vector<8x128xi32> to vector<4x128xi32>
    %slice3A_762 = vector.extract_strided_slice %max3A_728 {offsets = [4, 0], sizes = [4, 128], strides = [1, 1]} : vector<8x128xi32> to vector<4x128xi32>
    %min3A_763 = arith.minsi %slice3A_761, %slice3A_762 : vector<4x128xi32>
    %slice3A_764 = vector.extract_strided_slice %max3A_730 {offsets = [0, 0], sizes = [4, 128], strides = [1, 1]} : vector<8x128xi32> to vector<4x128xi32>
    %slice3A_765 = vector.extract_strided_slice %min3A_727 {offsets = [4, 0], sizes = [4, 128], strides = [1, 1]} : vector<8x128xi32> to vector<4x128xi32>
    %min3A_766 = arith.minsi %slice3A_764, %slice3A_765 : vector<4x128xi32>
    %slice3A_767 = vector.extract_strided_slice %min3A_731 {offsets = [0, 0], sizes = [4, 128], strides = [1, 1]} : vector<8x128xi32> to vector<4x128xi32>
    %slice3A_768 = vector.extract_strided_slice %max3A_726 {offsets = [4, 0], sizes = [4, 128], strides = [1, 1]} : vector<8x128xi32> to vector<4x128xi32>
    %min3A_769 = arith.minsi %slice3A_767, %slice3A_768 : vector<4x128xi32>
    %slice3A_770 = vector.extract_strided_slice %max3A_732 {offsets = [0, 0], sizes = [4, 128], strides = [1, 1]} : vector<8x128xi32> to vector<4x128xi32>
    %slice3A_771 = vector.extract_strided_slice %min3A_725 {offsets = [4, 0], sizes = [4, 128], strides = [1, 1]} : vector<8x128xi32> to vector<4x128xi32>
    %min3A_772 = arith.minsi %slice3A_770, %slice3A_771 : vector<4x128xi32>
    %slice3A_773 = vector.extract_strided_slice %min3A_733 {offsets = [0, 0], sizes = [4, 128], strides = [1, 1]} : vector<8x128xi32> to vector<4x128xi32>
    %slice3A_774 = vector.extract_strided_slice %max3A_724 {offsets = [4, 0], sizes = [4, 128], strides = [1, 1]} : vector<8x128xi32> to vector<4x128xi32>
    %min3A_775 = arith.minsi %slice3A_773, %slice3A_774 : vector<4x128xi32>
    %slice3A_776 = vector.extract_strided_slice %max3A_734 {offsets = [0, 0], sizes = [4, 128], strides = [1, 1]} : vector<8x128xi32> to vector<4x128xi32>
    %slice3A_777 = vector.extract_strided_slice %min3A_723 {offsets = [4, 0], sizes = [4, 128], strides = [1, 1]} : vector<8x128xi32> to vector<4x128xi32>
    %min3A_778 = arith.minsi %slice3A_776, %slice3A_777 : vector<4x128xi32>
    %slice3A_779 = vector.extract_strided_slice %min3A_735 {offsets = [0, 0], sizes = [4, 128], strides = [1, 1]} : vector<8x128xi32> to vector<4x128xi32>
    %slice3A_780 = vector.extract_strided_slice %max3A_722 {offsets = [4, 0], sizes = [4, 128], strides = [1, 1]} : vector<8x128xi32> to vector<4x128xi32>
    %min3A_781 = arith.minsi %slice3A_779, %slice3A_780 : vector<4x128xi32>
    %slice3A_782 = vector.extract_strided_slice %max3A_736 {offsets = [0, 0], sizes = [4, 128], strides = [1, 1]} : vector<8x128xi32> to vector<4x128xi32>
    %slice3A_783 = vector.extract_strided_slice %min3A_721 {offsets = [4, 0], sizes = [4, 128], strides = [1, 1]} : vector<8x128xi32> to vector<4x128xi32>
    %min3A_784 = arith.minsi %slice3A_782, %slice3A_783 : vector<4x128xi32>
    %min3A_785 = arith.minsi %min3A_739, %min3A_763 : vector<4x128xi32>
    %max3A_786 = arith.maxsi %min3A_739, %min3A_763 : vector<4x128xi32>
    %min3A_787 = arith.minsi %min3A_742, %min3A_766 : vector<4x128xi32>
    %max3A_788 = arith.maxsi %min3A_742, %min3A_766 : vector<4x128xi32>
    %min3A_789 = arith.minsi %min3A_745, %min3A_769 : vector<4x128xi32>
    %max3A_790 = arith.maxsi %min3A_745, %min3A_769 : vector<4x128xi32>
    %min3A_791 = arith.minsi %min3A_748, %min3A_772 : vector<4x128xi32>
    %max3A_792 = arith.maxsi %min3A_748, %min3A_772 : vector<4x128xi32>
    %min3A_793 = arith.minsi %min3A_751, %min3A_775 : vector<4x128xi32>
    %max3A_794 = arith.maxsi %min3A_751, %min3A_775 : vector<4x128xi32>
    %min3A_795 = arith.minsi %min3A_754, %min3A_778 : vector<4x128xi32>
    %max3A_796 = arith.maxsi %min3A_754, %min3A_778 : vector<4x128xi32>
    %min3A_797 = arith.minsi %min3A_757, %min3A_781 : vector<4x128xi32>
    %max3A_798 = arith.maxsi %min3A_757, %min3A_781 : vector<4x128xi32>
    %min3A_799 = arith.minsi %min3A_760, %min3A_784 : vector<4x128xi32>
    %max3A_800 = arith.maxsi %min3A_760, %min3A_784 : vector<4x128xi32>
    %min3A_801 = arith.minsi %min3A_785, %min3A_793 : vector<4x128xi32>
    %max3A_802 = arith.maxsi %min3A_785, %min3A_793 : vector<4x128xi32>
    %min3A_803 = arith.minsi %min3A_787, %min3A_795 : vector<4x128xi32>
    %max3A_804 = arith.maxsi %min3A_787, %min3A_795 : vector<4x128xi32>
    %min3A_805 = arith.minsi %min3A_789, %min3A_797 : vector<4x128xi32>
    %max3A_806 = arith.maxsi %min3A_789, %min3A_797 : vector<4x128xi32>
    %min3A_807 = arith.minsi %min3A_791, %min3A_799 : vector<4x128xi32>
    %max3A_808 = arith.maxsi %min3A_791, %min3A_799 : vector<4x128xi32>
    %min3A_809 = arith.minsi %max3A_786, %max3A_794 : vector<4x128xi32>
    %max3A_810 = arith.maxsi %max3A_786, %max3A_794 : vector<4x128xi32>
    %min3A_811 = arith.minsi %max3A_788, %max3A_796 : vector<4x128xi32>
    %max3A_812 = arith.maxsi %max3A_788, %max3A_796 : vector<4x128xi32>
    %min3A_813 = arith.minsi %max3A_790, %max3A_798 : vector<4x128xi32>
    %max3A_814 = arith.maxsi %max3A_790, %max3A_798 : vector<4x128xi32>
    %min3A_815 = arith.minsi %max3A_792, %max3A_800 : vector<4x128xi32>
    %max3A_816 = arith.maxsi %max3A_792, %max3A_800 : vector<4x128xi32>
    %min3A_817 = arith.minsi %min3A_801, %min3A_805 : vector<4x128xi32>
    %max3A_818 = arith.maxsi %min3A_801, %min3A_805 : vector<4x128xi32>
    %min3A_819 = arith.minsi %min3A_803, %min3A_807 : vector<4x128xi32>
    %max3A_820 = arith.maxsi %min3A_803, %min3A_807 : vector<4x128xi32>
    %min3A_821 = arith.minsi %max3A_802, %max3A_806 : vector<4x128xi32>
    %max3A_822 = arith.maxsi %max3A_802, %max3A_806 : vector<4x128xi32>
    %min3A_823 = arith.minsi %max3A_804, %max3A_808 : vector<4x128xi32>
    %max3A_824 = arith.maxsi %max3A_804, %max3A_808 : vector<4x128xi32>
    %min3A_825 = arith.minsi %min3A_809, %min3A_813 : vector<4x128xi32>
    %max3A_826 = arith.maxsi %min3A_809, %min3A_813 : vector<4x128xi32>
    %min3A_827 = arith.minsi %min3A_811, %min3A_815 : vector<4x128xi32>
    %max3A_828 = arith.maxsi %min3A_811, %min3A_815 : vector<4x128xi32>
    %min3A_829 = arith.minsi %max3A_810, %max3A_814 : vector<4x128xi32>
    %max3A_830 = arith.maxsi %max3A_810, %max3A_814 : vector<4x128xi32>
    %min3A_831 = arith.minsi %max3A_812, %max3A_816 : vector<4x128xi32>
    %max3A_832 = arith.maxsi %max3A_812, %max3A_816 : vector<4x128xi32>
    %min3A_833 = arith.minsi %min3A_817, %min3A_819 : vector<4x128xi32>
    %max3A_834 = arith.maxsi %min3A_817, %min3A_819 : vector<4x128xi32>
    %min3A_835 = arith.minsi %max3A_818, %max3A_820 : vector<4x128xi32>
    %max3A_836 = arith.maxsi %max3A_818, %max3A_820 : vector<4x128xi32>
    %min3A_837 = arith.minsi %min3A_821, %min3A_823 : vector<4x128xi32>
    %max3A_838 = arith.maxsi %min3A_821, %min3A_823 : vector<4x128xi32>
    %min3A_839 = arith.minsi %max3A_822, %max3A_824 : vector<4x128xi32>
    %max3A_840 = arith.maxsi %max3A_822, %max3A_824 : vector<4x128xi32>
    %min3A_841 = arith.minsi %min3A_825, %min3A_827 : vector<4x128xi32>
    %max3A_842 = arith.maxsi %min3A_825, %min3A_827 : vector<4x128xi32>
    %min3A_843 = arith.minsi %max3A_826, %max3A_828 : vector<4x128xi32>
    %max3A_844 = arith.maxsi %max3A_826, %max3A_828 : vector<4x128xi32>
    %min3A_845 = arith.minsi %min3A_829, %min3A_831 : vector<4x128xi32>
    %max3A_846 = arith.maxsi %min3A_829, %min3A_831 : vector<4x128xi32>
    %min3A_847 = arith.minsi %max3A_830, %max3A_832 : vector<4x128xi32>
    %max3A_848 = arith.maxsi %max3A_830, %max3A_832 : vector<4x128xi32>
    %slice3A_849 = vector.extract_strided_slice %min3A_833 {offsets = [0, 0], sizes = [2, 128], strides = [1, 1]} : vector<4x128xi32> to vector<2x128xi32>
    %slice3A_850 = vector.extract_strided_slice %max3A_848 {offsets = [2, 0], sizes = [2, 128], strides = [1, 1]} : vector<4x128xi32> to vector<2x128xi32>
    %min3A_851 = arith.minsi %slice3A_849, %slice3A_850 : vector<2x128xi32>
    %slice3A_852 = vector.extract_strided_slice %max3A_834 {offsets = [0, 0], sizes = [2, 128], strides = [1, 1]} : vector<4x128xi32> to vector<2x128xi32>
    %slice3A_853 = vector.extract_strided_slice %min3A_847 {offsets = [2, 0], sizes = [2, 128], strides = [1, 1]} : vector<4x128xi32> to vector<2x128xi32>
    %min3A_854 = arith.minsi %slice3A_852, %slice3A_853 : vector<2x128xi32>
    %slice3A_855 = vector.extract_strided_slice %min3A_835 {offsets = [0, 0], sizes = [2, 128], strides = [1, 1]} : vector<4x128xi32> to vector<2x128xi32>
    %slice3A_856 = vector.extract_strided_slice %max3A_846 {offsets = [2, 0], sizes = [2, 128], strides = [1, 1]} : vector<4x128xi32> to vector<2x128xi32>
    %min3A_857 = arith.minsi %slice3A_855, %slice3A_856 : vector<2x128xi32>
    %slice3A_858 = vector.extract_strided_slice %max3A_836 {offsets = [0, 0], sizes = [2, 128], strides = [1, 1]} : vector<4x128xi32> to vector<2x128xi32>
    %slice3A_859 = vector.extract_strided_slice %min3A_845 {offsets = [2, 0], sizes = [2, 128], strides = [1, 1]} : vector<4x128xi32> to vector<2x128xi32>
    %min3A_860 = arith.minsi %slice3A_858, %slice3A_859 : vector<2x128xi32>
    %slice3A_861 = vector.extract_strided_slice %min3A_837 {offsets = [0, 0], sizes = [2, 128], strides = [1, 1]} : vector<4x128xi32> to vector<2x128xi32>
    %slice3A_862 = vector.extract_strided_slice %max3A_844 {offsets = [2, 0], sizes = [2, 128], strides = [1, 1]} : vector<4x128xi32> to vector<2x128xi32>
    %min3A_863 = arith.minsi %slice3A_861, %slice3A_862 : vector<2x128xi32>
    %slice3A_864 = vector.extract_strided_slice %max3A_838 {offsets = [0, 0], sizes = [2, 128], strides = [1, 1]} : vector<4x128xi32> to vector<2x128xi32>
    %slice3A_865 = vector.extract_strided_slice %min3A_843 {offsets = [2, 0], sizes = [2, 128], strides = [1, 1]} : vector<4x128xi32> to vector<2x128xi32>
    %min3A_866 = arith.minsi %slice3A_864, %slice3A_865 : vector<2x128xi32>
    %slice3A_867 = vector.extract_strided_slice %min3A_839 {offsets = [0, 0], sizes = [2, 128], strides = [1, 1]} : vector<4x128xi32> to vector<2x128xi32>
    %slice3A_868 = vector.extract_strided_slice %max3A_842 {offsets = [2, 0], sizes = [2, 128], strides = [1, 1]} : vector<4x128xi32> to vector<2x128xi32>
    %min3A_869 = arith.minsi %slice3A_867, %slice3A_868 : vector<2x128xi32>
    %slice3A_870 = vector.extract_strided_slice %max3A_840 {offsets = [0, 0], sizes = [2, 128], strides = [1, 1]} : vector<4x128xi32> to vector<2x128xi32>
    %slice3A_871 = vector.extract_strided_slice %min3A_841 {offsets = [2, 0], sizes = [2, 128], strides = [1, 1]} : vector<4x128xi32> to vector<2x128xi32>
    %min3A_872 = arith.minsi %slice3A_870, %slice3A_871 : vector<2x128xi32>
    %slice3A_873 = vector.extract_strided_slice %min3A_841 {offsets = [0, 0], sizes = [2, 128], strides = [1, 1]} : vector<4x128xi32> to vector<2x128xi32>
    %slice3A_874 = vector.extract_strided_slice %max3A_840 {offsets = [2, 0], sizes = [2, 128], strides = [1, 1]} : vector<4x128xi32> to vector<2x128xi32>
    %min3A_875 = arith.minsi %slice3A_873, %slice3A_874 : vector<2x128xi32>
    %slice3A_876 = vector.extract_strided_slice %max3A_842 {offsets = [0, 0], sizes = [2, 128], strides = [1, 1]} : vector<4x128xi32> to vector<2x128xi32>
    %slice3A_877 = vector.extract_strided_slice %min3A_839 {offsets = [2, 0], sizes = [2, 128], strides = [1, 1]} : vector<4x128xi32> to vector<2x128xi32>
    %min3A_878 = arith.minsi %slice3A_876, %slice3A_877 : vector<2x128xi32>
    %slice3A_879 = vector.extract_strided_slice %min3A_843 {offsets = [0, 0], sizes = [2, 128], strides = [1, 1]} : vector<4x128xi32> to vector<2x128xi32>
    %slice3A_880 = vector.extract_strided_slice %max3A_838 {offsets = [2, 0], sizes = [2, 128], strides = [1, 1]} : vector<4x128xi32> to vector<2x128xi32>
    %min3A_881 = arith.minsi %slice3A_879, %slice3A_880 : vector<2x128xi32>
    %slice3A_882 = vector.extract_strided_slice %max3A_844 {offsets = [0, 0], sizes = [2, 128], strides = [1, 1]} : vector<4x128xi32> to vector<2x128xi32>
    %slice3A_883 = vector.extract_strided_slice %min3A_837 {offsets = [2, 0], sizes = [2, 128], strides = [1, 1]} : vector<4x128xi32> to vector<2x128xi32>
    %min3A_884 = arith.minsi %slice3A_882, %slice3A_883 : vector<2x128xi32>
    %slice3A_885 = vector.extract_strided_slice %min3A_845 {offsets = [0, 0], sizes = [2, 128], strides = [1, 1]} : vector<4x128xi32> to vector<2x128xi32>
    %slice3A_886 = vector.extract_strided_slice %max3A_836 {offsets = [2, 0], sizes = [2, 128], strides = [1, 1]} : vector<4x128xi32> to vector<2x128xi32>
    %min3A_887 = arith.minsi %slice3A_885, %slice3A_886 : vector<2x128xi32>
    %slice3A_888 = vector.extract_strided_slice %max3A_846 {offsets = [0, 0], sizes = [2, 128], strides = [1, 1]} : vector<4x128xi32> to vector<2x128xi32>
    %slice3A_889 = vector.extract_strided_slice %min3A_835 {offsets = [2, 0], sizes = [2, 128], strides = [1, 1]} : vector<4x128xi32> to vector<2x128xi32>
    %min3A_890 = arith.minsi %slice3A_888, %slice3A_889 : vector<2x128xi32>
    %slice3A_891 = vector.extract_strided_slice %min3A_847 {offsets = [0, 0], sizes = [2, 128], strides = [1, 1]} : vector<4x128xi32> to vector<2x128xi32>
    %slice3A_892 = vector.extract_strided_slice %max3A_834 {offsets = [2, 0], sizes = [2, 128], strides = [1, 1]} : vector<4x128xi32> to vector<2x128xi32>
    %min3A_893 = arith.minsi %slice3A_891, %slice3A_892 : vector<2x128xi32>
    %slice3A_894 = vector.extract_strided_slice %max3A_848 {offsets = [0, 0], sizes = [2, 128], strides = [1, 1]} : vector<4x128xi32> to vector<2x128xi32>
    %slice3A_895 = vector.extract_strided_slice %min3A_833 {offsets = [2, 0], sizes = [2, 128], strides = [1, 1]} : vector<4x128xi32> to vector<2x128xi32>
    %min3A_896 = arith.minsi %slice3A_894, %slice3A_895 : vector<2x128xi32>
    %min3A_897 = arith.minsi %min3A_851, %min3A_875 : vector<2x128xi32>
    %max3A_898 = arith.maxsi %min3A_851, %min3A_875 : vector<2x128xi32>
    %min3A_899 = arith.minsi %min3A_854, %min3A_878 : vector<2x128xi32>
    %max3A_900 = arith.maxsi %min3A_854, %min3A_878 : vector<2x128xi32>
    %min3A_901 = arith.minsi %min3A_857, %min3A_881 : vector<2x128xi32>
    %max3A_902 = arith.maxsi %min3A_857, %min3A_881 : vector<2x128xi32>
    %min3A_903 = arith.minsi %min3A_860, %min3A_884 : vector<2x128xi32>
    %max3A_904 = arith.maxsi %min3A_860, %min3A_884 : vector<2x128xi32>
    %min3A_905 = arith.minsi %min3A_863, %min3A_887 : vector<2x128xi32>
    %max3A_906 = arith.maxsi %min3A_863, %min3A_887 : vector<2x128xi32>
    %min3A_907 = arith.minsi %min3A_866, %min3A_890 : vector<2x128xi32>
    %max3A_908 = arith.maxsi %min3A_866, %min3A_890 : vector<2x128xi32>
    %min3A_909 = arith.minsi %min3A_869, %min3A_893 : vector<2x128xi32>
    %max3A_910 = arith.maxsi %min3A_869, %min3A_893 : vector<2x128xi32>
    %min3A_911 = arith.minsi %min3A_872, %min3A_896 : vector<2x128xi32>
    %max3A_912 = arith.maxsi %min3A_872, %min3A_896 : vector<2x128xi32>
    %min3A_913 = arith.minsi %min3A_897, %min3A_905 : vector<2x128xi32>
    %max3A_914 = arith.maxsi %min3A_897, %min3A_905 : vector<2x128xi32>
    %min3A_915 = arith.minsi %min3A_899, %min3A_907 : vector<2x128xi32>
    %max3A_916 = arith.maxsi %min3A_899, %min3A_907 : vector<2x128xi32>
    %min3A_917 = arith.minsi %min3A_901, %min3A_909 : vector<2x128xi32>
    %max3A_918 = arith.maxsi %min3A_901, %min3A_909 : vector<2x128xi32>
    %min3A_919 = arith.minsi %min3A_903, %min3A_911 : vector<2x128xi32>
    %max3A_920 = arith.maxsi %min3A_903, %min3A_911 : vector<2x128xi32>
    %min3A_921 = arith.minsi %max3A_898, %max3A_906 : vector<2x128xi32>
    %max3A_922 = arith.maxsi %max3A_898, %max3A_906 : vector<2x128xi32>
    %min3A_923 = arith.minsi %max3A_900, %max3A_908 : vector<2x128xi32>
    %max3A_924 = arith.maxsi %max3A_900, %max3A_908 : vector<2x128xi32>
    %min3A_925 = arith.minsi %max3A_902, %max3A_910 : vector<2x128xi32>
    %max3A_926 = arith.maxsi %max3A_902, %max3A_910 : vector<2x128xi32>
    %min3A_927 = arith.minsi %max3A_904, %max3A_912 : vector<2x128xi32>
    %max3A_928 = arith.maxsi %max3A_904, %max3A_912 : vector<2x128xi32>
    %min3A_929 = arith.minsi %min3A_913, %min3A_917 : vector<2x128xi32>
    %max3A_930 = arith.maxsi %min3A_913, %min3A_917 : vector<2x128xi32>
    %min3A_931 = arith.minsi %min3A_915, %min3A_919 : vector<2x128xi32>
    %max3A_932 = arith.maxsi %min3A_915, %min3A_919 : vector<2x128xi32>
    %min3A_933 = arith.minsi %max3A_914, %max3A_918 : vector<2x128xi32>
    %max3A_934 = arith.maxsi %max3A_914, %max3A_918 : vector<2x128xi32>
    %min3A_935 = arith.minsi %max3A_916, %max3A_920 : vector<2x128xi32>
    %max3A_936 = arith.maxsi %max3A_916, %max3A_920 : vector<2x128xi32>
    %min3A_937 = arith.minsi %min3A_921, %min3A_925 : vector<2x128xi32>
    %max3A_938 = arith.maxsi %min3A_921, %min3A_925 : vector<2x128xi32>
    %min3A_939 = arith.minsi %min3A_923, %min3A_927 : vector<2x128xi32>
    %max3A_940 = arith.maxsi %min3A_923, %min3A_927 : vector<2x128xi32>
    %min3A_941 = arith.minsi %max3A_922, %max3A_926 : vector<2x128xi32>
    %max3A_942 = arith.maxsi %max3A_922, %max3A_926 : vector<2x128xi32>
    %min3A_943 = arith.minsi %max3A_924, %max3A_928 : vector<2x128xi32>
    %max3A_944 = arith.maxsi %max3A_924, %max3A_928 : vector<2x128xi32>
    %min3A_945 = arith.minsi %min3A_929, %min3A_931 : vector<2x128xi32>
    %max3A_946 = arith.maxsi %min3A_929, %min3A_931 : vector<2x128xi32>
    %min3A_947 = arith.minsi %max3A_930, %max3A_932 : vector<2x128xi32>
    %max3A_948 = arith.maxsi %max3A_930, %max3A_932 : vector<2x128xi32>
    %min3A_949 = arith.minsi %min3A_933, %min3A_935 : vector<2x128xi32>
    %max3A_950 = arith.maxsi %min3A_933, %min3A_935 : vector<2x128xi32>
    %min3A_951 = arith.minsi %max3A_934, %max3A_936 : vector<2x128xi32>
    %max3A_952 = arith.maxsi %max3A_934, %max3A_936 : vector<2x128xi32>
    %min3A_953 = arith.minsi %min3A_937, %min3A_939 : vector<2x128xi32>
    %max3A_954 = arith.maxsi %min3A_937, %min3A_939 : vector<2x128xi32>
    %min3A_955 = arith.minsi %max3A_938, %max3A_940 : vector<2x128xi32>
    %max3A_956 = arith.maxsi %max3A_938, %max3A_940 : vector<2x128xi32>
    %min3A_957 = arith.minsi %min3A_941, %min3A_943 : vector<2x128xi32>
    %max3A_958 = arith.maxsi %min3A_941, %min3A_943 : vector<2x128xi32>
    %min3A_959 = arith.minsi %max3A_942, %max3A_944 : vector<2x128xi32>
    %max3A_960 = arith.maxsi %max3A_942, %max3A_944 : vector<2x128xi32>
    %slice3A_961 = vector.extract_strided_slice %min3A_945 {offsets = [0, 0], sizes = [1, 128], strides = [1, 1]} : vector<2x128xi32> to vector<1x128xi32>
    %slice3A_962 = vector.extract_strided_slice %max3A_960 {offsets = [1, 0], sizes = [1, 128], strides = [1, 1]} : vector<2x128xi32> to vector<1x128xi32>
    %min3A_963 = arith.minsi %slice3A_961, %slice3A_962 : vector<1x128xi32>
    %slice3A_964 = vector.extract_strided_slice %max3A_946 {offsets = [0, 0], sizes = [1, 128], strides = [1, 1]} : vector<2x128xi32> to vector<1x128xi32>
    %slice3A_965 = vector.extract_strided_slice %min3A_959 {offsets = [1, 0], sizes = [1, 128], strides = [1, 1]} : vector<2x128xi32> to vector<1x128xi32>
    %min3A_966 = arith.minsi %slice3A_964, %slice3A_965 : vector<1x128xi32>
    %slice3A_967 = vector.extract_strided_slice %min3A_947 {offsets = [0, 0], sizes = [1, 128], strides = [1, 1]} : vector<2x128xi32> to vector<1x128xi32>
    %slice3A_968 = vector.extract_strided_slice %max3A_958 {offsets = [1, 0], sizes = [1, 128], strides = [1, 1]} : vector<2x128xi32> to vector<1x128xi32>
    %min3A_969 = arith.minsi %slice3A_967, %slice3A_968 : vector<1x128xi32>
    %slice3A_970 = vector.extract_strided_slice %max3A_948 {offsets = [0, 0], sizes = [1, 128], strides = [1, 1]} : vector<2x128xi32> to vector<1x128xi32>
    %slice3A_971 = vector.extract_strided_slice %min3A_957 {offsets = [1, 0], sizes = [1, 128], strides = [1, 1]} : vector<2x128xi32> to vector<1x128xi32>
    %min3A_972 = arith.minsi %slice3A_970, %slice3A_971 : vector<1x128xi32>
    %slice3A_973 = vector.extract_strided_slice %min3A_949 {offsets = [0, 0], sizes = [1, 128], strides = [1, 1]} : vector<2x128xi32> to vector<1x128xi32>
    %slice3A_974 = vector.extract_strided_slice %max3A_956 {offsets = [1, 0], sizes = [1, 128], strides = [1, 1]} : vector<2x128xi32> to vector<1x128xi32>
    %min3A_975 = arith.minsi %slice3A_973, %slice3A_974 : vector<1x128xi32>
    %slice3A_976 = vector.extract_strided_slice %max3A_950 {offsets = [0, 0], sizes = [1, 128], strides = [1, 1]} : vector<2x128xi32> to vector<1x128xi32>
    %slice3A_977 = vector.extract_strided_slice %min3A_955 {offsets = [1, 0], sizes = [1, 128], strides = [1, 1]} : vector<2x128xi32> to vector<1x128xi32>
    %min3A_978 = arith.minsi %slice3A_976, %slice3A_977 : vector<1x128xi32>
    %slice3A_979 = vector.extract_strided_slice %min3A_951 {offsets = [0, 0], sizes = [1, 128], strides = [1, 1]} : vector<2x128xi32> to vector<1x128xi32>
    %slice3A_980 = vector.extract_strided_slice %max3A_954 {offsets = [1, 0], sizes = [1, 128], strides = [1, 1]} : vector<2x128xi32> to vector<1x128xi32>
    %min3A_981 = arith.minsi %slice3A_979, %slice3A_980 : vector<1x128xi32>
    %slice3A_982 = vector.extract_strided_slice %max3A_952 {offsets = [0, 0], sizes = [1, 128], strides = [1, 1]} : vector<2x128xi32> to vector<1x128xi32>
    %slice3A_983 = vector.extract_strided_slice %min3A_953 {offsets = [1, 0], sizes = [1, 128], strides = [1, 1]} : vector<2x128xi32> to vector<1x128xi32>
    %min3A_984 = arith.minsi %slice3A_982, %slice3A_983 : vector<1x128xi32>
    %slice3A_985 = vector.extract_strided_slice %min3A_953 {offsets = [0, 0], sizes = [1, 128], strides = [1, 1]} : vector<2x128xi32> to vector<1x128xi32>
    %slice3A_986 = vector.extract_strided_slice %max3A_952 {offsets = [1, 0], sizes = [1, 128], strides = [1, 1]} : vector<2x128xi32> to vector<1x128xi32>
    %min3A_987 = arith.minsi %slice3A_985, %slice3A_986 : vector<1x128xi32>
    %slice3A_988 = vector.extract_strided_slice %max3A_954 {offsets = [0, 0], sizes = [1, 128], strides = [1, 1]} : vector<2x128xi32> to vector<1x128xi32>
    %slice3A_989 = vector.extract_strided_slice %min3A_951 {offsets = [1, 0], sizes = [1, 128], strides = [1, 1]} : vector<2x128xi32> to vector<1x128xi32>
    %min3A_990 = arith.minsi %slice3A_988, %slice3A_989 : vector<1x128xi32>
    %slice3A_991 = vector.extract_strided_slice %min3A_955 {offsets = [0, 0], sizes = [1, 128], strides = [1, 1]} : vector<2x128xi32> to vector<1x128xi32>
    %slice3A_992 = vector.extract_strided_slice %max3A_950 {offsets = [1, 0], sizes = [1, 128], strides = [1, 1]} : vector<2x128xi32> to vector<1x128xi32>
    %min3A_993 = arith.minsi %slice3A_991, %slice3A_992 : vector<1x128xi32>
    %slice3A_994 = vector.extract_strided_slice %max3A_956 {offsets = [0, 0], sizes = [1, 128], strides = [1, 1]} : vector<2x128xi32> to vector<1x128xi32>
    %slice3A_995 = vector.extract_strided_slice %min3A_949 {offsets = [1, 0], sizes = [1, 128], strides = [1, 1]} : vector<2x128xi32> to vector<1x128xi32>
    %min3A_996 = arith.minsi %slice3A_994, %slice3A_995 : vector<1x128xi32>
    %slice3A_997 = vector.extract_strided_slice %min3A_957 {offsets = [0, 0], sizes = [1, 128], strides = [1, 1]} : vector<2x128xi32> to vector<1x128xi32>
    %slice3A_998 = vector.extract_strided_slice %max3A_948 {offsets = [1, 0], sizes = [1, 128], strides = [1, 1]} : vector<2x128xi32> to vector<1x128xi32>
    %min3A_999 = arith.minsi %slice3A_997, %slice3A_998 : vector<1x128xi32>
    %slice3A_1000 = vector.extract_strided_slice %max3A_958 {offsets = [0, 0], sizes = [1, 128], strides = [1, 1]} : vector<2x128xi32> to vector<1x128xi32>
    %slice3A_1001 = vector.extract_strided_slice %min3A_947 {offsets = [1, 0], sizes = [1, 128], strides = [1, 1]} : vector<2x128xi32> to vector<1x128xi32>
    %min3A_1002 = arith.minsi %slice3A_1000, %slice3A_1001 : vector<1x128xi32>
    %slice3A_1003 = vector.extract_strided_slice %min3A_959 {offsets = [0, 0], sizes = [1, 128], strides = [1, 1]} : vector<2x128xi32> to vector<1x128xi32>
    %slice3A_1004 = vector.extract_strided_slice %max3A_946 {offsets = [1, 0], sizes = [1, 128], strides = [1, 1]} : vector<2x128xi32> to vector<1x128xi32>
    %min3A_1005 = arith.minsi %slice3A_1003, %slice3A_1004 : vector<1x128xi32>
    %slice3A_1006 = vector.extract_strided_slice %max3A_960 {offsets = [0, 0], sizes = [1, 128], strides = [1, 1]} : vector<2x128xi32> to vector<1x128xi32>
    %slice3A_1007 = vector.extract_strided_slice %min3A_945 {offsets = [1, 0], sizes = [1, 128], strides = [1, 1]} : vector<2x128xi32> to vector<1x128xi32>
    %min3A_1008 = arith.minsi %slice3A_1006, %slice3A_1007 : vector<1x128xi32>
    %min3A_1009 = arith.minsi %min3A_963, %min3A_987 : vector<1x128xi32>
    %max3A_1010 = arith.maxsi %min3A_963, %min3A_987 : vector<1x128xi32>
    %min3A_1011 = arith.minsi %min3A_966, %min3A_990 : vector<1x128xi32>
    %max3A_1012 = arith.maxsi %min3A_966, %min3A_990 : vector<1x128xi32>
    %min3A_1013 = arith.minsi %min3A_969, %min3A_993 : vector<1x128xi32>
    %max3A_1014 = arith.maxsi %min3A_969, %min3A_993 : vector<1x128xi32>
    %min3A_1015 = arith.minsi %min3A_972, %min3A_996 : vector<1x128xi32>
    %max3A_1016 = arith.maxsi %min3A_972, %min3A_996 : vector<1x128xi32>
    %min3A_1017 = arith.minsi %min3A_975, %min3A_999 : vector<1x128xi32>
    %max3A_1018 = arith.maxsi %min3A_975, %min3A_999 : vector<1x128xi32>
    %min3A_1019 = arith.minsi %min3A_978, %min3A_1002 : vector<1x128xi32>
    %max3A_1020 = arith.maxsi %min3A_978, %min3A_1002 : vector<1x128xi32>
    %min3A_1021 = arith.minsi %min3A_981, %min3A_1005 : vector<1x128xi32>
    %max3A_1022 = arith.maxsi %min3A_981, %min3A_1005 : vector<1x128xi32>
    %min3A_1023 = arith.minsi %min3A_984, %min3A_1008 : vector<1x128xi32>
    %max3A_1024 = arith.maxsi %min3A_984, %min3A_1008 : vector<1x128xi32>
    %min3A_1025 = arith.minsi %min3A_1009, %min3A_1017 : vector<1x128xi32>
    %max3A_1026 = arith.maxsi %min3A_1009, %min3A_1017 : vector<1x128xi32>
    %min3A_1027 = arith.minsi %min3A_1011, %min3A_1019 : vector<1x128xi32>
    %max3A_1028 = arith.maxsi %min3A_1011, %min3A_1019 : vector<1x128xi32>
    %min3A_1029 = arith.minsi %min3A_1013, %min3A_1021 : vector<1x128xi32>
    %max3A_1030 = arith.maxsi %min3A_1013, %min3A_1021 : vector<1x128xi32>
    %min3A_1031 = arith.minsi %min3A_1015, %min3A_1023 : vector<1x128xi32>
    %max3A_1032 = arith.maxsi %min3A_1015, %min3A_1023 : vector<1x128xi32>
    %min3A_1033 = arith.minsi %max3A_1010, %max3A_1018 : vector<1x128xi32>
    %max3A_1034 = arith.maxsi %max3A_1010, %max3A_1018 : vector<1x128xi32>
    %min3A_1035 = arith.minsi %max3A_1012, %max3A_1020 : vector<1x128xi32>
    %max3A_1036 = arith.maxsi %max3A_1012, %max3A_1020 : vector<1x128xi32>
    %min3A_1037 = arith.minsi %max3A_1014, %max3A_1022 : vector<1x128xi32>
    %max3A_1038 = arith.maxsi %max3A_1014, %max3A_1022 : vector<1x128xi32>
    %min3A_1039 = arith.minsi %max3A_1016, %max3A_1024 : vector<1x128xi32>
    %max3A_1040 = arith.maxsi %max3A_1016, %max3A_1024 : vector<1x128xi32>
    %min3A_1041 = arith.minsi %min3A_1025, %min3A_1029 : vector<1x128xi32>
    %max3A_1042 = arith.maxsi %min3A_1025, %min3A_1029 : vector<1x128xi32>
    %min3A_1043 = arith.minsi %min3A_1027, %min3A_1031 : vector<1x128xi32>
    %max3A_1044 = arith.maxsi %min3A_1027, %min3A_1031 : vector<1x128xi32>
    %min3A_1045 = arith.minsi %max3A_1026, %max3A_1030 : vector<1x128xi32>
    %max3A_1046 = arith.maxsi %max3A_1026, %max3A_1030 : vector<1x128xi32>
    %min3A_1047 = arith.minsi %max3A_1028, %max3A_1032 : vector<1x128xi32>
    %max3A_1048 = arith.maxsi %max3A_1028, %max3A_1032 : vector<1x128xi32>
    %min3A_1049 = arith.minsi %min3A_1033, %min3A_1037 : vector<1x128xi32>
    %max3A_1050 = arith.maxsi %min3A_1033, %min3A_1037 : vector<1x128xi32>
    %min3A_1051 = arith.minsi %min3A_1035, %min3A_1039 : vector<1x128xi32>
    %max3A_1052 = arith.maxsi %min3A_1035, %min3A_1039 : vector<1x128xi32>
    %min3A_1053 = arith.minsi %max3A_1034, %max3A_1038 : vector<1x128xi32>
    %max3A_1054 = arith.maxsi %max3A_1034, %max3A_1038 : vector<1x128xi32>
    %min3A_1055 = arith.minsi %max3A_1036, %max3A_1040 : vector<1x128xi32>
    %max3A_1056 = arith.maxsi %max3A_1036, %max3A_1040 : vector<1x128xi32>
    %min3A_1057 = arith.minsi %min3A_1041, %min3A_1043 : vector<1x128xi32>
    %max3A_1058 = arith.maxsi %min3A_1041, %min3A_1043 : vector<1x128xi32>
    %min3A_1059 = arith.minsi %max3A_1042, %max3A_1044 : vector<1x128xi32>
    %max3A_1060 = arith.maxsi %max3A_1042, %max3A_1044 : vector<1x128xi32>
    %min3A_1061 = arith.minsi %min3A_1045, %min3A_1047 : vector<1x128xi32>
    %max3A_1062 = arith.maxsi %min3A_1045, %min3A_1047 : vector<1x128xi32>
    %min3A_1063 = arith.minsi %max3A_1046, %max3A_1048 : vector<1x128xi32>
    %max3A_1064 = arith.maxsi %max3A_1046, %max3A_1048 : vector<1x128xi32>
    %min3A_1065 = arith.minsi %min3A_1049, %min3A_1051 : vector<1x128xi32>
    %max3A_1066 = arith.maxsi %min3A_1049, %min3A_1051 : vector<1x128xi32>
    %min3A_1067 = arith.minsi %max3A_1050, %max3A_1052 : vector<1x128xi32>
    %max3A_1068 = arith.maxsi %max3A_1050, %max3A_1052 : vector<1x128xi32>
    %min3A_1069 = arith.minsi %min3A_1053, %min3A_1055 : vector<1x128xi32>
    %max3A_1070 = arith.maxsi %min3A_1053, %min3A_1055 : vector<1x128xi32>
    %min3A_1071 = arith.minsi %max3A_1054, %max3A_1056 : vector<1x128xi32>
    %max3A_1072 = arith.maxsi %max3A_1054, %max3A_1056 : vector<1x128xi32>
    %concatenate3A = tpu.concatenate %min3A_1057, %max3A_1058, %min3A_1059, %max3A_1060, %min3A_1061, %max3A_1062, %min3A_1063, %max3A_1064, %min3A_1065, %max3A_1066, %min3A_1067, %max3A_1068, %min3A_1069, %max3A_1070, %min3A_1071, %max3A_1072 in 0 : vector<1x128xi32>, vector<1x128xi32>, vector<1x128xi32>, vector<1x128xi32>, vector<1x128xi32>, vector<1x128xi32>, vector<1x128xi32>, vector<1x128xi32>, vector<1x128xi32>, vector<1x128xi32>, vector<1x128xi32>, vector<1x128xi32>, vector<1x128xi32>, vector<1x128xi32>, vector<1x128xi32>, vector<1x128xi32> -> vector<16x128xi32>
    %broadcast_in_dim3A = vector.shape_cast %concatenate3A : vector<16x128xi32> to vector<1x1x16x128xi32>
    %swap3A = arith.constant 0 : index
    %swap3A_1073 = arith.constant 0 : index
    %swap3A_1074 = arith.constant 0 : index
    %swap3A_1075 = arith.constant 0 : index
    %swap3A_1076 = vector.load %arg4[%swap3A, %swap3A_1073, %swap3A_1074, %swap3A_1075] : memref<1x1x16x128xi32, #tpu.memory_space<vmem>>, vector<1x1x16x128xi32>
    tpu.vector_store %arg4[%swap3A, %swap3A_1073, %swap3A_1074, %swap3A_1075], %broadcast_in_dim3A {strides = array<i32>} : memref<1x1x16x128xi32, #tpu.memory_space<vmem>>, vector<1x1x16x128xi32>,
    return
  }
  func.func @transform_0(%arg0: i32, %arg1: i32) -> (i32, i32, i32) {
    %c0_i32 = arith.constant 0 : i32
    %c0_i32_0 = arith.constant 0 : i32
    %c0_i32_1 = arith.constant 0 : i32
    return %arg0, %c0_i32, %c0_i32_0 : i32, i32, i32
  }
  func.func @transform_1(%arg0: i32, %arg1: i32) -> (i32, i32, i32) {
    %c0_i32 = arith.constant 0 : i32
    %c0_i32_0 = arith.constant 0 : i32
    return %arg0, %c0_i32, %arg1 : i32, i32, i32
  }
  func.func @transform_2(%arg0: i32, %arg1: i32) -> (i32, i32, i32, i32) {
    %c0_i32 = arith.constant 0 : i32
    %c0_i32_0 = arith.constant 0 : i32
    %c0_i32_1 = arith.constant 0 : i32
    return %arg0, %arg1, %c0_i32, %c0_i32_0 : i32, i32, i32, i32
  }
}

module attributes {stable_mosaic.version = 14 : i64} {
  func.func @_mlp_kernel(%arg0: i32, %arg1: memref<4096x128xf32, #tpu.memory_space<vmem>>, %arg2: memref<4096x8xf32, #tpu.memory_space<vmem>>, %arg3: memref<128x128xbf16, #tpu.memory_space<vmem>>, %arg4: memref<128x128xbf16, #tpu.memory_space<vmem>>, %arg5: memref<8x128xf32, #tpu.memory_space<vmem>>, %arg6: memref<1x128xf32, #tpu.memory_space<vmem>>, %arg7: memref<128x128xbf16, #tpu.memory_space<vmem>>, %arg8: memref<128x128xbf16, #tpu.memory_space<vmem>>, %arg9: memref<1x128xf32, #tpu.memory_space<vmem>>, %arg10: memref<128x128xbf16, #tpu.memory_space<vmem>>, %arg11: memref<128x128xbf16, #tpu.memory_space<vmem>>, %arg12: memref<1x128xf32, #tpu.memory_space<vmem>>, %arg13: memref<256x128xf32, #tpu.memory_space<vmem>>, %arg14: memref<256x1xf32, #tpu.memory_space<vmem>>) attributes {dimension_semantics = [#tpu.dimension_semantics<arbitrary>], iteration_bounds = array<i64: 32>, scalar_prefetch = 0 : i64, scratch_operands = 0 : i64, tpu.core_type = #tpu.core_type<tc>, window_params = [{transform_indices = @transform_0, window_bounds = array<i64: 4096, 128>}, {transform_indices = @transform_1, window_bounds = array<i64: 4096, 8>}, {pipeline_mode = #tpu.pipeline_mode<synchronous>, transform_indices = @transform_2, window_bounds = array<i64: 128, 128>}, {pipeline_mode = #tpu.pipeline_mode<synchronous>, transform_indices = @transform_3, window_bounds = array<i64: 128, 128>}, {pipeline_mode = #tpu.pipeline_mode<synchronous>, transform_indices = @transform_4, window_bounds = array<i64: 8, 128>}, {pipeline_mode = #tpu.pipeline_mode<synchronous>, transform_indices = @transform_5, window_bounds = array<i64: 1, 128>}, {pipeline_mode = #tpu.pipeline_mode<synchronous>, transform_indices = @transform_6, window_bounds = array<i64: 128, 128>}, {pipeline_mode = #tpu.pipeline_mode<synchronous>, transform_indices = @transform_7, window_bounds = array<i64: 128, 128>}, {pipeline_mode = #tpu.pipeline_mode<synchronous>, transform_indices = @transform_8, window_bounds = array<i64: 1, 128>}, {pipeline_mode = #tpu.pipeline_mode<synchronous>, transform_indices = @transform_9, window_bounds = array<i64: 128, 128>}, {pipeline_mode = #tpu.pipeline_mode<synchronous>, transform_indices = @transform_10, window_bounds = array<i64: 128, 128>}, {pipeline_mode = #tpu.pipeline_mode<synchronous>, transform_indices = @transform_11, window_bounds = array<i64: 1, 128>}, {transform_indices = @transform_12, window_bounds = array<i64: 256, 128>}, {transform_indices = @transform_13, window_bounds = array<i64: 256, 1>}]} {
    %get3A = arith.constant 0 : index
    %get3A_0 = arith.constant 0 : index
    %get3A_1 = vector.load %arg1[%get3A, %get3A_0] : memref<4096x128xf32, #tpu.memory_space<vmem>>, vector<4096x128xf32>
    %get3A_2 = arith.constant 0 : index
    %get3A_3 = arith.constant 0 : index
    %get3A_4 = vector.load %arg2[%get3A_2, %get3A_3] : memref<4096x8xf32, #tpu.memory_space<vmem>>, vector<4096x8xf32>
    %slice3A = vector.extract_strided_slice %get3A_4 {offsets = [0, 4], sizes = [4096, 1], strides = [1, 1]} : vector<4096x8xf32> to vector<4096x1xf32>
    %convert_element_type3A = arith.truncf %get3A_1 : vector<4096x128xf32> to vector<4096x128xbf16>
    %convert_element_type3A_5 = arith.extf %convert_element_type3A : vector<4096x128xbf16> to vector<4096x128xf32>
    %sub3A = arith.subf %get3A_1, %convert_element_type3A_5 : vector<4096x128xf32>
    %convert_element_type3A_6 = arith.truncf %sub3A : vector<4096x128xf32> to vector<4096x128xbf16>
    %get3A_7 = arith.constant 0 : index
    %get3A_8 = arith.constant 0 : index
    %get3A_9 = vector.load %arg3[%get3A_7, %get3A_8] : memref<128x128xbf16, #tpu.memory_space<vmem>>, vector<128x128xbf16>
    %dot_general3A = arith.constant dense<0.000000e+00> : vector<4096x128xf32>
    %dot_general3A_10 = tpu.matmul %convert_element_type3A_6, %get3A_9, %dot_general3A {dimension_numbers = #tpu.dot_dimension_numbers<[1], [0], [0], [1], [0, 0, 1, 1], [], []>, transpose_lhs_hint = false} : vector<4096x128xbf16>, vector<128x128xbf16>, vector<4096x128xf32> -> vector<4096x128xf32>
    %get3A_11 = arith.constant 0 : index
    %get3A_12 = arith.constant 0 : index
    %get3A_13 = vector.load %arg4[%get3A_11, %get3A_12] : memref<128x128xbf16, #tpu.memory_space<vmem>>, vector<128x128xbf16>
    %dot_general3A_14 = arith.constant dense<0.000000e+00> : vector<4096x128xf32>
    %dot_general3A_15 = tpu.matmul %convert_element_type3A, %get3A_13, %dot_general3A_14 {dimension_numbers = #tpu.dot_dimension_numbers<[1], [0], [0], [1], [0, 0, 1, 1], [], []>, transpose_lhs_hint = false} : vector<4096x128xbf16>, vector<128x128xbf16>, vector<4096x128xf32> -> vector<4096x128xf32>
    %add3A = arith.addf %dot_general3A_10, %dot_general3A_15 : vector<4096x128xf32>
    %get3A_16 = arith.constant 0 : index
    %get3A_17 = arith.constant 0 : index
    %get3A_18 = vector.load %arg3[%get3A_16, %get3A_17] : memref<128x128xbf16, #tpu.memory_space<vmem>>, vector<128x128xbf16>
    %dot_general3A_19 = arith.constant dense<0.000000e+00> : vector<4096x128xf32>
    %dot_general3A_20 = tpu.matmul %convert_element_type3A, %get3A_18, %dot_general3A_19 {dimension_numbers = #tpu.dot_dimension_numbers<[1], [0], [0], [1], [0, 0, 1, 1], [], []>, transpose_lhs_hint = false} : vector<4096x128xbf16>, vector<128x128xbf16>, vector<4096x128xf32> -> vector<4096x128xf32>
    %add3A_21 = arith.addf %add3A, %dot_general3A_20 : vector<4096x128xf32>
    %get3A_22 = arith.constant 0 : index
    %get3A_23 = arith.constant 0 : index
    %get3A_24 = vector.load %arg5[%get3A_22, %get3A_23] : memref<8x128xf32, #tpu.memory_space<vmem>>, vector<8x128xf32>
    %dot_general3A_25 = arith.constant dense<0.000000e+00> : vector<4096x128xf32>
    %dot_general3A_26 = tpu.matmul %get3A_4, %get3A_24, %dot_general3A_25 {dimension_numbers = #tpu.dot_dimension_numbers<[1], [0], [0], [1], [0, 0, 1, 1], [], []>, precision = #tpu.contract_precision<fp32>, transpose_lhs_hint = false} : vector<4096x8xf32>, vector<8x128xf32>, vector<4096x128xf32> -> vector<4096x128xf32>
    %add3A_27 = arith.addf %add3A_21, %dot_general3A_26 : vector<4096x128xf32>
    %get3A_28 = arith.constant 0 : index
    %get3A_29 = arith.constant 0 : index
    %get3A_30 = vector.load %arg6[%get3A_28, %get3A_29] : memref<1x128xf32, #tpu.memory_space<vmem>>, vector<1x128xf32>
    %add3A_31 = vector.broadcast %get3A_30 : vector<1x128xf32> to vector<4096x128xf32>
    %add3A_32 = arith.addf %add3A_27, %add3A_31 : vector<4096x128xf32>
    %mul3A = arith.constant 5.000000e-01 : f32
    %mul3A_33 = vector.broadcast %mul3A : f32 to vector<4096x128xf32>
    %mul3A_34 = arith.mulf %mul3A_33, %add3A_32 : vector<4096x128xf32>
    %mul3A_35 = arith.constant 0.707106769 : f32
    %mul3A_36 = vector.broadcast %mul3A_35 : f32 to vector<4096x128xf32>
    %mul3A_37 = arith.mulf %add3A_32, %mul3A_36 : vector<4096x128xf32>
    %erf3A = math.erf %mul3A_37 : vector<4096x128xf32>
    %add3A_38 = arith.constant 1.000000e+00 : f32
    %add3A_39 = vector.broadcast %add3A_38 : f32 to vector<4096x128xf32>
    %add3A_40 = arith.addf %add3A_39, %erf3A : vector<4096x128xf32>
    %mul3A_41 = arith.mulf %mul3A_34, %add3A_40 : vector<4096x128xf32>
    %convert_element_type3A_42 = arith.truncf %mul3A_41 : vector<4096x128xf32> to vector<4096x128xbf16>
    %convert_element_type3A_43 = arith.extf %convert_element_type3A_42 : vector<4096x128xbf16> to vector<4096x128xf32>
    %sub3A_44 = arith.subf %mul3A_41, %convert_element_type3A_43 : vector<4096x128xf32>
    %convert_element_type3A_45 = arith.truncf %sub3A_44 : vector<4096x128xf32> to vector<4096x128xbf16>
    %get3A_46 = arith.constant 0 : index
    %get3A_47 = arith.constant 0 : index
    %get3A_48 = vector.load %arg7[%get3A_46, %get3A_47] : memref<128x128xbf16, #tpu.memory_space<vmem>>, vector<128x128xbf16>
    %dot_general3A_49 = arith.constant dense<0.000000e+00> : vector<4096x128xf32>
    %dot_general3A_50 = tpu.matmul %convert_element_type3A_45, %get3A_48, %dot_general3A_49 {dimension_numbers = #tpu.dot_dimension_numbers<[1], [0], [0], [1], [0, 0, 1, 1], [], []>, transpose_lhs_hint = false} : vector<4096x128xbf16>, vector<128x128xbf16>, vector<4096x128xf32> -> vector<4096x128xf32>
    %get3A_51 = arith.constant 0 : index
    %get3A_52 = arith.constant 0 : index
    %get3A_53 = vector.load %arg8[%get3A_51, %get3A_52] : memref<128x128xbf16, #tpu.memory_space<vmem>>, vector<128x128xbf16>
    %dot_general3A_54 = arith.constant dense<0.000000e+00> : vector<4096x128xf32>
    %dot_general3A_55 = tpu.matmul %convert_element_type3A_42, %get3A_53, %dot_general3A_54 {dimension_numbers = #tpu.dot_dimension_numbers<[1], [0], [0], [1], [0, 0, 1, 1], [], []>, transpose_lhs_hint = false} : vector<4096x128xbf16>, vector<128x128xbf16>, vector<4096x128xf32> -> vector<4096x128xf32>
    %add3A_56 = arith.addf %dot_general3A_50, %dot_general3A_55 : vector<4096x128xf32>
    %get3A_57 = arith.constant 0 : index
    %get3A_58 = arith.constant 0 : index
    %get3A_59 = vector.load %arg7[%get3A_57, %get3A_58] : memref<128x128xbf16, #tpu.memory_space<vmem>>, vector<128x128xbf16>
    %dot_general3A_60 = arith.constant dense<0.000000e+00> : vector<4096x128xf32>
    %dot_general3A_61 = tpu.matmul %convert_element_type3A_42, %get3A_59, %dot_general3A_60 {dimension_numbers = #tpu.dot_dimension_numbers<[1], [0], [0], [1], [0, 0, 1, 1], [], []>, transpose_lhs_hint = false} : vector<4096x128xbf16>, vector<128x128xbf16>, vector<4096x128xf32> -> vector<4096x128xf32>
    %add3A_62 = arith.addf %add3A_56, %dot_general3A_61 : vector<4096x128xf32>
    %get3A_63 = arith.constant 0 : index
    %get3A_64 = arith.constant 0 : index
    %get3A_65 = vector.load %arg9[%get3A_63, %get3A_64] : memref<1x128xf32, #tpu.memory_space<vmem>>, vector<1x128xf32>
    %add3A_66 = vector.broadcast %get3A_65 : vector<1x128xf32> to vector<4096x128xf32>
    %add3A_67 = arith.addf %add3A_62, %add3A_66 : vector<4096x128xf32>
    %mul3A_68 = arith.constant 5.000000e-01 : f32
    %mul3A_69 = vector.broadcast %mul3A_68 : f32 to vector<4096x128xf32>
    %mul3A_70 = arith.mulf %mul3A_69, %add3A_67 : vector<4096x128xf32>
    %mul3A_71 = arith.constant 0.707106769 : f32
    %mul3A_72 = vector.broadcast %mul3A_71 : f32 to vector<4096x128xf32>
    %mul3A_73 = arith.mulf %add3A_67, %mul3A_72 : vector<4096x128xf32>
    %erf3A_74 = math.erf %mul3A_73 : vector<4096x128xf32>
    %add3A_75 = arith.constant 1.000000e+00 : f32
    %add3A_76 = vector.broadcast %add3A_75 : f32 to vector<4096x128xf32>
    %add3A_77 = arith.addf %add3A_76, %erf3A_74 : vector<4096x128xf32>
    %mul3A_78 = arith.mulf %mul3A_70, %add3A_77 : vector<4096x128xf32>
    %convert_element_type3A_79 = arith.truncf %mul3A_78 : vector<4096x128xf32> to vector<4096x128xbf16>
    %convert_element_type3A_80 = arith.extf %convert_element_type3A_79 : vector<4096x128xbf16> to vector<4096x128xf32>
    %sub3A_81 = arith.subf %mul3A_78, %convert_element_type3A_80 : vector<4096x128xf32>
    %convert_element_type3A_82 = arith.truncf %sub3A_81 : vector<4096x128xf32> to vector<4096x128xbf16>
    %get3A_83 = arith.constant 0 : index
    %get3A_84 = arith.constant 0 : index
    %get3A_85 = vector.load %arg10[%get3A_83, %get3A_84] : memref<128x128xbf16, #tpu.memory_space<vmem>>, vector<128x128xbf16>
    %dot_general3A_86 = arith.constant dense<0.000000e+00> : vector<4096x128xf32>
    %dot_general3A_87 = tpu.matmul %convert_element_type3A_82, %get3A_85, %dot_general3A_86 {dimension_numbers = #tpu.dot_dimension_numbers<[1], [0], [0], [1], [0, 0, 1, 1], [], []>, transpose_lhs_hint = false} : vector<4096x128xbf16>, vector<128x128xbf16>, vector<4096x128xf32> -> vector<4096x128xf32>
    %get3A_88 = arith.constant 0 : index
    %get3A_89 = arith.constant 0 : index
    %get3A_90 = vector.load %arg11[%get3A_88, %get3A_89] : memref<128x128xbf16, #tpu.memory_space<vmem>>, vector<128x128xbf16>
    %dot_general3A_91 = arith.constant dense<0.000000e+00> : vector<4096x128xf32>
    %dot_general3A_92 = tpu.matmul %convert_element_type3A_79, %get3A_90, %dot_general3A_91 {dimension_numbers = #tpu.dot_dimension_numbers<[1], [0], [0], [1], [0, 0, 1, 1], [], []>, transpose_lhs_hint = false} : vector<4096x128xbf16>, vector<128x128xbf16>, vector<4096x128xf32> -> vector<4096x128xf32>
    %add3A_93 = arith.addf %dot_general3A_87, %dot_general3A_92 : vector<4096x128xf32>
    %get3A_94 = arith.constant 0 : index
    %get3A_95 = arith.constant 0 : index
    %get3A_96 = vector.load %arg10[%get3A_94, %get3A_95] : memref<128x128xbf16, #tpu.memory_space<vmem>>, vector<128x128xbf16>
    %dot_general3A_97 = arith.constant dense<0.000000e+00> : vector<4096x128xf32>
    %dot_general3A_98 = tpu.matmul %convert_element_type3A_79, %get3A_96, %dot_general3A_97 {dimension_numbers = #tpu.dot_dimension_numbers<[1], [0], [0], [1], [0, 0, 1, 1], [], []>, transpose_lhs_hint = false} : vector<4096x128xbf16>, vector<128x128xbf16>, vector<4096x128xf32> -> vector<4096x128xf32>
    %add3A_99 = arith.addf %add3A_93, %dot_general3A_98 : vector<4096x128xf32>
    %get3A_100 = arith.constant 0 : index
    %get3A_101 = arith.constant 0 : index
    %get3A_102 = vector.load %arg12[%get3A_100, %get3A_101] : memref<1x128xf32, #tpu.memory_space<vmem>>, vector<1x128xf32>
    %add3A_103 = vector.broadcast %get3A_102 : vector<1x128xf32> to vector<4096x128xf32>
    %add3A_104 = arith.addf %add3A_99, %add3A_103 : vector<4096x128xf32>
    %mul3A_105 = vector.broadcast %slice3A : vector<4096x1xf32> to vector<4096x128xf32>
    %mul3A_106 = arith.mulf %add3A_104, %mul3A_105 : vector<4096x128xf32>
    %reshape3A = vector.shape_cast %mul3A_106 : vector<4096x128xf32> to vector<256x16x128xf32>
    %reduce_sum3A = arith.constant dense<0.000000e+00> : vector<256x128xf32>
    %reduce_sum3A_107 = vector.multi_reduction <add>, %reshape3A, %reduce_sum3A [1] : vector<256x16x128xf32> to vector<256x128xf32>
    %swap3A = arith.constant 0 : index
    %swap3A_108 = arith.constant 0 : index
    %swap3A_109 = vector.load %arg13[%swap3A, %swap3A_108] : memref<256x128xf32, #tpu.memory_space<vmem>>, vector<256x128xf32>
    tpu.vector_store %arg13[%swap3A, %swap3A_108], %reduce_sum3A_107 {strides = array<i32>} : memref<256x128xf32, #tpu.memory_space<vmem>>, vector<256x128xf32>,
    %reshape3A_110 = vector.shape_cast %slice3A : vector<4096x1xf32> to vector<256x16xf32>
    %reduce_sum3A_111 = arith.constant dense<0.000000e+00> : vector<256xf32>
    %reduce_sum3A_112 = vector.multi_reduction <add>, %reshape3A_110, %reduce_sum3A_111 [1] : vector<256x16xf32> to vector<256xf32>
    %broadcast_in_dim3A = vector.shape_cast %reduce_sum3A_112 : vector<256xf32> to vector<256x1xf32>
    %swap3A_113 = arith.constant 0 : index
    %swap3A_114 = arith.constant 0 : index
    %swap3A_115 = vector.load %arg14[%swap3A_113, %swap3A_114] : memref<256x1xf32, #tpu.memory_space<vmem>>, vector<256x1xf32>
    tpu.vector_store %arg14[%swap3A_113, %swap3A_114], %broadcast_in_dim3A {strides = array<i32>} : memref<256x1xf32, #tpu.memory_space<vmem>>, vector<256x1xf32>,
    return
  }
  func.func @transform_0(%arg0: i32) -> (i32, i32) {
    %c0_i32 = arith.constant 0 : i32
    %c0_i32_0 = arith.constant 0 : i32
    return %arg0, %c0_i32 : i32, i32
  }
  func.func @transform_1(%arg0: i32) -> (i32, i32) {
    %c0_i32 = arith.constant 0 : i32
    %c0_i32_0 = arith.constant 0 : i32
    return %arg0, %c0_i32 : i32, i32
  }
  func.func @transform_2(%arg0: i32) -> (i32, i32) {
    %c0_i32 = arith.constant 0 : i32
    %c0_i32_0 = arith.constant 0 : i32
    %c0_i32_1 = arith.constant 0 : i32
    return %c0_i32, %c0_i32_0 : i32, i32
  }
  func.func @transform_3(%arg0: i32) -> (i32, i32) {
    %c0_i32 = arith.constant 0 : i32
    %c0_i32_0 = arith.constant 0 : i32
    %c0_i32_1 = arith.constant 0 : i32
    return %c0_i32, %c0_i32_0 : i32, i32
  }
  func.func @transform_4(%arg0: i32) -> (i32, i32) {
    %c0_i32 = arith.constant 0 : i32
    %c0_i32_0 = arith.constant 0 : i32
    %c0_i32_1 = arith.constant 0 : i32
    return %c0_i32, %c0_i32_0 : i32, i32
  }
  func.func @transform_5(%arg0: i32) -> (i32, i32) {
    %c0_i32 = arith.constant 0 : i32
    %c0_i32_0 = arith.constant 0 : i32
    %c0_i32_1 = arith.constant 0 : i32
    return %c0_i32, %c0_i32_0 : i32, i32
  }
  func.func @transform_6(%arg0: i32) -> (i32, i32) {
    %c0_i32 = arith.constant 0 : i32
    %c0_i32_0 = arith.constant 0 : i32
    %c0_i32_1 = arith.constant 0 : i32
    return %c0_i32, %c0_i32_0 : i32, i32
  }
  func.func @transform_7(%arg0: i32) -> (i32, i32) {
    %c0_i32 = arith.constant 0 : i32
    %c0_i32_0 = arith.constant 0 : i32
    %c0_i32_1 = arith.constant 0 : i32
    return %c0_i32, %c0_i32_0 : i32, i32
  }
  func.func @transform_8(%arg0: i32) -> (i32, i32) {
    %c0_i32 = arith.constant 0 : i32
    %c0_i32_0 = arith.constant 0 : i32
    %c0_i32_1 = arith.constant 0 : i32
    return %c0_i32, %c0_i32_0 : i32, i32
  }
  func.func @transform_9(%arg0: i32) -> (i32, i32) {
    %c0_i32 = arith.constant 0 : i32
    %c0_i32_0 = arith.constant 0 : i32
    %c0_i32_1 = arith.constant 0 : i32
    return %c0_i32, %c0_i32_0 : i32, i32
  }
  func.func @transform_10(%arg0: i32) -> (i32, i32) {
    %c0_i32 = arith.constant 0 : i32
    %c0_i32_0 = arith.constant 0 : i32
    %c0_i32_1 = arith.constant 0 : i32
    return %c0_i32, %c0_i32_0 : i32, i32
  }
  func.func @transform_11(%arg0: i32) -> (i32, i32) {
    %c0_i32 = arith.constant 0 : i32
    %c0_i32_0 = arith.constant 0 : i32
    %c0_i32_1 = arith.constant 0 : i32
    return %c0_i32, %c0_i32_0 : i32, i32
  }
  func.func @transform_12(%arg0: i32) -> (i32, i32) {
    %c0_i32 = arith.constant 0 : i32
    %c0_i32_0 = arith.constant 0 : i32
    return %arg0, %c0_i32 : i32, i32
  }
  func.func @transform_13(%arg0: i32) -> (i32, i32) {
    %c0_i32 = arith.constant 0 : i32
    %c0_i32_0 = arith.constant 0 : i32
    return %arg0, %c0_i32 : i32, i32
  }
}

</mosaic_0001>

<sc_bundles>
// kernel: kernel.11.cloned.1.call-start
scs
__scs_entry_jumppad:
0x0: {  	(pc) =	sbr.rel $0x88, $3  }
0x1: {  	(tag) =	ssettag $0x0;
	lr =	simm.s32 $0x1  }
0x2: {  	[smem:$0x3F98] =	sst lr;
	_ =	strace $0xD0000000  }
0x3: {  	_ = 	snop  }
0x4: {  	_ = 	snop  }
0x5: {  	_ = 	snop  }
0x6: {  	_ = 	snop  }
0x7: {  	_ = 	snop  }
__scs_overlays_trampoline_lowered:
0x8: {  	[smem:$0x3FA7] =	sst s0  }
0x9: {  	[smem:$0x3FA8] =	sst s1  }
0xa: {  	[smem:$0x3FA9] =	sst s2  }
0xb: {  	[smem:$0x3FAA] =	sst s3  }
0xc: {  	[smem:$0x3FAB] =	sst s4  }
0xd: {  	[smem:$0x3FAC] =	sst s5  }
0xe: {  	[smem:$0x3FAD] =	sst s6  }
0xf: {  	[smem:$0x3FAE] =	sst s7  }
0x10: {  	[smem:$0x3FAF] =	sst s8  }
0x11: {  	[smem:$0x3FB0] =	sst s9;
	s0 =	simm.s32 @!p0 $0x0  }
0x12: {  	s1 =	sld [smem:$0x3F96];
	s0 =	simm.s32 @p0 $0x1  }
0x13: {  	[smem:$0x3FB1] =	sst s0;
	s0 =	simm.s32 @!p1 $0x0  }
0x14: {  	s2 =	sld [smem:$0x3F95];
	s0 =	simm.s32 @p1 $0x1  }
0x15: {  	[smem:$0x3FB2] =	sst s0;
	s0 =	simm.s32 @!p2 $0x0  }
0x16: {  	s3 =	sld [smem:$0x3FDB];
	s0 =	simm.s32 @p2 $0x1  }
0x17: {  	s4 =	simm.s32 $0x1BF5;
	[smem:$0x3FB4] =	sst s0  }
0x18: {  	s0 =	sld [smem:$0x3F97];
	_ =	swait.ge [sflag:s4], $0x0  }
0x19: {  	s7 =	sld [smem:$0x3F98]  }
0x1a: {  	s8 =	sadd.s32 $0xFFFFE003, lr  }
0x1b: {  	s9 =	sadd.s32 $0xFFFFFEF7, lr;
	s5 =	simm.s32 $0xFFFFFFFF;
	p2 =	slt.u32 s8, $0xFFFFF086  }
0x1c: {  	p1 =	slt.u32 s9, $0xF7A;
	s5 =	simm.s32 @!p2 $0x0  }
0x1d: {  	s5 =	simm.s32 @p1 $0x1;
	p0 =	seq.s32 s7, s2  }
0x1e: {  	s7 =	smul.u32 @!p0 $0xF7A, s2;
	p2 =	seq.s32 @!p0 s5, $0x0  }
0x1f: {  	s9 =	smul.u32 $0xF7A, s1;
	s8 =	simm.s32 @!p0 $0x1BF5;
	p2 =	por !p2, p0  }
0x20: {  	[sflag:s8] =	ssyncset.s32 @!p0 $0xFFFFF086;
	s6 =	sadd.s32 @!p0 s3, s7;
	s7 =	simm.s32 @!p0 $0x108  }
0x21: {  	s3 =	sadd.s32 s3, s9;
	s6 =	sadd.s32 @!p0 $0x88, s6;
	s7 =	simm.s32 @p2 $0x1082  }
0x22: {  	[simem:s7], [sflag:s8] =	dma.local @!p0 [hbm:s6], $0xF7A  }
0x23: {  	s9 =	sor.u32 $0xD0000000, s2;
	s6 =	simm.s32 $0x108;
	_ =	swait.ge @!p0 [sflag:s8], $0x0  }
0x24: {  	s3 =	sadd.s32 $0x88, s3;
	s6 =	simm.s32 @!p1 $0x1082;
	[sflag:s4] =	ssyncset.s32 $0xFFFFF086  }
0x25: {  	[simem:s6], [sflag:s4] =	dma.local [hbm:s3], $0xF7A  }
0x26: {  	[smem:$0x3F98] =	sst s1;
	(tag) =	ssettag s2;
	_ =	strace s9  }
0x27: {  	s1 =	sld [smem:$0x3FA8]  }
0x28: {  	s2 =	sld [smem:$0x3FA9]  }
0x29: {  	s4 =	sld [smem:$0x3FAB]  }
0x2a: {  	p0 =	seq.s32 s5, $0x0;
	s5 =	sld [smem:$0x3FAC]  }
0x2b: {  	s6 =	sld [smem:$0x3FAD]  }
0x2c: {  	s7 =	sld [smem:$0x3FAE]  }
0x2d: {  	s3 =	simm.s32 $0x108;
	s8 =	sld [smem:$0x3FAF]  }
0x2e: {  	s3 =	simm.s32 @!p0 $0x1082;
	s9 =	sld [smem:$0x3FB0]  }
0x2f: {  	lr =	sadd.s32 s0, s3;
	s0 =	sld [smem:$0x3FA7]  }
0x30: {  	s3 =	sld [smem:$0x3FAA]  }
0x31: {  	[smem:$0x3FB3] =	sst s10  }
0x32: {  	s10 =	sld [smem:$0x3FB1];
	_ =	sdelay $0x3  }
0x33: {  	p0 =	seq.s32 s10, $0x1;
	s10 =	sld [smem:$0x3FB3];
	_ =	sdelay $0x3  }
0x34: {  	[smem:$0x3FB3] =	sst s10  }
0x35: {  	s10 =	sld [smem:$0x3FB2];
	_ =	sdelay $0x3  }
0x36: {  	p1 =	seq.s32 s10, $0x1;
	s10 =	sld [smem:$0x3FB3];
	_ =	sdelay $0x3  }
0x37: {  	[smem:$0x3FB3] =	sst s10  }
0x38: {  	s10 =	sld [smem:$0x3FB4]  }
0x39: {  	_ = 	snop;
	(pc) =	sbr.ind lr, $3  }
0x3a: {  	_ = 	snop  }
0x3b: {  	_ = 	snop  }
0x3c: {  	p2 =	seq.s32 s10, $0x1;
	s10 =	sld [smem:$0x3FB3]  }
0x3d: {  	_ =	shalt  }
0x3e: {  	_ =	shalt  }
0x3f: {  	_ =	shalt  }
0x40: {  	_ =	shalt  }
0x41: {  	_ =	shalt  }
0x42: {  	_ =	shalt  }
0x43: {  	_ =	shalt  }
0x44: {  	_ =	shalt  }
0x45: {  	_ =	shalt  }
0x46: {  	_ =	shalt  }
0x47: {  	_ =	shalt  }
0x48: {  	_ =	shalt  }
0x49: {  	_ =	shalt  }
0x4a: {  	_ =	shalt  }
0x4b: {  	_ =	shalt  }
0x4c: {  	_ =	shalt  }
0x4d: {  	_ =	shalt  }
0x4e: {  	_ =	shalt  }
0x4f: {  	_ =	shalt  }
0x50: {  	_ =	shalt  }
0x51: {  	_ =	shalt  }
0x52: {  	_ =	shalt  }
0x53: {  	_ =	shalt  }
0x54: {  	_ =	shalt  }
0x55: {  	_ =	shalt  }
0x56: {  	_ =	shalt  }
0x57: {  	_ =	shalt  }
0x58: {  	_ =	shalt  }
0x59: {  	_ =	shalt  }
0x5a: {  	_ =	shalt  }
0x5b: {  	_ =	shalt  }
0x5c: {  	_ =	shalt  }
0x5d: {  	_ =	shalt  }
0x5e: {  	_ =	shalt  }
0x5f: {  	_ =	shalt  }
0x60: {  	_ =	shalt  }
0x61: {  	_ =	shalt  }
0x62: {  	_ =	shalt  }
0x63: {  	_ =	shalt  }
0x64: {  	_ =	shalt  }
0x65: {  	_ =	shalt  }
0x66: {  	_ =	shalt  }
0x67: {  	_ =	shalt  }
0x68: {  	_ =	shalt  }
0x69: {  	_ =	shalt  }
0x6a: {  	_ =	shalt  }
0x6b: {  	_ =	shalt  }
0x6c: {  	_ =	shalt  }
0x6d: {  	_ =	shalt  }
0x6e: {  	_ =	shalt  }
0x6f: {  	_ =	shalt  }
0x70: {  	_ =	shalt  }
0x71: {  	_ =	shalt  }
0x72: {  	_ =	shalt  }
0x73: {  	_ =	shalt  }
0x74: {  	_ =	shalt  }
0x75: {  	_ =	shalt  }
0x76: {  	_ =	shalt  }
0x77: {  	_ =	shalt  }
0x78: {  	_ =	shalt  }
0x79: {  	_ =	shalt  }
0x7a: {  	_ =	shalt  }
0x7b: {  	_ =	shalt  }
0x7c: {  	_ =	shalt  }
0x7d: {  	_ =	shalt  }
0x7e: {  	_ =	shalt  }
0x7f: {  	_ =	shalt  }
0x80: {  	_ =	shalt  }
0x81: {  	_ =	shalt  }
0x82: {  	_ =	shalt  }
0x83: {  	_ =	shalt  }
0x84: {  	_ =	shalt  }
0x85: {  	_ =	shalt  }
0x86: {  	_ =	shalt  }
0x87: {  	_ =	shalt  }
.Lfunc_end0:
.L_simem_size_0:
called_computation.1_lowered:
.L_overlay_start_0:
0x88: {  	s2 =	sld [smem:$0x3FD9]  }
0x89: {  	s3 =	sld [smem:$0x3FFE];
	_ =	sdelay $0x1  }
0x8a: {  	s1 =	srdreg.scid  }
0x8b: {  	s0 =	sand.u32 $0x1, s1  }
0x8c: {  	s17 =	sshll.u32 s0, $0xA;
	s2 =	sadd.s32 s3, s2  }
0x8d: {  	s2 =	sadd.s32 s2, s17  }
0x8e: {  	[smem:$0x3FBF] =	sst s2  }
0x8f: {  	_ = 	snop  }
0x90: {  	s18 =	sld [smem:$0x3FD0];
	(tm) =	ssettm $0x1  }
0x91: {  	s19 =	sld [smem:$0x3FFB];
	_ =	sdelay $0x3  }
0x92: {  	_ =	strace s19  }
0x93: {  	s2 =	sld [smem:$0x3FFC];
	_ =	sdelay $0x3  }
0x94: {  	_ =	strace s2  }
0x95: {  	s2 =	sld [smem:$0x3FFD];
	_ =	sdelay $0x3  }
0x96: {  	_ =	strace s2  }
0x97: {  	_ =	strace $0x8FFFFFFF  }
0x98: {  	s20 =	sld [smem:$0x3FDB];
	_ =	sdelay $0x1  }
0x99: {  	s4 =	simm.s32 $_scs_section_size  }
0x9a: {  	s5 =	simm.s32 $_size__tile_overlayer_lowered;
	s6 =	simm.s32 $_tile_overlayer_lowered  }
0x9b: {  	s7 =	simm.s32 $0x1BFF;
	s21 =	sshll.u32 s6, $0x1;
	s4 =	sadd.s32 s4, s20  }
0x9c: {  	s22 =	simm.s32 $0x0;
	s5 =	sshll.u32 s5, $0x1;
	s6 =	sadd.s32 s21, s4  }
0x9d: {  	[timem:s22], [sflag:s7] =	dma.local [hbm:s6], s5  }
0x9e: {  	_ =	swait.ge [sflag:s7], s5  }
0x9f: {  	s5 =	ssub.s32 $0x0, s5;
	[sflag:s7] =	ssyncset.done $0x0  }
0xa0: {  	[sflag:s7] =	ssyncadd.s32 s5;
	_ =	sdelay $0x1  }
0xa1: {  	s23 =	simm.s32 $0x1B8B  }
0xa2: {  	_ =	swait.ge [sflag:s23], $0x1  }
0xa3: {  	[sflag:s23] =	ssyncset.done $0x0  }
0xa4: {  	[sflag:s23] =	ssyncadd.s32 $0xFFFFFFFF  }
0xa5: {  	s5 =	sld [smem:$0x0]  }
0xa6: {  	s6 =	sand.u32 $0xFFFFFFFE, s1  }
0xa7: {  	p0 =	sne.s32 s1, s6  }
0xa8: {  	s6 =	sshll.u32 @p0 s6, $0xE  }
0xa9: {  	s6 =	sadd.s32 @p0 $0x11B8D, s6;
	s7 =	sshll.u32 @p0 s5, $0x11  }
0xaa: {  	s6 =	sor.u32 @p0 s7, s6  }
0xab: {  	[sflag:s6] =	ssyncadd.remote.s32 @p0 $0x1;
	_ =	sdelay $0x1  }
0xac: {  	s6 =	simm.s32 @p0 $0x1B8D  }
0xad: {  	_ =	swait.eq @p0 [sflag:s6], $0x1  }
0xae: {  	[sflag:s6] =	ssyncadd.s32 @p0 $0xFFFFFFFF  }
0xaf: {  	s7 =	sshll.u32 @!p0 s1, $0xE  }
0xb0: {  	s7 =	sor.u32 @!p0 $0x4000, s7;
	s6 =	simm.s32 @!p0 $0x1B8D  }
0xb1: {  	s5 =	sshll.u32 @!p0 s5, $0x11;
	s7 =	sadd.s32 @!p0 $0x11B8D, s7;
	_ =	swait.eq @!p0 [sflag:s6], $0x1  }
0xb2: {  	s5 =	sor.u32 @!p0 s5, s7;
	[sflag:s6] =	ssyncadd.s32 @!p0 $0xFFFFFFFF  }
0xb3: {  	s25 =	simm.s32 $0x1B8E;
	s24 =	sld [smem:$0x3FFE];
	[sflag:s5] =	ssyncadd.remote.s32 @!p0 $0x1  }
0xb4: {  	s26 =	simm.s32 $execute0_lowered;
	[smem:$0x3FD2] =	sst s25  }
0xb5: {  	s6 =	sshll.u32 s26, $0x1;
	_ =	strace $0x80000050;
	[dreg:$0x1] =	wrdreg $0xFFFFFFFF  }
0xb6: {  	s28 =	simm.s32 $_size_execute0_lowered;
	s4 =	sadd.s32 s4, s6;
	[dreg:$0x0] =	wrdreg $0x0  }
0xb7: {  	s6 =	sshll.u32 s28, $0x1;
	[dreg:$0x2] =	wrdreg s4  }
0xb8: {  	[dreg:$0x3] =	wrdreg s6  }
0xb9: {  	[dreg:$0x4] =	wrdreg $0xC0  }
0xba: {  	_ =	task [dreg:s22], $0x5FFFF  }
0xbb: {  	[dreg:$0x1] =	wrdreg $0xFFFFFFFF  }
0xbc: {  	[dreg:$0x0] =	wrdreg $0x60  }
0xbd: {  	[dreg:$0x2] =	wrdreg s18  }
0xbe: {  	[dreg:$0x3] =	wrdreg s24  }
0xbf: {  	[dreg:$0x4] =	wrdreg $0xA  }
0xc0: {  	_ =	task.clear_ibuf [dreg:s22], $0x5FFFF;
	_ =	strace $0x90000050  }
0xc1: {  	s29 =	simm.s32 $0xA;
	_ =	strace $0x80000059  }
0xc2: {  	_ =	swait.ge [sflag:s29], $0x1  }
0xc3: {  	[sflag:s29] =	ssyncadd.s32 $0xFFFFFFFF  }
0xc4: {  	_ =	strace $0x90000059  }
0xc5: {  	_ =	sfence  }
0xc6: {  	s30 =	sld [smem:$0x0];
	_ =	sdelay $0x2  }
0xc7: {  	s31 =	sshll.u32 s1, $0xD;
	s1 =	sshrl.u32 s1, $0x2  }
0xc8: {  	s4 =	sand.u32 $0x4000, s31;
	s1 =	sadd.s32 s1, s30  }
0xc9: {  	s0 =	sor.u32 s4, s0;
	s1 =	sshll.u32 s1, $0x11  }
0xca: {  	s0 =	sor.u32 s1, s0  }
0xcb: {  	s0 =	sadd.s32 $0x8F2B, s0  }
0xcc: {  	[sflag:s0] =	ssyncadd.remote.s32 $0x1  }
0xcd: {  	_ =	sfence.sel $0xFFFF  }
0xce: {  	[dreg:$0x0] =	wrdreg $0xFFFFFFFF;
	(pc) =	sbr.abs _section_cstart, $3  }
0xcf: {  	[dreg:$0x1] =	wrdreg $0xFFFFFFFF  }
0xd0: {  	_ =	task.clear_ibuf [dreg:s22], $0x2FFFF;
	_ =	strace $0x9FFFFFFF  }
0xd1: {  	(tm) =	ssettm $0x7FFFFFFF  }
tec
execute0_lowered:
.L_overlay_start_1:
0x0: {  	(tag) =	ssettag $0x1  }
0x1: {  	s0 =	rddreg [dreg:$0x0]  }
0x2: {  	s4 =	rddreg [dreg:$0x1]  }
0x3: {  	s1 =	simm.s32 $0x0;
	[dreg:$0x3] =	wrdreg s0  }
0x4: {  	s2 =	srdreg.scid;
	s8 =	simm.s32 $0x80;
	s0 =	rddreg [dreg:$0x2]  }
0x5: {  	s9 =	simm.s32 $0x4;
	s10 =	simm.s32 $0x0;
	[smem:$0x7FF] =	sst s1  }
0x6: {  	s3 =	sadd.s32 $0xC400, s4;
	s5 =	sand.u32 $0x1, s2;
	s4 =	sadd.s32 $0x210400, s4  }
0x7: {  	s2 =	stileid.u32;
	_ =	strace $0x80000051;
	[dreg:$0x5] =	wrdreg s4  }
0x8: {  	s6 =	ssub.s32 $0x2, s5;
	s5 =	sshll.u32 s5, $0x4;
	[dreg:$0x4] =	wrdreg s8  }
0x9: {  	s8 =	simm.s32 $0x5;
	s7 =	sshrl.u32 s6, $0x1;
	s5 =	sor.u32 s2, s5  }
0xa: {  	s6 =	ssub.s32 s6, s7;
	s31 =	sshll.u32 s5, $0x9;
	s4 =	sshll.u32 s5, $0x5  }
0xb: {  	s7 =	simm.s32 $0x1;
	s5 =	sadd.s32 s3, s31;
	s6 =	smax.u32 s6, $0x1  }
.LBB2_1:
0xc: {  	_ =	strace $0x80000052;
	s11 =	simm.s32 $0x1;
	p0 =	por $0x0, $0x0  }
0xd: {  	[tilespmem:s1], [sflag:$0x1] =	stream.linear.gather [hbm4b:s5+s1], $0x80, $0x200038;
	[tilespmem:$0x8100] =	vst v63  }
0xe: {  	s11 =	simm.s32 @p0 $0x0  }
0xf: {  	p4 =	por $0x1, $0x1;
	s20 =	sand.u32 $0x1, s1;
	p1 =	sne.s32 s11, $0x0  }
0x10: {  	p2 =	por $0x1, $0x1;
	s18 =	simm.s32 $0x1E;
	p0 =	por !p4, !p1  }
0x11: {  	s16 =	simm.s32 $0x0;
	p5 =	por $0x0, $0x0;
	p0 =	por !p0, !p0  }
0x12: {  	s23 =	sadd.s32 $0x0, s4;
	s30 =	sadd.s32 $0x1, s20;
	s12 =	sadd.s32 @p0 s4, s11  }
0x13: {  	_ =	strace $0x90000052;
	s13 =	sand.u32 @p0 $0x1, s7;
	s12 =	sshll.u32 @p0 s12, $0x4  }
0x14: {  	_ =	strace @p0 $0x80000053;
	s15 =	simm.s32 @p0 $0x0;
	s12 =	sand.u32 @p0 $0x1FFFFFF0, s12  }
0x15: {  	s14 =	sshll.u32 @p0 s13, $0x7;
	s13 =	sadd.s32 @p0 $0x1, s13;
	s12 =	sadd.s32 @p0 s3, s12  }
0x16: {  	[tilespmem:s14], [sflag:s13] =	stream.linear.gather @p0 [hbm4b:s12+s15], $0x80, $0x200038;
	[tilespmem:$0x8100] =	vst v63  }
0x17: {  	p3 =	por p2, p2;
	s21 =	sshll.u32 s20, $0xE;
	_ =	strace @p0 $0x90000053  }
0x18: {  	s16 =	sand.u32 $0x80, s16;
	p2 =	por p5, p5;
	_ =	strace $0x80000054  }
0x19: {  	s17 =	sadd.s32 $0x1, s11;
	s22 =	sor.u32 $0x100, s21;
	_ =	swait.ge [sflag:s30], $0x80  }
0x1a: {  	s21 =	simm.s32 $0x1;
	p6 =	por p1, p1;
	[sflag:s30] =	ssyncset.done $0x0  }
0x1b: {  	p1 =	por p3, p3;
	p4 =	por $0x1, $0x1;
	[sflag:s30] =	ssyncadd.s32 $0xFFFFFF80  }
0x1c: {  	s12 =	simm.s32 $0x1F;
	s15 =	sand.u32 @!p3 $0x1, s1;
	_ =	strace $0x90000054  }
0x1d: {  	s13 =	simm.s32 $0x1;
	p3 =	seq.s32 s17, $0x20;
	_ =	strace $0x80000055  }
0x1e: {  	s13 =	simm.s32 @!p0 $0x0;
	s17 =	simm.s32 @p3 $0x0;
	s19 =	rddreg [dreg:$0x4]  }
0x1f: {  	p0 =	por $0x0, $0x0;
	s14 =	sadd.s32 $0x1, s13;
	s31 =	rddreg [dreg:$0x3]  }
0x20: {  	[tilespmem:s22], [sflag:$0x5] =	stream.indirect.gather [hbm4b:s31+s19], $0x80, s16, s19, $0x2000b8;
	[tilespmem:$0x8100] =	vst v63  }
0x21: {  	p3 =	sne.s32 s11, s17;
	s21 =	simm.s32 @!p0 $0x0;
	_ =	swait.ge [sflag:s8], $0x4000  }
0x22: {  	p5 =	por !p4, !p3;
	p4 =	por $0x0, $0x0;
	[sflag:s8] =	ssyncset.done $0x0  }
0x23: {  	s13 =	simm.s32 $0x0;
	p6 =	por p4, p6;
	[sflag:s8] =	ssyncadd.s32 $0xFFFFC000  }
0x24: {  	s16 =	simm.s32 $0x0;
	s19 =	simm.s32 $0x0;
	_ =	strace $0x90000055  }
.LBB2_2:
0x25: {  	_ =	strace @p6 $0x80000056;
	s13 =	sadd.s32 s21, s13;
	s21 =	smov.u32 s12  }
0x26: {  	s12 =	smov.u32 s18;
	s18 =	sadd.s32 $0xFFFFFFFF, s18;
	p0 =	por p3, p3  }
0x27: {  	s28 =	sshll.u32 @p6 s23, $0xB;
	s20 =	sadd.s32 @p6 $0x3, s20;
	s24 =	simm.s32 @!p0 $0x0  }
0x28: {  	s25 =	rddreg [dreg:$0x5];
	s28 =	sand.u32 @p6 $0x1FFFF800, s28;
	s24 =	simm.s32 @p0 $0x1  }
0x29: {  	s25 =	sadd.s32 @p6 s25, s28;
	s28 =	simm.s32 @p6 $0x0;
	p0 =	sne.s32 s18, $0x0  }
0x2a: {  	[hbm4b:s25+s28] =	stream.linear.scatter @p6 [tilespmem:s22], [sflag:s20], $0x4000, $0x200038;
	[tilespmem:$0x8100] =	vst v63  }
0x2b: {  	s20 =	sadd.s32 @!p1 $0x3, s15;
	s15 =	simm.s32 @!p0 $0x0  }
0x2c: {  	s26 =	simm.s32 $0x1;
	[smem:$0x7FC] =	sst s24;
	s15 =	simm.s32 @p0 $0x1  }
0x2d: {  	s26 =	simm.s32 @!p6 $0x0;
	_ =	strace @p6 $0x90000056;
	[smem:$0x7FD] =	sst s15  }
0x2e: {  	p5 =	por !p5, !p5;
	s19 =	sadd.s32 s26, s19;
	_ =	strace @!p1 $0x80000057  }
0x2f: {  	s24 =	sand.u32 @!p2 $0x1, s13;
	s22 =	sand.u32 @p5 $0x1, s14;
	_ =	swait.ge @!p1 [sflag:s20], $0x4000  }
0x30: {  	s15 =	smov.u32 s24;
	s24 =	sadd.s32 @p5 s4, s17;
	[sflag:s20] =	ssyncset.done @!p1 $0x0  }
0x31: {  	s25 =	sshll.u32 @p5 s22, $0x7;
	s24 =	sshll.u32 @p5 s24, $0x4;
	[sflag:s20] =	ssyncadd.s32 @!p1 $0xFFFFC000  }
0x32: {  	s20 =	sadd.s32 @p5 $0x1, s22;
	s22 =	sand.u32 @p5 $0x1FFFFFF0, s24;
	_ =	strace @!p1 $0x90000057  }
0x33: {  	s24 =	simm.s32 @p5 $0x0;
	s22 =	sadd.s32 @p5 s3, s22;
	_ =	strace @p5 $0x80000053  }
0x34: {  	[tilespmem:s25], [sflag:s20] =	stream.linear.gather @p5 [hbm4b:s22+s24], $0x80, $0x200038;
	[tilespmem:$0x8100] =	vst v63  }
0x35: {  	s16 =	sadd.s32 s26, s16;
	s26 =	sand.u32 $0x1, s19;
	_ =	strace @p5 $0x90000053  }
0x36: {  	s24 =	sadd.s32 $0x1, s26;
	_ =	strace $0x80000054  }
0x37: {  	_ =	swait.ge [sflag:s24], $0x80  }
0x38: {  	[sflag:s24] =	ssyncset.done $0x0  }
0x39: {  	s20 =	simm.s32 $0x1;
	[sflag:s24] =	ssyncadd.s32 $0xFFFFFF80  }
0x3a: {  	s20 =	simm.s32 @!p5 $0x0;
	_ =	strace $0x90000054  }
0x3b: {  	s14 =	sadd.s32 s20, s14;
	s20 =	sand.u32 $0x1, s16;
	_ =	strace $0x80000055  }
0x3c: {  	s29 =	sshll.u32 s19, $0x7;
	s25 =	sshll.u32 s20, $0xE;
	s26 =	rddreg [dreg:$0x4]  }
0x3d: {  	s29 =	sand.u32 $0x80, s29;
	s22 =	sor.u32 $0x100, s25;
	s30 =	rddreg [dreg:$0x3]  }
0x3e: {  	[tilespmem:s22], [sflag:$0x5] =	stream.indirect.gather [hbm4b:s30+s26], $0x80, s29, s26, $0x2000b8;
	[tilespmem:$0x8100] =	vst v63  }
0x3f: {  	_ =	swait.ge [sflag:s8], $0x4000  }
0x40: {  	s31 =	sadd.s32 $0x1, s17;
	[sflag:s8] =	ssyncset.done $0x0  }
0x41: {  	s23 =	sadd.s32 s4, s11;
	s11 =	smov.u32 s17;
	[sflag:s8] =	ssyncadd.s32 $0xFFFFC000  }
0x42: {  	p3 =	seq.s32 s31, $0x20;
	s17 =	smov.u32 s31;
	_ =	strace $0x90000055  }
0x43: {  	s17 =	simm.s32 @p3 $0x0;
	s31 =	sld [smem:$0x7FD]  }
0x44: {  	p6 =	sne.s32 s12, $0x1;
	p0 =	sne.s32 s21, $0x20;
	p3 =	sne.s32 s11, s17  }
0x45: {  	p5 =	por !p6, !p3;
	p6 =	seq.s32 s21, $0x1;
	s21 =	simm.s32 $0x1  }
0x46: {  	s21 =	simm.s32 @!p0 $0x0;
	p0 =	seq.s32 s31, $0x1  }
.Ltmp0:
0x47: {  	s30 =	sld [smem:$0x7FC];
	(pc) =	sbr.rel @p0 .LBB2_2-.Ltmp0, $4  }
0x48: {  	_ = 	snop  }
0x49: {  	p4 =	seq.s32 s12, $0x20  }
0x4a: {  	p1 =	por p2, p2;
	p2 =	por p4, p4;
	p4 =	seq.s32 s30, $0x1  }
0x4b: {  	p6 =	por p6, p4  }
0x4c: {  	_ =	strace @p6 $0x80000056;
	s23 =	sshll.u32 @p6 s23, $0xB  }
0x4d: {  	s18 =	rddreg [dreg:$0x5];
	s23 =	sand.u32 @p6 $0x1FFFF800, s23  }
0x4e: {  	s20 =	sadd.s32 @p6 $0x3, s20;
	s18 =	sadd.s32 @p6 s18, s23;
	s23 =	simm.s32 @p6 $0x0  }
0x4f: {  	[hbm4b:s18+s23] =	stream.linear.scatter @p6 [tilespmem:s22], [sflag:s20], $0x4000, $0x200038;
	[tilespmem:$0x8100] =	vst v63  }
0x50: {  	p0 =	por !p5, !p5;
	_ =	strace @p6 $0x90000056  }
0x51: {  	s15 =	sadd.s32 @!p1 $0x3, s15;
	s17 =	sadd.s32 @p0 s4, s17;
	_ =	strace @!p1 $0x80000057  }
0x52: {  	s14 =	sand.u32 @p0 $0x1, s14;
	s17 =	sshll.u32 @p0 s17, $0x4;
	_ =	swait.ge @!p1 [sflag:s15], $0x4000  }
0x53: {  	s18 =	simm.s32 $0x1;
	s20 =	sshll.u32 @p0 s14, $0x7;
	[sflag:s15] =	ssyncset.done @!p1 $0x0  }
0x54: {  	s14 =	sadd.s32 @p0 $0x1, s14;
	s18 =	simm.s32 @!p6 $0x0;
	[sflag:s15] =	ssyncadd.s32 @!p1 $0xFFFFC000  }
0x55: {  	s19 =	sadd.s32 s18, s19;
	s15 =	sand.u32 @p0 $0x1FFFFFF0, s17;
	_ =	strace @!p1 $0x90000057  }
0x56: {  	s17 =	simm.s32 @p0 $0x0;
	s15 =	sadd.s32 @p0 s3, s15;
	_ =	strace @p0 $0x80000053  }
0x57: {  	[tilespmem:s20], [sflag:s14] =	stream.linear.gather @p0 [hbm4b:s15+s17], $0x80, $0x200038;
	[tilespmem:$0x8100] =	vst v63  }
0x58: {  	s25 =	sand.u32 $0x1, s19;
	_ =	strace @p0 $0x90000053  }
0x59: {  	s14 =	sadd.s32 $0x1, s25;
	_ =	strace $0x80000054  }
0x5a: {  	_ =	swait.ge [sflag:s14], $0x80  }
0x5b: {  	[sflag:s14] =	ssyncset.done $0x0  }
0x5c: {  	[sflag:s14] =	ssyncadd.s32 $0xFFFFFF80  }
0x5d: {  	s26 =	sadd.s32 s18, s16;
	_ =	strace $0x90000054  }
0x5e: {  	s14 =	sand.u32 $0x1, s26;
	_ =	strace $0x80000055  }
0x5f: {  	s30 =	sshll.u32 s19, $0x7;
	s31 =	sshll.u32 s14, $0xE;
	s28 =	rddreg [dreg:$0x4]  }
0x60: {  	s17 =	sand.u32 $0x80, s30;
	s18 =	sor.u32 $0x100, s31;
	s29 =	rddreg [dreg:$0x3]  }
0x61: {  	[tilespmem:s18], [sflag:$0x5] =	stream.indirect.gather [hbm4b:s29+s28], $0x80, s17, s28, $0x2000b8;
	[tilespmem:$0x8100] =	vst v63  }
0x62: {  	_ =	swait.ge [sflag:s8], $0x4000  }
0x63: {  	[sflag:s8] =	ssyncset.done $0x0  }
0x64: {  	p5 =	por p3, p3;
	p6 =	seq.s32 s12, $0x1;
	[sflag:s8] =	ssyncadd.s32 $0xFFFFC000  }
0x65: {  	s11 =	sadd.s32 s4, s11;
	p0 =	por p6, p5;
	_ =	strace $0x90000055  }
0x66: {  	s11 =	sshll.u32 @p0 s11, $0xB;
	_ =	strace @p0 $0x80000056  }
0x67: {  	s13 =	sadd.s32 s21, s13;
	s11 =	sand.u32 @p0 $0x1FFFF800, s11;
	s12 =	rddreg [dreg:$0x5]  }
0x68: {  	s14 =	sadd.s32 @p0 $0x3, s14;
	s11 =	sadd.s32 @p0 s12, s11;
	s12 =	simm.s32 @p0 $0x0  }
0x69: {  	[hbm4b:s11+s12] =	stream.linear.scatter @p0 [tilespmem:s18], [sflag:s14], $0x4000, $0x200038;
	[tilespmem:$0x8100] =	vst v63  }
0x6a: {  	p1 =	por p2, p2;
	s11 =	sand.u32 @!p2 $0x1, s13;
	_ =	strace @p0 $0x90000056  }
0x6b: {  	s11 =	sadd.s32 @!p1 $0x3, s11;
	_ =	strace @!p1 $0x80000057  }
0x6c: {  	_ =	swait.ge @!p1 [sflag:s11], $0x4000  }
0x6d: {  	[sflag:s11] =	ssyncset.done @!p1 $0x0  }
0x6e: {  	s10 =	sadd.s32 $0x1, s10;
	[sflag:s11] =	ssyncadd.s32 @!p1 $0xFFFFC000  }
0x6f: {  	p0 =	sne.s32 s10, s6;
	_ =	strace @!p1 $0x90000057  }
.Ltmp1:
0x70: {  	_ =	strace $0x80000058;
	(pc) =	sbr.rel @p0 .LBB2_1-.Ltmp1, $4  }
0x71: {  	_ =	swait.ge [sflag:s9], $0x4000  }
0x72: {  	[sflag:s9] =	ssyncset.done $0x0  }
0x73: {  	[sflag:s9] =	ssyncadd.s32 $0xFFFFC000  }
0x74: {  	_ =	strace $0x90000058  }
0x75: {  	_ =	sfence.sel $0x180000  }
0x76: {  	[bflag:$0x0] =	sbarrier.arrive $0xFFFF  }
0x77: {  	p0 =	sne.s32 s2, $0x0;
	_ =	strace $0x90000051  }
0x78: {  	s0 =	sadd.s32 @!p0 $0x100000, s0;
	[bflag:$0x2] =	sbarrier.arrive $0xFFFF  }
0x79: {  	[sflag:s0] =	ssyncadd.tile.s32 @!p0 $0x1;
	_ =	shalt  }
.Lfunc_end2:
_tile_overlayer_lowered:
.L_overlay_start_2:
0x7a: {  	(tag) =	ssettag $0x2  }
0x7b: {  	s0 =	rddreg [dreg:$0x0];
	s2 =	stileid.u32  }
0x7c: {  	s1 =	rddreg [dreg:$0x1];
	p0 =	sne.s32 s2, $0x0  }
0x7d: {  	s3 =	rddreg [dreg:$0x2];
	[bflag:$0x3] =	sbarrier.arrive $0xFFFF;
	s2 =	simm.s32 @!p0 $0x1C01  }
0x7e: {  	[timem:s3], [sflag:s2] =	dma.local @!p0 [hbm:s0], s1  }
0x7f: {  	s0 =	simm.s32 @!p0 $0x1  }
0x80: {  	_ =	swait.ge @!p0 [sflag:s0], s1  }
0x81: {  	s1 =	ssub.s32 @!p0 $0x0, s1;
	[sflag:s0] =	ssyncset.done @!p0 $0x0  }
0x82: {  	[sflag:s0] =	ssyncadd.s32 @!p0 s1  }
0x83: {  	[bflag:$0x3] =	sbarrier.arrive $0xFFFF  }
0x84: {  	_ =	shalt  }

// kernel: kernel.8.cloned.1.call-start
scs
__scs_entry_jumppad:
0x0: {  	(pc) =	sbr.rel $0x88, $3  }
0x1: {  	(tag) =	ssettag $0x0;
	lr =	simm.s32 $0x1  }
0x2: {  	[smem:$0x3F98] =	sst lr;
	_ =	strace $0xD0000000  }
0x3: {  	_ = 	snop  }
0x4: {  	_ = 	snop  }
0x5: {  	_ = 	snop  }
0x6: {  	_ = 	snop  }
0x7: {  	_ = 	snop  }
__scs_overlays_trampoline_lowered:
0x8: {  	[smem:$0x3FA7] =	sst s0  }
0x9: {  	[smem:$0x3FA8] =	sst s1  }
0xa: {  	[smem:$0x3FA9] =	sst s2  }
0xb: {  	[smem:$0x3FAA] =	sst s3  }
0xc: {  	[smem:$0x3FAB] =	sst s4  }
0xd: {  	[smem:$0x3FAC] =	sst s5  }
0xe: {  	[smem:$0x3FAD] =	sst s6  }
0xf: {  	[smem:$0x3FAE] =	sst s7  }
0x10: {  	[smem:$0x3FAF] =	sst s8  }
0x11: {  	[smem:$0x3FB0] =	sst s9;
	s0 =	simm.s32 @!p0 $0x0  }
0x12: {  	s1 =	sld [smem:$0x3F96];
	s0 =	simm.s32 @p0 $0x1  }
0x13: {  	[smem:$0x3FB1] =	sst s0;
	s0 =	simm.s32 @!p1 $0x0  }
0x14: {  	s2 =	sld [smem:$0x3F95];
	s0 =	simm.s32 @p1 $0x1  }
0x15: {  	[smem:$0x3FB2] =	sst s0;
	s0 =	simm.s32 @!p2 $0x0  }
0x16: {  	s3 =	sld [smem:$0x3FDB];
	s0 =	simm.s32 @p2 $0x1  }
0x17: {  	s4 =	simm.s32 $0x1BF5;
	[smem:$0x3FB4] =	sst s0  }
0x18: {  	s0 =	sld [smem:$0x3F97];
	_ =	swait.ge [sflag:s4], $0x0  }
0x19: {  	s7 =	sld [smem:$0x3F98]  }
0x1a: {  	s8 =	sadd.s32 $0xFFFFE003, lr  }
0x1b: {  	s9 =	sadd.s32 $0xFFFFFEF7, lr;
	s5 =	simm.s32 $0xFFFFFFFF;
	p2 =	slt.u32 s8, $0xFFFFF086  }
0x1c: {  	p1 =	slt.u32 s9, $0xF7A;
	s5 =	simm.s32 @!p2 $0x0  }
0x1d: {  	s5 =	simm.s32 @p1 $0x1;
	p0 =	seq.s32 s7, s2  }
0x1e: {  	s7 =	smul.u32 @!p0 $0xF7A, s2;
	p2 =	seq.s32 @!p0 s5, $0x0  }
0x1f: {  	s9 =	smul.u32 $0xF7A, s1;
	s8 =	simm.s32 @!p0 $0x1BF5;
	p2 =	por !p2, p0  }
0x20: {  	[sflag:s8] =	ssyncset.s32 @!p0 $0xFFFFF086;
	s6 =	sadd.s32 @!p0 s3, s7;
	s7 =	simm.s32 @!p0 $0x108  }
0x21: {  	s3 =	sadd.s32 s3, s9;
	s6 =	sadd.s32 @!p0 $0x88, s6;
	s7 =	simm.s32 @p2 $0x1082  }
0x22: {  	[simem:s7], [sflag:s8] =	dma.local @!p0 [hbm:s6], $0xF7A  }
0x23: {  	s9 =	sor.u32 $0xD0000000, s2;
	s6 =	simm.s32 $0x108;
	_ =	swait.ge @!p0 [sflag:s8], $0x0  }
0x24: {  	s3 =	sadd.s32 $0x88, s3;
	s6 =	simm.s32 @!p1 $0x1082;
	[sflag:s4] =	ssyncset.s32 $0xFFFFF086  }
0x25: {  	[simem:s6], [sflag:s4] =	dma.local [hbm:s3], $0xF7A  }
0x26: {  	[smem:$0x3F98] =	sst s1;
	(tag) =	ssettag s2;
	_ =	strace s9  }
0x27: {  	s1 =	sld [smem:$0x3FA8]  }
0x28: {  	s2 =	sld [smem:$0x3FA9]  }
0x29: {  	s4 =	sld [smem:$0x3FAB]  }
0x2a: {  	p0 =	seq.s32 s5, $0x0;
	s5 =	sld [smem:$0x3FAC]  }
0x2b: {  	s6 =	sld [smem:$0x3FAD]  }
0x2c: {  	s7 =	sld [smem:$0x3FAE]  }
0x2d: {  	s3 =	simm.s32 $0x108;
	s8 =	sld [smem:$0x3FAF]  }
0x2e: {  	s3 =	simm.s32 @!p0 $0x1082;
	s9 =	sld [smem:$0x3FB0]  }
0x2f: {  	lr =	sadd.s32 s0, s3;
	s0 =	sld [smem:$0x3FA7]  }
0x30: {  	s3 =	sld [smem:$0x3FAA]  }
0x31: {  	[smem:$0x3FB3] =	sst s10  }
0x32: {  	s10 =	sld [smem:$0x3FB1];
	_ =	sdelay $0x3  }
0x33: {  	p0 =	seq.s32 s10, $0x1;
	s10 =	sld [smem:$0x3FB3];
	_ =	sdelay $0x3  }
0x34: {  	[smem:$0x3FB3] =	sst s10  }
0x35: {  	s10 =	sld [smem:$0x3FB2];
	_ =	sdelay $0x3  }
0x36: {  	p1 =	seq.s32 s10, $0x1;
	s10 =	sld [smem:$0x3FB3];
	_ =	sdelay $0x3  }
0x37: {  	[smem:$0x3FB3] =	sst s10  }
0x38: {  	s10 =	sld [smem:$0x3FB4]  }
0x39: {  	_ = 	snop;
	(pc) =	sbr.ind lr, $3  }
0x3a: {  	_ = 	snop  }
0x3b: {  	_ = 	snop  }
0x3c: {  	p2 =	seq.s32 s10, $0x1;
	s10 =	sld [smem:$0x3FB3]  }
0x3d: {  	_ =	shalt  }
0x3e: {  	_ =	shalt  }
0x3f: {  	_ =	shalt  }
0x40: {  	_ =	shalt  }
0x41: {  	_ =	shalt  }
0x42: {  	_ =	shalt  }
0x43: {  	_ =	shalt  }
0x44: {  	_ =	shalt  }
0x45: {  	_ =	shalt  }
0x46: {  	_ =	shalt  }
0x47: {  	_ =	shalt  }
0x48: {  	_ =	shalt  }
0x49: {  	_ =	shalt  }
0x4a: {  	_ =	shalt  }
0x4b: {  	_ =	shalt  }
0x4c: {  	_ =	shalt  }
0x4d: {  	_ =	shalt  }
0x4e: {  	_ =	shalt  }
0x4f: {  	_ =	shalt  }
0x50: {  	_ =	shalt  }
0x51: {  	_ =	shalt  }
0x52: {  	_ =	shalt  }
0x53: {  	_ =	shalt  }
0x54: {  	_ =	shalt  }
0x55: {  	_ =	shalt  }
0x56: {  	_ =	shalt  }
0x57: {  	_ =	shalt  }
0x58: {  	_ =	shalt  }
0x59: {  	_ =	shalt  }
0x5a: {  	_ =	shalt  }
0x5b: {  	_ =	shalt  }
0x5c: {  	_ =	shalt  }
0x5d: {  	_ =	shalt  }
0x5e: {  	_ =	shalt  }
0x5f: {  	_ =	shalt  }
0x60: {  	_ =	shalt  }
0x61: {  	_ =	shalt  }
0x62: {  	_ =	shalt  }
0x63: {  	_ =	shalt  }
0x64: {  	_ =	shalt  }
0x65: {  	_ =	shalt  }
0x66: {  	_ =	shalt  }
0x67: {  	_ =	shalt  }
0x68: {  	_ =	shalt  }
0x69: {  	_ =	shalt  }
0x6a: {  	_ =	shalt  }
0x6b: {  	_ =	shalt  }
0x6c: {  	_ =	shalt  }
0x6d: {  	_ =	shalt  }
0x6e: {  	_ =	shalt  }
0x6f: {  	_ =	shalt  }
0x70: {  	_ =	shalt  }
0x71: {  	_ =	shalt  }
0x72: {  	_ =	shalt  }
0x73: {  	_ =	shalt  }
0x74: {  	_ =	shalt  }
0x75: {  	_ =	shalt  }
0x76: {  	_ =	shalt  }
0x77: {  	_ =	shalt  }
0x78: {  	_ =	shalt  }
0x79: {  	_ =	shalt  }
0x7a: {  	_ =	shalt  }
0x7b: {  	_ =	shalt  }
0x7c: {  	_ =	shalt  }
0x7d: {  	_ =	shalt  }
0x7e: {  	_ =	shalt  }
0x7f: {  	_ =	shalt  }
0x80: {  	_ =	shalt  }
0x81: {  	_ =	shalt  }
0x82: {  	_ =	shalt  }
0x83: {  	_ =	shalt  }
0x84: {  	_ =	shalt  }
0x85: {  	_ =	shalt  }
0x86: {  	_ =	shalt  }
0x87: {  	_ =	shalt  }
.Lfunc_end0:
.L_simem_size_0:
called_computation_lowered:
.L_overlay_start_0:
0x88: {  	s2 =	sld [smem:$0x3FD9]  }
0x89: {  	s3 =	sld [smem:$0x3FFE];
	_ =	sdelay $0x1  }
0x8a: {  	s1 =	srdreg.scid  }
0x8b: {  	s0 =	sand.u32 $0x1, s1  }
0x8c: {  	s17 =	sshll.u32 s0, $0xA;
	s2 =	sadd.s32 s3, s2  }
0x8d: {  	s2 =	sadd.s32 s2, s17  }
0x8e: {  	[smem:$0x3FBF] =	sst s2  }
0x8f: {  	_ = 	snop  }
0x90: {  	s2 =	sld [smem:$0x3FD0];
	(tm) =	ssettm $0x1  }
0x91: {  	s18 =	sld [smem:$0x3FFB];
	_ =	sdelay $0x3  }
0x92: {  	_ =	strace s18  }
0x93: {  	s3 =	sld [smem:$0x3FFC];
	_ =	sdelay $0x3  }
0x94: {  	_ =	strace s3  }
0x95: {  	s3 =	sld [smem:$0x3FFD];
	_ =	sdelay $0x3  }
0x96: {  	_ =	strace s3  }
0x97: {  	_ =	strace $0x8FFFFFFF  }
0x98: {  	s19 =	sld [smem:$0x3FDB];
	_ =	sdelay $0x1  }
0x99: {  	s4 =	simm.s32 $_scs_section_size  }
0x9a: {  	s5 =	simm.s32 $_size__tile_overlayer_lowered;
	s6 =	simm.s32 $_tile_overlayer_lowered  }
0x9b: {  	s22 =	simm.s32 $0x1BFF;
	s21 =	sshll.u32 s6, $0x1;
	s3 =	sadd.s32 s4, s19  }
0x9c: {  	s7 =	simm.s32 $0x0;
	s20 =	sshll.u32 s5, $0x1;
	s5 =	sadd.s32 s21, s3  }
0x9d: {  	[timem:s7], [sflag:s22] =	dma.local [hbm:s5], s20  }
0x9e: {  	_ =	swait.ge [sflag:s22], s20  }
0x9f: {  	s4 =	ssub.s32 $0x0, s20;
	[sflag:s22] =	ssyncset.done $0x0  }
0xa0: {  	[sflag:s22] =	ssyncadd.s32 s4;
	_ =	sdelay $0x1  }
0xa1: {  	s23 =	simm.s32 $0x1B8B  }
0xa2: {  	_ =	swait.ge [sflag:s23], $0x1  }
0xa3: {  	[sflag:s23] =	ssyncset.done $0x0  }
0xa4: {  	s25 =	simm.s32 $0x1B8E;
	s24 =	sld [smem:$0x3FFE];
	[sflag:s23] =	ssyncadd.s32 $0xFFFFFFFF  }
0xa5: {  	s26 =	simm.s32 $execute0_lowered;
	[smem:$0x3FD2] =	sst s25  }
0xa6: {  	s5 =	sshll.u32 s26, $0x1;
	_ =	strace $0x80000046;
	[dreg:$0x1] =	wrdreg $0xFFFFFFFF  }
0xa7: {  	s28 =	simm.s32 $_size_execute0_lowered;
	s3 =	sadd.s32 s3, s5;
	[dreg:$0x0] =	wrdreg $0x0  }
0xa8: {  	s5 =	sshll.u32 s28, $0x1;
	[dreg:$0x2] =	wrdreg s3  }
0xa9: {  	[dreg:$0x3] =	wrdreg s5  }
0xaa: {  	[dreg:$0x4] =	wrdreg $0xC0  }
0xab: {  	_ =	task [dreg:s7], $0x5FFFF  }
0xac: {  	[dreg:$0x1] =	wrdreg $0xFFFFFFFF  }
0xad: {  	[dreg:$0x0] =	wrdreg $0x60  }
0xae: {  	[dreg:$0x2] =	wrdreg s2  }
0xaf: {  	[dreg:$0x3] =	wrdreg s24  }
0xb0: {  	[dreg:$0x4] =	wrdreg $0x9  }
0xb1: {  	_ =	task.clear_ibuf [dreg:s7], $0x5FFFF;
	_ =	strace $0x90000046  }
0xb2: {  	s29 =	simm.s32 $0x9;
	_ =	strace $0x8000004F  }
0xb3: {  	_ =	swait.ge [sflag:s29], $0x1  }
0xb4: {  	[sflag:s29] =	ssyncadd.s32 $0xFFFFFFFF  }
0xb5: {  	_ =	strace $0x9000004F  }
0xb6: {  	_ =	sfence  }
0xb7: {  	s30 =	sld [smem:$0x0];
	_ =	sdelay $0x2  }
0xb8: {  	s31 =	sshll.u32 s1, $0xD;
	s1 =	sshrl.u32 s1, $0x2  }
0xb9: {  	s3 =	sand.u32 $0x4000, s31;
	s1 =	sadd.s32 s1, s30  }
0xba: {  	s0 =	sor.u32 s3, s0;
	s1 =	sshll.u32 s1, $0x11  }
0xbb: {  	s0 =	sor.u32 s1, s0  }
0xbc: {  	s0 =	sadd.s32 $0x8F2B, s0  }
0xbd: {  	[sflag:s0] =	ssyncadd.remote.s32 $0x1  }
0xbe: {  	_ =	sfence.sel $0xFFFF  }
0xbf: {  	[dreg:$0x0] =	wrdreg $0xFFFFFFFF;
	(pc) =	sbr.abs _section_cstart, $3  }
0xc0: {  	[dreg:$0x1] =	wrdreg $0xFFFFFFFF  }
0xc1: {  	_ =	task.clear_ibuf [dreg:s7], $0x2FFFF;
	_ =	strace $0x9FFFFFFF  }
0xc2: {  	(tm) =	ssettm $0x7FFFFFFF  }
0xc3: {  	_ =	shalt  }
tec
execute0_lowered:
.L_overlay_start_1:
0x0: {  	(tag) =	ssettag $0x1  }
0x1: {  	s0 =	rddreg [dreg:$0x0]  }
0x2: {  	s4 =	rddreg [dreg:$0x1]  }
0x3: {  	s1 =	simm.s32 $0x0;
	[dreg:$0x3] =	wrdreg s0  }
0x4: {  	s2 =	srdreg.scid;
	s8 =	simm.s32 $0x80;
	s0 =	rddreg [dreg:$0x2]  }
0x5: {  	s9 =	simm.s32 $0x4;
	s10 =	simm.s32 $0x0;
	[smem:$0x7FF] =	sst s1  }
0x6: {  	s3 =	sadd.s32 $0x8400, s4;
	s5 =	sand.u32 $0x1, s2;
	s4 =	sadd.s32 $0x10400, s4  }
0x7: {  	s2 =	stileid.u32;
	_ =	strace $0x80000047;
	[dreg:$0x5] =	wrdreg s4  }
0x8: {  	s6 =	ssub.s32 $0x2, s5;
	s5 =	sshll.u32 s5, $0x4;
	[dreg:$0x4] =	wrdreg s8  }
0x9: {  	s8 =	simm.s32 $0x5;
	s7 =	sshrl.u32 s6, $0x1;
	s5 =	sor.u32 s2, s5  }
0xa: {  	s6 =	ssub.s32 s6, s7;
	s31 =	sshll.u32 s5, $0x9;
	s4 =	sshll.u32 s5, $0x5  }
0xb: {  	s7 =	simm.s32 $0x1;
	s5 =	sadd.s32 s3, s31;
	s6 =	smax.u32 s6, $0x1  }
.LBB2_1:
0xc: {  	_ =	strace $0x80000048;
	s11 =	simm.s32 $0x1;
	p0 =	por $0x0, $0x0  }
0xd: {  	[tilespmem:s1], [sflag:$0x1] =	stream.linear.gather [hbm4b:s5+s1], $0x80, $0x200038;
	[tilespmem:$0x8100] =	vst v63  }
0xe: {  	s11 =	simm.s32 @p0 $0x0  }
0xf: {  	p4 =	por $0x1, $0x1;
	s20 =	sand.u32 $0x1, s1;
	p1 =	sne.s32 s11, $0x0  }
0x10: {  	p2 =	por $0x1, $0x1;
	s18 =	simm.s32 $0x1E;
	p0 =	por !p4, !p1  }
0x11: {  	s16 =	simm.s32 $0x0;
	p5 =	por $0x0, $0x0;
	p0 =	por !p0, !p0  }
0x12: {  	s23 =	sadd.s32 $0x0, s4;
	s30 =	sadd.s32 $0x1, s20;
	s12 =	sadd.s32 @p0 s4, s11  }
0x13: {  	_ =	strace $0x90000048;
	s13 =	sand.u32 @p0 $0x1, s7;
	s12 =	sshll.u32 @p0 s12, $0x4  }
0x14: {  	_ =	strace @p0 $0x80000049;
	s15 =	simm.s32 @p0 $0x0;
	s12 =	sand.u32 @p0 $0x1FFFFFF0, s12  }
0x15: {  	s14 =	sshll.u32 @p0 s13, $0x7;
	s13 =	sadd.s32 @p0 $0x1, s13;
	s12 =	sadd.s32 @p0 s3, s12  }
0x16: {  	[tilespmem:s14], [sflag:s13] =	stream.linear.gather @p0 [hbm4b:s12+s15], $0x80, $0x200038;
	[tilespmem:$0x8100] =	vst v63  }
0x17: {  	p3 =	por p2, p2;
	s21 =	sshll.u32 s20, $0xE;
	_ =	strace @p0 $0x90000049  }
0x18: {  	s16 =	sand.u32 $0x80, s16;
	p2 =	por p5, p5;
	_ =	strace $0x8000004A  }
0x19: {  	s17 =	sadd.s32 $0x1, s11;
	s22 =	sor.u32 $0x100, s21;
	_ =	swait.ge [sflag:s30], $0x80  }
0x1a: {  	s21 =	simm.s32 $0x1;
	p6 =	por p1, p1;
	[sflag:s30] =	ssyncset.done $0x0  }
0x1b: {  	p1 =	por p3, p3;
	p4 =	por $0x1, $0x1;
	[sflag:s30] =	ssyncadd.s32 $0xFFFFFF80  }
0x1c: {  	s12 =	simm.s32 $0x1F;
	s15 =	sand.u32 @!p3 $0x1, s1;
	_ =	strace $0x9000004A  }
0x1d: {  	s13 =	simm.s32 $0x1;
	p3 =	seq.s32 s17, $0x20;
	_ =	strace $0x8000004B  }
0x1e: {  	s13 =	simm.s32 @!p0 $0x0;
	s17 =	simm.s32 @p3 $0x0;
	s19 =	rddreg [dreg:$0x4]  }
0x1f: {  	p0 =	por $0x0, $0x0;
	s14 =	sadd.s32 $0x1, s13;
	s31 =	rddreg [dreg:$0x3]  }
0x20: {  	[tilespmem:s22], [sflag:$0x5] =	stream.indirect.gather [hbm4b:s31+s19], $0x80, s16, s19, $0x2000b8;
	[tilespmem:$0x8100] =	vst v63  }
0x21: {  	p3 =	sne.s32 s11, s17;
	s21 =	simm.s32 @!p0 $0x0;
	_ =	swait.ge [sflag:s8], $0x4000  }
0x22: {  	p5 =	por !p4, !p3;
	p4 =	por $0x0, $0x0;
	[sflag:s8] =	ssyncset.done $0x0  }
0x23: {  	s13 =	simm.s32 $0x0;
	p6 =	por p4, p6;
	[sflag:s8] =	ssyncadd.s32 $0xFFFFC000  }
0x24: {  	s16 =	simm.s32 $0x0;
	s19 =	simm.s32 $0x0;
	_ =	strace $0x9000004B  }
.LBB2_2:
0x25: {  	_ =	strace @p6 $0x8000004C;
	s13 =	sadd.s32 s21, s13;
	s21 =	smov.u32 s12  }
0x26: {  	s12 =	smov.u32 s18;
	s18 =	sadd.s32 $0xFFFFFFFF, s18;
	p0 =	por p3, p3  }
0x27: {  	s28 =	sshll.u32 @p6 s23, $0xB;
	s20 =	sadd.s32 @p6 $0x3, s20;
	s24 =	simm.s32 @!p0 $0x0  }
0x28: {  	s25 =	rddreg [dreg:$0x5];
	s28 =	sand.u32 @p6 $0x1FFFF800, s28;
	s24 =	simm.s32 @p0 $0x1  }
0x29: {  	s25 =	sadd.s32 @p6 s25, s28;
	s28 =	simm.s32 @p6 $0x0;
	p0 =	sne.s32 s18, $0x0  }
0x2a: {  	[hbm4b:s25+s28] =	stream.linear.scatter @p6 [tilespmem:s22], [sflag:s20], $0x4000, $0x200038;
	[tilespmem:$0x8100] =	vst v63  }
0x2b: {  	s20 =	sadd.s32 @!p1 $0x3, s15;
	s15 =	simm.s32 @!p0 $0x0  }
0x2c: {  	s26 =	simm.s32 $0x1;
	[smem:$0x7FC] =	sst s24;
	s15 =	simm.s32 @p0 $0x1  }
0x2d: {  	s26 =	simm.s32 @!p6 $0x0;
	_ =	strace @p6 $0x9000004C;
	[smem:$0x7FD] =	sst s15  }
0x2e: {  	p5 =	por !p5, !p5;
	s19 =	sadd.s32 s26, s19;
	_ =	strace @!p1 $0x8000004D  }
0x2f: {  	s24 =	sand.u32 @!p2 $0x1, s13;
	s22 =	sand.u32 @p5 $0x1, s14;
	_ =	swait.ge @!p1 [sflag:s20], $0x4000  }
0x30: {  	s15 =	smov.u32 s24;
	s24 =	sadd.s32 @p5 s4, s17;
	[sflag:s20] =	ssyncset.done @!p1 $0x0  }
0x31: {  	s25 =	sshll.u32 @p5 s22, $0x7;
	s24 =	sshll.u32 @p5 s24, $0x4;
	[sflag:s20] =	ssyncadd.s32 @!p1 $0xFFFFC000  }
0x32: {  	s20 =	sadd.s32 @p5 $0x1, s22;
	s22 =	sand.u32 @p5 $0x1FFFFFF0, s24;
	_ =	strace @!p1 $0x9000004D  }
0x33: {  	s24 =	simm.s32 @p5 $0x0;
	s22 =	sadd.s32 @p5 s3, s22;
	_ =	strace @p5 $0x80000049  }
0x34: {  	[tilespmem:s25], [sflag:s20] =	stream.linear.gather @p5 [hbm4b:s22+s24], $0x80, $0x200038;
	[tilespmem:$0x8100] =	vst v63  }
0x35: {  	s16 =	sadd.s32 s26, s16;
	s26 =	sand.u32 $0x1, s19;
	_ =	strace @p5 $0x90000049  }
0x36: {  	s24 =	sadd.s32 $0x1, s26;
	_ =	strace $0x8000004A  }
0x37: {  	_ =	swait.ge [sflag:s24], $0x80  }
0x38: {  	[sflag:s24] =	ssyncset.done $0x0  }
0x39: {  	s20 =	simm.s32 $0x1;
	[sflag:s24] =	ssyncadd.s32 $0xFFFFFF80  }
0x3a: {  	s20 =	simm.s32 @!p5 $0x0;
	_ =	strace $0x9000004A  }
0x3b: {  	s14 =	sadd.s32 s20, s14;
	s20 =	sand.u32 $0x1, s16;
	_ =	strace $0x8000004B  }
0x3c: {  	s29 =	sshll.u32 s19, $0x7;
	s25 =	sshll.u32 s20, $0xE;
	s26 =	rddreg [dreg:$0x4]  }
0x3d: {  	s29 =	sand.u32 $0x80, s29;
	s22 =	sor.u32 $0x100, s25;
	s30 =	rddreg [dreg:$0x3]  }
0x3e: {  	[tilespmem:s22], [sflag:$0x5] =	stream.indirect.gather [hbm4b:s30+s26], $0x80, s29, s26, $0x2000b8;
	[tilespmem:$0x8100] =	vst v63  }
0x3f: {  	_ =	swait.ge [sflag:s8], $0x4000  }
0x40: {  	s31 =	sadd.s32 $0x1, s17;
	[sflag:s8] =	ssyncset.done $0x0  }
0x41: {  	s23 =	sadd.s32 s4, s11;
	s11 =	smov.u32 s17;
	[sflag:s8] =	ssyncadd.s32 $0xFFFFC000  }
0x42: {  	p3 =	seq.s32 s31, $0x20;
	s17 =	smov.u32 s31;
	_ =	strace $0x9000004B  }
0x43: {  	s17 =	simm.s32 @p3 $0x0;
	s31 =	sld [smem:$0x7FD]  }
0x44: {  	p6 =	sne.s32 s12, $0x1;
	p0 =	sne.s32 s21, $0x20;
	p3 =	sne.s32 s11, s17  }
0x45: {  	p5 =	por !p6, !p3;
	p6 =	seq.s32 s21, $0x1;
	s21 =	simm.s32 $0x1  }
0x46: {  	s21 =	simm.s32 @!p0 $0x0;
	p0 =	seq.s32 s31, $0x1  }
.Ltmp0:
0x47: {  	s30 =	sld [smem:$0x7FC];
	(pc) =	sbr.rel @p0 .LBB2_2-.Ltmp0, $4  }
0x48: {  	_ = 	snop  }
0x49: {  	p4 =	seq.s32 s12, $0x20  }
0x4a: {  	p1 =	por p2, p2;
	p2 =	por p4, p4;
	p4 =	seq.s32 s30, $0x1  }
0x4b: {  	p6 =	por p6, p4  }
0x4c: {  	_ =	strace @p6 $0x8000004C;
	s23 =	sshll.u32 @p6 s23, $0xB  }
0x4d: {  	s18 =	rddreg [dreg:$0x5];
	s23 =	sand.u32 @p6 $0x1FFFF800, s23  }
0x4e: {  	s20 =	sadd.s32 @p6 $0x3, s20;
	s18 =	sadd.s32 @p6 s18, s23;
	s23 =	simm.s32 @p6 $0x0  }
0x4f: {  	[hbm4b:s18+s23] =	stream.linear.scatter @p6 [tilespmem:s22], [sflag:s20], $0x4000, $0x200038;
	[tilespmem:$0x8100] =	vst v63  }
0x50: {  	p0 =	por !p5, !p5;
	_ =	strace @p6 $0x9000004C  }
0x51: {  	s15 =	sadd.s32 @!p1 $0x3, s15;
	s17 =	sadd.s32 @p0 s4, s17;
	_ =	strace @!p1 $0x8000004D  }
0x52: {  	s14 =	sand.u32 @p0 $0x1, s14;
	s17 =	sshll.u32 @p0 s17, $0x4;
	_ =	swait.ge @!p1 [sflag:s15], $0x4000  }
0x53: {  	s18 =	simm.s32 $0x1;
	s20 =	sshll.u32 @p0 s14, $0x7;
	[sflag:s15] =	ssyncset.done @!p1 $0x0  }
0x54: {  	s14 =	sadd.s32 @p0 $0x1, s14;
	s18 =	simm.s32 @!p6 $0x0;
	[sflag:s15] =	ssyncadd.s32 @!p1 $0xFFFFC000  }
0x55: {  	s19 =	sadd.s32 s18, s19;
	s15 =	sand.u32 @p0 $0x1FFFFFF0, s17;
	_ =	strace @!p1 $0x9000004D  }
0x56: {  	s17 =	simm.s32 @p0 $0x0;
	s15 =	sadd.s32 @p0 s3, s15;
	_ =	strace @p0 $0x80000049  }
0x57: {  	[tilespmem:s20], [sflag:s14] =	stream.linear.gather @p0 [hbm4b:s15+s17], $0x80, $0x200038;
	[tilespmem:$0x8100] =	vst v63  }
0x58: {  	s25 =	sand.u32 $0x1, s19;
	_ =	strace @p0 $0x90000049  }
0x59: {  	s14 =	sadd.s32 $0x1, s25;
	_ =	strace $0x8000004A  }
0x5a: {  	_ =	swait.ge [sflag:s14], $0x80  }
0x5b: {  	[sflag:s14] =	ssyncset.done $0x0  }
0x5c: {  	[sflag:s14] =	ssyncadd.s32 $0xFFFFFF80  }
0x5d: {  	s26 =	sadd.s32 s18, s16;
	_ =	strace $0x9000004A  }
0x5e: {  	s14 =	sand.u32 $0x1, s26;
	_ =	strace $0x8000004B  }
0x5f: {  	s30 =	sshll.u32 s19, $0x7;
	s31 =	sshll.u32 s14, $0xE;
	s28 =	rddreg [dreg:$0x4]  }
0x60: {  	s17 =	sand.u32 $0x80, s30;
	s18 =	sor.u32 $0x100, s31;
	s29 =	rddreg [dreg:$0x3]  }
0x61: {  	[tilespmem:s18], [sflag:$0x5] =	stream.indirect.gather [hbm4b:s29+s28], $0x80, s17, s28, $0x2000b8;
	[tilespmem:$0x8100] =	vst v63  }
0x62: {  	_ =	swait.ge [sflag:s8], $0x4000  }
0x63: {  	[sflag:s8] =	ssyncset.done $0x0  }
0x64: {  	p5 =	por p3, p3;
	p6 =	seq.s32 s12, $0x1;
	[sflag:s8] =	ssyncadd.s32 $0xFFFFC000  }
0x65: {  	s11 =	sadd.s32 s4, s11;
	p0 =	por p6, p5;
	_ =	strace $0x9000004B  }
0x66: {  	s11 =	sshll.u32 @p0 s11, $0xB;
	_ =	strace @p0 $0x8000004C  }
0x67: {  	s13 =	sadd.s32 s21, s13;
	s11 =	sand.u32 @p0 $0x1FFFF800, s11;
	s12 =	rddreg [dreg:$0x5]  }
0x68: {  	s14 =	sadd.s32 @p0 $0x3, s14;
	s11 =	sadd.s32 @p0 s12, s11;
	s12 =	simm.s32 @p0 $0x0  }
0x69: {  	[hbm4b:s11+s12] =	stream.linear.scatter @p0 [tilespmem:s18], [sflag:s14], $0x4000, $0x200038;
	[tilespmem:$0x8100] =	vst v63  }
0x6a: {  	p1 =	por p2, p2;
	s11 =	sand.u32 @!p2 $0x1, s13;
	_ =	strace @p0 $0x9000004C  }
0x6b: {  	s11 =	sadd.s32 @!p1 $0x3, s11;
	_ =	strace @!p1 $0x8000004D  }
0x6c: {  	_ =	swait.ge @!p1 [sflag:s11], $0x4000  }
0x6d: {  	[sflag:s11] =	ssyncset.done @!p1 $0x0  }
0x6e: {  	s10 =	sadd.s32 $0x1, s10;
	[sflag:s11] =	ssyncadd.s32 @!p1 $0xFFFFC000  }
0x6f: {  	p0 =	sne.s32 s10, s6;
	_ =	strace @!p1 $0x9000004D  }
.Ltmp1:
0x70: {  	_ =	strace $0x8000004E;
	(pc) =	sbr.rel @p0 .LBB2_1-.Ltmp1, $4  }
0x71: {  	_ =	swait.ge [sflag:s9], $0x4000  }
0x72: {  	[sflag:s9] =	ssyncset.done $0x0  }
0x73: {  	[sflag:s9] =	ssyncadd.s32 $0xFFFFC000  }
0x74: {  	_ =	strace $0x9000004E  }
0x75: {  	_ =	sfence.sel $0x180000  }
0x76: {  	[bflag:$0x0] =	sbarrier.arrive $0xFFFF  }
0x77: {  	p0 =	sne.s32 s2, $0x0;
	_ =	strace $0x90000047  }
0x78: {  	s0 =	sadd.s32 @!p0 $0x100000, s0;
	[bflag:$0x2] =	sbarrier.arrive $0xFFFF  }
0x79: {  	[sflag:s0] =	ssyncadd.tile.s32 @!p0 $0x1;
	_ =	shalt  }
.Lfunc_end2:
_tile_overlayer_lowered:
.L_overlay_start_2:
0x7a: {  	(tag) =	ssettag $0x2  }
0x7b: {  	s0 =	rddreg [dreg:$0x0];
	s2 =	stileid.u32  }
0x7c: {  	s1 =	rddreg [dreg:$0x1];
	p0 =	sne.s32 s2, $0x0  }
0x7d: {  	s3 =	rddreg [dreg:$0x2];
	[bflag:$0x3] =	sbarrier.arrive $0xFFFF;
	s2 =	simm.s32 @!p0 $0x1C01  }
0x7e: {  	[timem:s3], [sflag:s2] =	dma.local @!p0 [hbm:s0], s1  }
0x7f: {  	s0 =	simm.s32 @!p0 $0x1  }
0x80: {  	_ =	swait.ge @!p0 [sflag:s0], s1  }
0x81: {  	s1 =	ssub.s32 @!p0 $0x0, s1;
	[sflag:s0] =	ssyncset.done @!p0 $0x0  }
0x82: {  	[sflag:s0] =	ssyncadd.s32 @!p0 s1  }
0x83: {  	[bflag:$0x3] =	sbarrier.arrive $0xFFFF  }
0x84: {  	_ =	shalt  }

</sc_bundles>
